<compile_context>
chip_gen: v7x
topology: tpu7x:2x2x1
jax: 0.10.2.dev20260603
libtpu: 0.0.44.dev20260713+nightly
codegen_flags: <defaults>
</compile_context>

<pallas_src>
import functools

import jax
import jax.numpy as jnp
from jax import lax
from jax.experimental import pallas as pl
from jax.experimental.pallas import tpu as pltpu
from jax.experimental.pallas import tpu_sc as plsc

NC = 2
NS = 16
LANES = 16
CHUNK = 128


def _sc_degree(dst_deg, ones_in, zrows, n, nacc, nchw, width):
    rowz = nacc // NS
    mesh = plsc.VectorSubcoreMesh(core_axis_name="c", subcore_axis_name="s")

    @functools.partial(
        pl.kernel,
        mesh=mesh,
        out_type=jax.ShapeDtypeStruct((NC, nacc, width), jnp.float32),
        scratch_types=[
            pltpu.VMEM((nchw, CHUNK), jnp.int32),
            pltpu.VMEM((CHUNK, width), jnp.float32),
            pltpu.VMEM_SHARED((nacc, width), jnp.float32),
        ],
    )
    def degk(dst_hbm, ones_hbm, zrows_hbm, out_hbm, dstv, onesv, acc):
        c = lax.axis_index("c")
        s = lax.axis_index("s")
        w = s * NC + c
        pltpu.sync_copy(zrows_hbm, acc.at[pl.ds(s * rowz, rowz)])
        pltpu.sync_copy(dst_hbm.at[w], dstv)
        pltpu.sync_copy(ones_hbm, onesv)
        plsc.subcore_barrier()

        def body(j, carry):
            pltpu.sync_copy(onesv, acc.at[dstv.at[j]], add=True)
            return carry

        lax.fori_loop(0, nchw, body, 0)
        plsc.subcore_barrier()
        pltpu.sync_copy(acc.at[pl.ds(s * rowz, rowz)],
                        out_hbm.at[c, pl.ds(s * rowz, rowz)])

    return degk(dst_deg, ones_in, zrows)


def _sc_aggregate(z_flat, src_idx, dst_main, zrows, n, half, nacc, nch):
    rowz = nacc // NS
    mesh = plsc.VectorSubcoreMesh(core_axis_name="c", subcore_axis_name="s")

    nch2 = nch // 2

    @functools.partial(
        pl.kernel,
        mesh=mesh,
        out_type=jax.ShapeDtypeStruct((NC * nacc, half), jnp.float32),
        scratch_types=[
            pltpu.VMEM((nch2, CHUNK), jnp.int32),
            pltpu.VMEM((nch2, CHUNK), jnp.int32),
            pltpu.VMEM((CHUNK, half), jnp.float32),
            pltpu.VMEM((CHUNK, half), jnp.float32),
            pltpu.VMEM_SHARED((nacc, half), jnp.float32),
            pltpu.SemaphoreType.DMA,
            pltpu.SemaphoreType.DMA,
            pltpu.SemaphoreType.DMA,
            pltpu.SemaphoreType.DMA,
        ],
    )
    def aggk(z_hbm, src_hbm, dst_hbm, zrows_hbm, out_hbm,
             srcv, dstv, gbuf0, gbuf1, acc, g0, g1, s0, s1):
        c = lax.axis_index("c")
        s = lax.axis_index("s")
        pltpu.sync_copy(zrows_hbm, acc.at[pl.ds(s * rowz, rowz)])
        plsc.subcore_barrier()

        for p in range(2):
            pltpu.sync_copy(src_hbm.at[c, s, pl.ds(p * nch2, nch2)], srcv)
            pltpu.sync_copy(dst_hbm.at[s, pl.ds(p * nch2, nch2)], dstv)
            pltpu.async_copy(z_hbm.at[srcv.at[0]], gbuf0, g0)

            def body(i, carry):
                j = 2 * i
                pltpu.async_copy(z_hbm.at[srcv.at[j + 1]], gbuf1, g1)
                pltpu.make_async_copy(z_hbm.at[srcv.at[j]], gbuf0, g0).wait()
                pltpu.sync_copy(gbuf0, acc.at[dstv.at[j]], add=True)
                jn = jnp.minimum(j + 2, nch2 - 1)
                pltpu.async_copy(z_hbm.at[srcv.at[jn]], gbuf0, g0)
                pltpu.make_async_copy(z_hbm.at[srcv.at[j + 1]], gbuf1, g1).wait()
                pltpu.sync_copy(gbuf1, acc.at[dstv.at[j + 1]], add=True)
                return carry

            lax.fori_loop(0, nch2 // 2, body, 0)
            pltpu.make_async_copy(z_hbm.at[srcv.at[0]], gbuf0, g0).wait()
        plsc.subcore_barrier()
        pltpu.sync_copy(acc.at[pl.ds(s * rowz, rowz)],
                        out_hbm.at[pl.ds(c * nacc + s * rowz, rowz)])

    return aggk(z_flat, src_idx, dst_main, zrows)


RBLK = 2000


def _mm(a, b):
    return jnp.dot(a, b, preferred_element_type=jnp.float32,
                   precision=lax.Precision.HIGHEST)


def _tc_first(x, w_split, degp, n, half):

    def body(x_ref, w_ref, degp_ref, z_ref, dinv_ref):
        deg = degp_ref[0, :, 0:1] + degp_ref[1, :, 0:1] + 1.0
        dinv = lax.rsqrt(deg)
        dinv_ref[...] = dinv
        xv = x_ref[...]
        for c in range(NC):
            y = _mm(xv[:, :half], w_ref[0, :, c * half:(c + 1) * half])
            y += _mm(xv[:, half:], w_ref[1, :, c * half:(c + 1) * half])
            z_ref[c] = dinv * y

    return pl.pallas_call(
        body,
        grid=(n // RBLK,),
        in_specs=[
            pl.BlockSpec((RBLK, 2 * half), lambda i: (i, 0)),
            pl.BlockSpec((NC, half, 2 * half), lambda i: (0, 0, 0)),
            pl.BlockSpec((NC, RBLK, half), lambda i: (0, i, 0)),
        ],
        out_specs=[
            pl.BlockSpec((NC, RBLK, half), lambda i: (0, i, 0)),
            pl.BlockSpec((RBLK, 1), lambda i: (i, 0)),
        ],
        out_shape=[jax.ShapeDtypeStruct((NC, n, half), jnp.float32),
                   jax.ShapeDtypeStruct((n, 1), jnp.float32)],
    )(x, w_split, degp)


def _tc_mid(aggp, zp, dinv, b_split, w_split, n, half):

    def body(aggp_ref, zp_ref, dinv_ref, b_ref, w_ref, zout_ref):
        dinv = dinv_ref[...]
        h0 = jnp.maximum(dinv * (aggp_ref[0] + zp_ref[0]) + b_ref[0], 0.0)
        h1 = jnp.maximum(dinv * (aggp_ref[1] + zp_ref[1]) + b_ref[1], 0.0)
        for c in range(NC):
            y = _mm(h0, w_ref[0, :, c * half:(c + 1) * half])
            y += _mm(h1, w_ref[1, :, c * half:(c + 1) * half])
            zout_ref[c] = dinv * y

    return pl.pallas_call(
        body,
        grid=(n // RBLK,),
        in_specs=[
            pl.BlockSpec((NC, RBLK, half), lambda i: (0, i, 0)),
            pl.BlockSpec((NC, RBLK, half), lambda i: (0, i, 0)),
            pl.BlockSpec((RBLK, 1), lambda i: (i, 0)),
            pl.BlockSpec((NC, 1, half), lambda i: (0, 0, 0)),
            pl.BlockSpec((NC, half, 2 * half), lambda i: (0, 0, 0)),
        ],
        out_specs=pl.BlockSpec((NC, RBLK, half), lambda i: (0, i, 0)),
        out_shape=jax.ShapeDtypeStruct((NC, n, half), jnp.float32),
    )(aggp, zp, dinv, b_split, w_split)


def _tc_final(aggp, zp, dinv, b_split, wfc_split, bfc, n, half, out_d):

    def body(aggp_ref, zp_ref, dinv_ref, b_ref, wfc_ref, bfc_ref,
             emb_ref, logits_ref):
        i = pl.program_id(0)
        dinv = dinv_ref[...]
        e0 = jnp.maximum(dinv * (aggp_ref[0] + zp_ref[0]) + b_ref[0], 0.0)
        e1 = jnp.maximum(dinv * (aggp_ref[1] + zp_ref[1]) + b_ref[1], 0.0)
        emb_ref[:, 0:half] = e0
        emb_ref[:, half:2 * half] = e1
        inv_n = 1.0 / float(n)
        p0 = jnp.sum(e0, axis=0, keepdims=True) * inv_n
        p1 = jnp.sum(e1, axis=0, keepdims=True) * inv_n
        part = _mm(p0, wfc_ref[0]) + _mm(p1, wfc_ref[1])

        @pl.when(i == 0)
        def _():
            logits_ref[...] = bfc_ref[...]

        logits_ref[...] += part

    return pl.pallas_call(
        body,
        grid=(n // RBLK,),
        in_specs=[
            pl.BlockSpec((NC, RBLK, half), lambda i: (0, i, 0)),
            pl.BlockSpec((NC, RBLK, half), lambda i: (0, i, 0)),
            pl.BlockSpec((RBLK, 1), lambda i: (i, 0)),
            pl.BlockSpec((NC, 1, half), lambda i: (0, 0, 0)),
            pl.BlockSpec((NC, half, out_d), lambda i: (0, 0, 0)),
            pl.BlockSpec((1, out_d), lambda i: (0, 0)),
        ],
        out_specs=[
            pl.BlockSpec((RBLK, 2 * half), lambda i: (i, 0)),
            pl.BlockSpec((1, out_d), lambda i: (0, 0)),
        ],
        out_shape=[jax.ShapeDtypeStruct((n, 2 * half), jnp.float32),
                   jax.ShapeDtypeStruct((1, out_d), jnp.float32)],
    )(aggp, zp, dinv, b_split, wfc_split, bfc)


def kernel(x, edge_index, batch, W1, b1, W2, b2, W3, b3, Wfc, bfc):
    n, d = x.shape
    e = edge_index.shape[1]
    out_d = Wfc.shape[1]
    half = d // 2

    grain = 2 * NC * NS * CHUNK
    e2 = ((e + grain - 1) // grain) * grain
    nch = e2 // (NS * CHUNK)
    nchw = e2 // (NC * NS * CHUNK)
    nacc = ((n + 1 + NS * 8 - 1) // (NS * 8)) * (NS * 8)
    rowz = nacc // NS

    src = edge_index[0]
    dst = edge_index[1]
    pad = e2 - e
    src_p = jnp.concatenate([src, jnp.zeros((pad,), jnp.int32)])
    dst_p = jnp.concatenate([dst, jnp.full((pad,), n, jnp.int32)])
    src_idx = jnp.stack([src_p, src_p + n]).reshape(NC, NS, nch, CHUNK)
    dst_main = dst_p.reshape(NS, nch, CHUNK)
    dst_deg = dst_p.reshape(NC * NS, nchw, CHUNK)
    ones_in = jnp.ones((CHUNK, half), jnp.float32)
    zrows128 = jnp.zeros((rowz, half), jnp.float32)

    degp = _sc_degree(dst_deg, ones_in, zrows128, n, nacc, nchw, half)

    w1s = W1.reshape(NC, half, d)
    w2s = W2.reshape(NC, half, d)
    w3s = W3.reshape(NC, half, d)
    wfcs = Wfc.reshape(NC, half, out_d)
    b1s = b1.reshape(NC, 1, half)
    b2s = b2.reshape(NC, 1, half)
    b3s = b3.reshape(NC, 1, half)
    bfc2 = bfc.reshape(1, out_d)

    z1, dinv = _tc_first(x, w1s, degp, n, half)
    agg1 = _sc_aggregate(z1.reshape(NC * n, half), src_idx, dst_main,
                         zrows128, n, half, nacc, nch
                         ).reshape(NC, nacc, half)[:, :n, :]
    z2 = _tc_mid(agg1, z1, dinv, b1s, w2s, n, half)
    agg2 = _sc_aggregate(z2.reshape(NC * n, half), src_idx, dst_main,
                         zrows128, n, half, nacc, nch
                         ).reshape(NC, nacc, half)[:, :n, :]
    z3 = _tc_mid(agg2, z2, dinv, b2s, w3s, n, half)
    agg3 = _sc_aggregate(z3.reshape(NC * n, half), src_idx, dst_main,
                         zrows128, n, half, nacc, nch
                         ).reshape(NC, nacc, half)[:, :n, :]
    emb, logits = _tc_final(agg3, z3, dinv, b3s, wfcs, bfc2, n, half, out_d)
    return (logits, emb)

# --- scband reference (transcript-rebuilt; emitter-appended) ---
"""Pipeline reference for scband-graph-encoder-28879360098461 (READ-ONLY COPY).

The authoritative reference and input builder live on the scoring server;
editing this copy changes nothing except your own understanding.
"""

import jax, jax.numpy as jnp
import numpy as np

N = 10000
E = 160000
D = 256
OUT = 128


def glorot(key, shape):
    lim = float(np.sqrt(6.0 / (shape[0] + shape[1])))
    return jax.random.uniform(key, shape, minval=-lim, maxval=lim, dtype=jnp.float32)


def gcn_conv(x, src, dst, W, b, n):
    # PyG GCNConv: x' = D^{-1/2} (A + I) D^{-1/2} X W + b
    xw = x @ W
    loop = jnp.arange(n, dtype=src.dtype)
    src2 = jnp.concatenate([src, loop])
    dst2 = jnp.concatenate([dst, loop])
    ones = jnp.ones(src2.shape[0], dtype=x.dtype)
    deg = jax.ops.segment_sum(ones, dst2, num_segments=n)
    dinv = jnp.where(deg > 0, jax.lax.rsqrt(jnp.maximum(deg, 1e-12)), 0.0)
    norm = dinv[src2] * dinv[dst2]
    msg = jnp.take(xw, src2, axis=0) * norm[:, None]
    out = jax.ops.segment_sum(msg, dst2, num_segments=n)
    return out + b


def setup_inputs(seed: int = 0) -> dict:
    key = jax.random.key(seed)
    ks = jax.random.split(key, 8)
    x = jax.random.normal(ks[0], (N, D), dtype=jnp.float32)
    edge_index = jax.random.randint(ks[1], (2, E), 0, N, dtype=jnp.int32)
    batch = jnp.zeros((N,), dtype=jnp.int32)
    W1 = glorot(ks[2], (D, D)); b1 = jnp.zeros((D,), jnp.float32)
    W2 = glorot(ks[3], (D, D)); b2 = jnp.zeros((D,), jnp.float32)
    W3 = glorot(ks[4], (D, D)); b3 = jnp.zeros((D,), jnp.float32)
    Wfc = glorot(ks[5], (D, OUT)); bfc = jnp.zeros((OUT,), jnp.float32)
    return {"x": x, "edge_index": edge_index, "batch": batch,
            "W1": W1, "b1": b1, "W2": W2, "b2": b2, "W3": W3, "b3": b3,
            "Wfc": Wfc, "bfc": bfc}


def reference(x, edge_index, batch, W1, b1, W2, b2, W3, b3, Wfc, bfc):
    src, dst = edge_index[0], edge_index[1]
    n = x.shape[0]
    h = jax.nn.relu(gcn_conv(x, src, dst, W1, b1, n))
    h = jax.nn.relu(gcn_conv(h, src, dst, W2, b2, n))
    h = jax.nn.relu(gcn_conv(h, src, dst, W3, b3, n))
    emb = h
    nb = 1  # batch is all zeros -> single graph
    sums = jax.ops.segment_sum(emb, batch, num_segments=nb)
    cnt = jax.ops.segment_sum(jnp.ones((n,), emb.dtype), batch, num_segments=nb)
    pooled = sums / cnt[:, None]
    logits = pooled @ Wfc + bfc
    return (logits, emb)

if __name__ == "__main__":
    import jax
    _d = setup_inputs()
    print(jax.jit(kernel)(*tuple(_d.values())))

</pallas_src>

<mosaic_0001>
#map = affine_map<(d0, d1) -> (0, 0, 0)>
#map1 = affine_map<(d0, d1) -> (0, 0)>
module attributes {stable_mosaic.version = 14 : i64} {
  func.func @degk(%arg0: i32, %arg1: i32, %arg2: memref<32x40x128xi32, #tpu.memory_space<hbm>>, %arg3: memref<128x128xf32, #tpu.memory_space<hbm>>, %arg4: memref<632x128xf32, #tpu.memory_space<hbm>>, %arg5: memref<2x10112x128xf32, #tpu.memory_space<hbm>>, %arg6: memref<40x128xi32, #tpu.memory_space<vmem>>, %arg7: memref<128x128xf32, #tpu.memory_space<vmem>>, %arg8: memref<10112x128xf32, #tpu.memory_space<vmem_shared>>) attributes {dimension_semantics = [#tpu.dimension_semantics<core_parallel>, #tpu.dimension_semantics<subcore_parallel>], iteration_bounds = array<i64: 2, 16>, scalar_prefetch = 0 : i64, scratch_operands = 3 : i64, tpu.core_type = #tpu.core_type<sc_vector_subcore>, window_params = [{transform_indices = #map}, {transform_indices = #map1}, {transform_indices = #map1}, {transform_indices = #map}]} {
    %mul3A = arith.constant 2 : i32
    %mul3A_0 = arith.muli %arg1, %mul3A : i32
    %add3A = arith.addi %mul3A_0, %arg0 : i32
    %mul3A_1 = arith.constant 632 : i32
    %mul3A_2 = arith.muli %arg1, %mul3A_1 : i32
    "tpu.region"() ({
      %run_scoped3A = tpu.sem_alloc : memref<!tpu.dma_semaphore, #tpu.memory_space<semaphore_mem>>
      %dma_start3A = arith.constant 0 : i32
      %dma_start3A_13 = tpu.memref_slice %arg8[%mul3A_2, %dma_start3A] : memref<10112x128xf32, #tpu.memory_space<vmem_shared>> -> memref<632x128xf32, #tpu.memory_space<vmem_shared>>
      tpu.enqueue_dma source(%arg4 : memref<632x128xf32, #tpu.memory_space<hbm>>) target(%dma_start3A_13 : memref<632x128xf32, #tpu.memory_space<vmem_shared>>) target_semaphore(%run_scoped3A : memref<!tpu.dma_semaphore, #tpu.memory_space<semaphore_mem>>)
      %dma_wait3A = arith.constant 0 : i32
      %dma_wait3A_14 = tpu.memref_slice %arg8[%mul3A_2, %dma_wait3A] : memref<10112x128xf32, #tpu.memory_space<vmem_shared>> -> memref<632x128xf32, #tpu.memory_space<vmem_shared>>
      tpu.wait_dma2 semaphore(%run_scoped3A : memref<!tpu.dma_semaphore, #tpu.memory_space<semaphore_mem>>) src(%arg4 : memref<632x128xf32, #tpu.memory_space<hbm>>) dst(%dma_wait3A_14 : memref<632x128xf32, #tpu.memory_space<vmem_shared>>)
      tpu.yield
    }) : () -> ()
    "tpu.region"() ({
      %run_scoped3A = tpu.sem_alloc : memref<!tpu.dma_semaphore, #tpu.memory_space<semaphore_mem>>
      %dma_start3A = arith.constant 0 : i32
      %dma_start3A_13 = arith.constant 0 : i32
      %dma_start3A_14 = tpu.memref_slice %arg2[%add3A, %dma_start3A, %dma_start3A_13] : memref<32x40x128xi32, #tpu.memory_space<hbm>> -> memref<1x40x128xi32, #tpu.memory_space<hbm>>
      %dma_start3A_15 = tpu.memref_squeeze %dma_start3A_14 : memref<1x40x128xi32, #tpu.memory_space<hbm>> -> memref<40x128xi32, #tpu.memory_space<hbm>>
      %dma_start3A_16 = arith.constant 0 : i32
      %dma_start3A_17 = arith.constant 0 : i32
      %dma_start3A_18 = tpu.memref_slice %arg2[%add3A, %dma_start3A_16, %dma_start3A_17] : memref<32x40x128xi32, #tpu.memory_space<hbm>> -> memref<1x40x128xi32, #tpu.memory_space<hbm>>
      %dma_start3A_19 = tpu.memref_squeeze %dma_start3A_18 : memref<1x40x128xi32, #tpu.memory_space<hbm>> -> memref<40x128xi32, #tpu.memory_space<hbm>>
      tpu.enqueue_dma source(%dma_start3A_19 : memref<40x128xi32, #tpu.memory_space<hbm>>) target(%arg6 : memref<40x128xi32, #tpu.memory_space<vmem>>) target_semaphore(%run_scoped3A : memref<!tpu.dma_semaphore, #tpu.memory_space<semaphore_mem>>)
      %dma_wait3A = arith.constant 0 : i32
      %dma_wait3A_20 = arith.constant 0 : i32
      %dma_wait3A_21 = tpu.memref_slice %arg2[%add3A, %dma_wait3A, %dma_wait3A_20] : memref<32x40x128xi32, #tpu.memory_space<hbm>> -> memref<1x40x128xi32, #tpu.memory_space<hbm>>
      %dma_wait3A_22 = tpu.memref_squeeze %dma_wait3A_21 : memref<1x40x128xi32, #tpu.memory_space<hbm>> -> memref<40x128xi32, #tpu.memory_space<hbm>>
      %dma_wait3A_23 = arith.constant 0 : i32
      %dma_wait3A_24 = arith.constant 0 : i32
      %dma_wait3A_25 = tpu.memref_slice %arg2[%add3A, %dma_wait3A_23, %dma_wait3A_24] : memref<32x40x128xi32, #tpu.memory_space<hbm>> -> memref<1x40x128xi32, #tpu.memory_space<hbm>>
      %dma_wait3A_26 = tpu.memref_squeeze %dma_wait3A_25 : memref<1x40x128xi32, #tpu.memory_space<hbm>> -> memref<40x128xi32, #tpu.memory_space<hbm>>
      tpu.wait_dma2 semaphore(%run_scoped3A : memref<!tpu.dma_semaphore, #tpu.memory_space<semaphore_mem>>) src(%dma_wait3A_26 : memref<40x128xi32, #tpu.memory_space<hbm>>) dst(%arg6 : memref<40x128xi32, #tpu.memory_space<vmem>>)
      tpu.yield
    }) : () -> ()
    "tpu.region"() ({
      %run_scoped3A = tpu.sem_alloc : memref<!tpu.dma_semaphore, #tpu.memory_space<semaphore_mem>>
      tpu.enqueue_dma source(%arg3 : memref<128x128xf32, #tpu.memory_space<hbm>>) target(%arg7 : memref<128x128xf32, #tpu.memory_space<vmem>>) target_semaphore(%run_scoped3A : memref<!tpu.dma_semaphore, #tpu.memory_space<semaphore_mem>>)
      tpu.wait_dma2 semaphore(%run_scoped3A : memref<!tpu.dma_semaphore, #tpu.memory_space<semaphore_mem>>) src(%arg3 : memref<128x128xf32, #tpu.memory_space<hbm>>) dst(%arg7 : memref<128x128xf32, #tpu.memory_space<vmem>>)
      tpu.yield
    }) : () -> ()
    %barrier3A = arith.constant 0 : index
    tpu.barrier barrier_id(%barrier3A)
    %scan3A = arith.constant 0 : i32
    %scan3A_3 = arith.constant 0 : i32
    %scan3A_4 = arith.constant 40 : i32
    %scan3A_5 = arith.addi %scan3A_3, %scan3A_4 : i32
    %scan3A_6 = arith.constant 1 : i32
    scf.for %scan3A_13 = %scan3A_3 to %scan3A_5 step %scan3A_6  : i32 {
      "tpu.region"() ({
        %run_scoped3A = tpu.sem_alloc : memref<!tpu.dma_semaphore, #tpu.memory_space<semaphore_mem>>
        %dma_start3A = arith.constant 0 : i32
        %dma_start3A_14 = tpu.memref_slice %arg6[%scan3A_13, %dma_start3A] : memref<40x128xi32, #tpu.memory_space<vmem>> -> memref<1x128xi32, #tpu.memory_space<vmem>>
        %dma_start3A_15 = tpu.memref_squeeze %dma_start3A_14 : memref<1x128xi32, #tpu.memory_space<vmem>> -> memref<128xi32, #tpu.memory_space<vmem>>
        %dma_start3A_16 = arith.constant 0 : i32
        %dma_start3A_17 = arith.constant 0 : i32
        %dma_start3A_18 = tpu.memref_slice %arg8[%dma_start3A_16, %dma_start3A_17] : memref<10112x128xf32, #tpu.memory_space<vmem_shared>> -> memref<10112x128xf32, #tpu.memory_space<vmem_shared>>
        tpu.enqueue_indirect_dma source(%arg7 : memref<128x128xf32, #tpu.memory_space<vmem>>) target(%dma_start3A_18 : memref<10112x128xf32, #tpu.memory_space<vmem_shared>>) offsets(%dma_start3A_15 : memref<128xi32, #tpu.memory_space<vmem>>) semaphore(%run_scoped3A : memref<!tpu.dma_semaphore, #tpu.memory_space<semaphore_mem>>) {add = true}
        %dma_wait3A = arith.constant 0 : i32
        %dma_wait3A_19 = tpu.memref_slice %arg6[%scan3A_13, %dma_wait3A] : memref<40x128xi32, #tpu.memory_space<vmem>> -> memref<1x128xi32, #tpu.memory_space<vmem>>
        %dma_wait3A_20 = tpu.memref_squeeze %dma_wait3A_19 : memref<1x128xi32, #tpu.memory_space<vmem>> -> memref<128xi32, #tpu.memory_space<vmem>>
        %dma_wait3A_21 = arith.constant 0 : i32
        %dma_wait3A_22 = arith.constant 0 : i32
        %dma_wait3A_23 = tpu.memref_slice %arg8[%dma_wait3A_21, %dma_wait3A_22] : memref<10112x128xf32, #tpu.memory_space<vmem_shared>> -> memref<10112x128xf32, #tpu.memory_space<vmem_shared>>
        tpu.wait_indirect_dma semaphore(%run_scoped3A : memref<!tpu.dma_semaphore, #tpu.memory_space<semaphore_mem>>) src(%arg7 : memref<128x128xf32, #tpu.memory_space<vmem>>) dst(%dma_wait3A_23 : memref<10112x128xf32, #tpu.memory_space<vmem_shared>>)
        tpu.yield
      }) : () -> ()
    }
    %scan3A_7 = arith.constant 40 : i32
    %barrier3A_8 = arith.constant 0 : index
    tpu.barrier barrier_id(%barrier3A_8)
    %mul3A_9 = arith.constant 632 : i32
    %mul3A_10 = arith.muli %arg1, %mul3A_9 : i32
    %mul3A_11 = arith.constant 632 : i32
    %mul3A_12 = arith.muli %arg1, %mul3A_11 : i32
    "tpu.region"() ({
      %run_scoped3A = tpu.sem_alloc : memref<!tpu.dma_semaphore, #tpu.memory_space<semaphore_mem>>
      %dma_start3A = arith.constant 0 : i32
      %dma_start3A_13 = tpu.memref_slice %arg5[%arg0, %mul3A_12, %dma_start3A] : memref<2x10112x128xf32, #tpu.memory_space<hbm>> -> memref<1x632x128xf32, #tpu.memory_space<hbm>>
      %dma_start3A_14 = tpu.memref_squeeze %dma_start3A_13 : memref<1x632x128xf32, #tpu.memory_space<hbm>> -> memref<632x128xf32, #tpu.memory_space<hbm>>
      %dma_start3A_15 = arith.constant 0 : i32
      %dma_start3A_16 = tpu.memref_slice %arg8[%mul3A_10, %dma_start3A_15] : memref<10112x128xf32, #tpu.memory_space<vmem_shared>> -> memref<632x128xf32, #tpu.memory_space<vmem_shared>>
      tpu.enqueue_dma source(%dma_start3A_16 : memref<632x128xf32, #tpu.memory_space<vmem_shared>>) target(%dma_start3A_14 : memref<632x128xf32, #tpu.memory_space<hbm>>) target_semaphore(%run_scoped3A : memref<!tpu.dma_semaphore, #tpu.memory_space<semaphore_mem>>)
      %dma_wait3A = arith.constant 0 : i32
      %dma_wait3A_17 = tpu.memref_slice %arg5[%arg0, %mul3A_12, %dma_wait3A] : memref<2x10112x128xf32, #tpu.memory_space<hbm>> -> memref<1x632x128xf32, #tpu.memory_space<hbm>>
      %dma_wait3A_18 = tpu.memref_squeeze %dma_wait3A_17 : memref<1x632x128xf32, #tpu.memory_space<hbm>> -> memref<632x128xf32, #tpu.memory_space<hbm>>
      %dma_wait3A_19 = arith.constant 0 : i32
      %dma_wait3A_20 = tpu.memref_slice %arg8[%mul3A_10, %dma_wait3A_19] : memref<10112x128xf32, #tpu.memory_space<vmem_shared>> -> memref<632x128xf32, #tpu.memory_space<vmem_shared>>
      tpu.wait_dma2 semaphore(%run_scoped3A : memref<!tpu.dma_semaphore, #tpu.memory_space<semaphore_mem>>) src(%dma_wait3A_20 : memref<632x128xf32, #tpu.memory_space<vmem_shared>>) dst(%dma_wait3A_18 : memref<632x128xf32, #tpu.memory_space<hbm>>)
      tpu.yield
    }) : () -> ()
    return
  }
}

#map = affine_map<(d0, d1) -> (0, 0)>
#map1 = affine_map<(d0, d1) -> (0, 0, 0, 0)>
#map2 = affine_map<(d0, d1) -> (0, 0, 0)>
module attributes {stable_mosaic.version = 14 : i64} {
  func.func @aggk(%arg0: i32, %arg1: i32, %arg2: memref<20000x128xf32, #tpu.memory_space<hbm>>, %arg3: memref<2x16x80x128xi32, #tpu.memory_space<hbm>>, %arg4: memref<16x80x128xi32, #tpu.memory_space<hbm>>, %arg5: memref<632x128xf32, #tpu.memory_space<hbm>>, %arg6: memref<20224x128xf32, #tpu.memory_space<hbm>>, %arg7: memref<40x128xi32, #tpu.memory_space<vmem>>, %arg8: memref<40x128xi32, #tpu.memory_space<vmem>>, %arg9: memref<128x128xf32, #tpu.memory_space<vmem>>, %arg10: memref<128x128xf32, #tpu.memory_space<vmem>>, %arg11: memref<10112x128xf32, #tpu.memory_space<vmem_shared>>, %arg12: memref<!tpu.dma_semaphore, #tpu.memory_space<semaphore_mem>>, %arg13: memref<!tpu.dma_semaphore, #tpu.memory_space<semaphore_mem>>, %arg14: memref<!tpu.dma_semaphore, #tpu.memory_space<semaphore_mem>>, %arg15: memref<!tpu.dma_semaphore, #tpu.memory_space<semaphore_mem>>) attributes {dimension_semantics = [#tpu.dimension_semantics<core_parallel>, #tpu.dimension_semantics<subcore_parallel>], iteration_bounds = array<i64: 2, 16>, scalar_prefetch = 0 : i64, scratch_operands = 9 : i64, tpu.core_type = #tpu.core_type<sc_vector_subcore>, window_params = [{transform_indices = #map}, {transform_indices = #map1}, {transform_indices = #map2}, {transform_indices = #map}, {transform_indices = #map}]} {
    %mul3A = arith.constant 632 : i32
    %mul3A_0 = arith.muli %arg1, %mul3A : i32
    "tpu.region"() ({
      %run_scoped3A = tpu.sem_alloc : memref<!tpu.dma_semaphore, #tpu.memory_space<semaphore_mem>>
      %dma_start3A_45 = arith.constant 0 : i32
      %dma_start3A_46 = tpu.memref_slice %arg11[%mul3A_0, %dma_start3A_45] : memref<10112x128xf32, #tpu.memory_space<vmem_shared>> -> memref<632x128xf32, #tpu.memory_space<vmem_shared>>
      tpu.enqueue_dma source(%arg5 : memref<632x128xf32, #tpu.memory_space<hbm>>) target(%dma_start3A_46 : memref<632x128xf32, #tpu.memory_space<vmem_shared>>) target_semaphore(%run_scoped3A : memref<!tpu.dma_semaphore, #tpu.memory_space<semaphore_mem>>)
      %dma_wait3A_47 = arith.constant 0 : i32
      %dma_wait3A_48 = tpu.memref_slice %arg11[%mul3A_0, %dma_wait3A_47] : memref<10112x128xf32, #tpu.memory_space<vmem_shared>> -> memref<632x128xf32, #tpu.memory_space<vmem_shared>>
      tpu.wait_dma2 semaphore(%run_scoped3A : memref<!tpu.dma_semaphore, #tpu.memory_space<semaphore_mem>>) src(%arg5 : memref<632x128xf32, #tpu.memory_space<hbm>>) dst(%dma_wait3A_48 : memref<632x128xf32, #tpu.memory_space<vmem_shared>>)
      tpu.yield
    }) : () -> ()
    %barrier3A = arith.constant 0 : index
    tpu.barrier barrier_id(%barrier3A)
    "tpu.region"() ({
      %run_scoped3A = tpu.sem_alloc : memref<!tpu.dma_semaphore, #tpu.memory_space<semaphore_mem>>
      %dma_start3A_45 = arith.constant 0 : i32
      %dma_start3A_46 = arith.constant 0 : i32
      %dma_start3A_47 = tpu.memref_slice %arg3[%arg0, %arg1, %dma_start3A_45, %dma_start3A_46] : memref<2x16x80x128xi32, #tpu.memory_space<hbm>> -> memref<1x1x40x128xi32, #tpu.memory_space<hbm>>
      %dma_start3A_48 = tpu.memref_squeeze %dma_start3A_47 : memref<1x1x40x128xi32, #tpu.memory_space<hbm>> -> memref<40x128xi32, #tpu.memory_space<hbm>>
      %dma_start3A_49 = arith.constant 0 : i32
      %dma_start3A_50 = arith.constant 0 : i32
      %dma_start3A_51 = tpu.memref_slice %arg3[%arg0, %arg1, %dma_start3A_49, %dma_start3A_50] : memref<2x16x80x128xi32, #tpu.memory_space<hbm>> -> memref<1x1x40x128xi32, #tpu.memory_space<hbm>>
      %dma_start3A_52 = tpu.memref_squeeze %dma_start3A_51 : memref<1x1x40x128xi32, #tpu.memory_space<hbm>> -> memref<40x128xi32, #tpu.memory_space<hbm>>
      tpu.enqueue_dma source(%dma_start3A_52 : memref<40x128xi32, #tpu.memory_space<hbm>>) target(%arg7 : memref<40x128xi32, #tpu.memory_space<vmem>>) target_semaphore(%run_scoped3A : memref<!tpu.dma_semaphore, #tpu.memory_space<semaphore_mem>>)
      %dma_wait3A_53 = arith.constant 0 : i32
      %dma_wait3A_54 = arith.constant 0 : i32
      %dma_wait3A_55 = tpu.memref_slice %arg3[%arg0, %arg1, %dma_wait3A_53, %dma_wait3A_54] : memref<2x16x80x128xi32, #tpu.memory_space<hbm>> -> memref<1x1x40x128xi32, #tpu.memory_space<hbm>>
      %dma_wait3A_56 = tpu.memref_squeeze %dma_wait3A_55 : memref<1x1x40x128xi32, #tpu.memory_space<hbm>> -> memref<40x128xi32, #tpu.memory_space<hbm>>
      %dma_wait3A_57 = arith.constant 0 : i32
      %dma_wait3A_58 = arith.constant 0 : i32
      %dma_wait3A_59 = tpu.memref_slice %arg3[%arg0, %arg1, %dma_wait3A_57, %dma_wait3A_58] : memref<2x16x80x128xi32, #tpu.memory_space<hbm>> -> memref<1x1x40x128xi32, #tpu.memory_space<hbm>>
      %dma_wait3A_60 = tpu.memref_squeeze %dma_wait3A_59 : memref<1x1x40x128xi32, #tpu.memory_space<hbm>> -> memref<40x128xi32, #tpu.memory_space<hbm>>
      tpu.wait_dma2 semaphore(%run_scoped3A : memref<!tpu.dma_semaphore, #tpu.memory_space<semaphore_mem>>) src(%dma_wait3A_60 : memref<40x128xi32, #tpu.memory_space<hbm>>) dst(%arg7 : memref<40x128xi32, #tpu.memory_space<vmem>>)
      tpu.yield
    }) : () -> ()
    "tpu.region"() ({
      %run_scoped3A = tpu.sem_alloc : memref<!tpu.dma_semaphore, #tpu.memory_space<semaphore_mem>>
      %dma_start3A_45 = arith.constant 0 : i32
      %dma_start3A_46 = arith.constant 0 : i32
      %dma_start3A_47 = tpu.memref_slice %arg4[%arg1, %dma_start3A_45, %dma_start3A_46] : memref<16x80x128xi32, #tpu.memory_space<hbm>> -> memref<1x40x128xi32, #tpu.memory_space<hbm>>
      %dma_start3A_48 = tpu.memref_squeeze %dma_start3A_47 : memref<1x40x128xi32, #tpu.memory_space<hbm>> -> memref<40x128xi32, #tpu.memory_space<hbm>>
      %dma_start3A_49 = arith.constant 0 : i32
      %dma_start3A_50 = arith.constant 0 : i32
      %dma_start3A_51 = tpu.memref_slice %arg4[%arg1, %dma_start3A_49, %dma_start3A_50] : memref<16x80x128xi32, #tpu.memory_space<hbm>> -> memref<1x40x128xi32, #tpu.memory_space<hbm>>
      %dma_start3A_52 = tpu.memref_squeeze %dma_start3A_51 : memref<1x40x128xi32, #tpu.memory_space<hbm>> -> memref<40x128xi32, #tpu.memory_space<hbm>>
      tpu.enqueue_dma source(%dma_start3A_52 : memref<40x128xi32, #tpu.memory_space<hbm>>) target(%arg8 : memref<40x128xi32, #tpu.memory_space<vmem>>) target_semaphore(%run_scoped3A : memref<!tpu.dma_semaphore, #tpu.memory_space<semaphore_mem>>)
      %dma_wait3A_53 = arith.constant 0 : i32
      %dma_wait3A_54 = arith.constant 0 : i32
      %dma_wait3A_55 = tpu.memref_slice %arg4[%arg1, %dma_wait3A_53, %dma_wait3A_54] : memref<16x80x128xi32, #tpu.memory_space<hbm>> -> memref<1x40x128xi32, #tpu.memory_space<hbm>>
      %dma_wait3A_56 = tpu.memref_squeeze %dma_wait3A_55 : memref<1x40x128xi32, #tpu.memory_space<hbm>> -> memref<40x128xi32, #tpu.memory_space<hbm>>
      %dma_wait3A_57 = arith.constant 0 : i32
      %dma_wait3A_58 = arith.constant 0 : i32
      %dma_wait3A_59 = tpu.memref_slice %arg4[%arg1, %dma_wait3A_57, %dma_wait3A_58] : memref<16x80x128xi32, #tpu.memory_space<hbm>> -> memref<1x40x128xi32, #tpu.memory_space<hbm>>
      %dma_wait3A_60 = tpu.memref_squeeze %dma_wait3A_59 : memref<1x40x128xi32, #tpu.memory_space<hbm>> -> memref<40x128xi32, #tpu.memory_space<hbm>>
      tpu.wait_dma2 semaphore(%run_scoped3A : memref<!tpu.dma_semaphore, #tpu.memory_space<semaphore_mem>>) src(%dma_wait3A_60 : memref<40x128xi32, #tpu.memory_space<hbm>>) dst(%arg8 : memref<40x128xi32, #tpu.memory_space<vmem>>)
      tpu.yield
    }) : () -> ()
    %dma_start3A = arith.constant 0 : i32
    %dma_start3A_1 = arith.constant 0 : i32
    %dma_start3A_2 = tpu.memref_slice %arg7[%dma_start3A, %dma_start3A_1] : memref<40x128xi32, #tpu.memory_space<vmem>> -> memref<1x128xi32, #tpu.memory_space<vmem>>
    %dma_start3A_3 = tpu.memref_squeeze %dma_start3A_2 : memref<1x128xi32, #tpu.memory_space<vmem>> -> memref<128xi32, #tpu.memory_space<vmem>>
    %dma_start3A_4 = arith.constant 0 : i32
    %dma_start3A_5 = arith.constant 0 : i32
    %dma_start3A_6 = tpu.memref_slice %arg2[%dma_start3A_4, %dma_start3A_5] : memref<20000x128xf32, #tpu.memory_space<hbm>> -> memref<20000x128xf32, #tpu.memory_space<hbm>>
    tpu.enqueue_indirect_dma source(%dma_start3A_6 : memref<20000x128xf32, #tpu.memory_space<hbm>>) target(%arg9 : memref<128x128xf32, #tpu.memory_space<vmem>>) offsets(%dma_start3A_3 : memref<128xi32, #tpu.memory_space<vmem>>) semaphore(%arg12 : memref<!tpu.dma_semaphore, #tpu.memory_space<semaphore_mem>>)
    %scan3A = arith.constant 0 : i32
    %scan3A_7 = arith.constant 0 : i32
    %scan3A_8 = arith.constant 20 : i32
    %scan3A_9 = arith.addi %scan3A_7, %scan3A_8 : i32
    %scan3A_10 = arith.constant 1 : i32
    scf.for %scan3A_45 = %scan3A_7 to %scan3A_9 step %scan3A_10  : i32 {
      %mul3A_46 = arith.constant 2 : i32
      %mul3A_47 = arith.muli %mul3A_46, %scan3A_45 : i32
      %add3A_48 = arith.constant 1 : i32
      %add3A_49 = arith.addi %mul3A_47, %add3A_48 : i32
      %dma_start3A_50 = arith.constant 0 : i32
      %dma_start3A_51 = tpu.memref_slice %arg7[%add3A_49, %dma_start3A_50] : memref<40x128xi32, #tpu.memory_space<vmem>> -> memref<1x128xi32, #tpu.memory_space<vmem>>
      %dma_start3A_52 = tpu.memref_squeeze %dma_start3A_51 : memref<1x128xi32, #tpu.memory_space<vmem>> -> memref<128xi32, #tpu.memory_space<vmem>>
      %dma_start3A_53 = arith.constant 0 : i32
      %dma_start3A_54 = arith.constant 0 : i32
      %dma_start3A_55 = tpu.memref_slice %arg2[%dma_start3A_53, %dma_start3A_54] : memref<20000x128xf32, #tpu.memory_space<hbm>> -> memref<20000x128xf32, #tpu.memory_space<hbm>>
      tpu.enqueue_indirect_dma source(%dma_start3A_55 : memref<20000x128xf32, #tpu.memory_space<hbm>>) target(%arg10 : memref<128x128xf32, #tpu.memory_space<vmem>>) offsets(%dma_start3A_52 : memref<128xi32, #tpu.memory_space<vmem>>) semaphore(%arg13 : memref<!tpu.dma_semaphore, #tpu.memory_space<semaphore_mem>>)
      %dma_wait3A_56 = arith.constant 0 : i32
      %dma_wait3A_57 = tpu.memref_slice %arg7[%mul3A_47, %dma_wait3A_56] : memref<40x128xi32, #tpu.memory_space<vmem>> -> memref<1x128xi32, #tpu.memory_space<vmem>>
      %dma_wait3A_58 = tpu.memref_squeeze %dma_wait3A_57 : memref<1x128xi32, #tpu.memory_space<vmem>> -> memref<128xi32, #tpu.memory_space<vmem>>
      %dma_wait3A_59 = arith.constant 0 : i32
      %dma_wait3A_60 = arith.constant 0 : i32
      %dma_wait3A_61 = tpu.memref_slice %arg2[%dma_wait3A_59, %dma_wait3A_60] : memref<20000x128xf32, #tpu.memory_space<hbm>> -> memref<20000x128xf32, #tpu.memory_space<hbm>>
      tpu.wait_indirect_dma semaphore(%arg12 : memref<!tpu.dma_semaphore, #tpu.memory_space<semaphore_mem>>) src(%dma_wait3A_61 : memref<20000x128xf32, #tpu.memory_space<hbm>>) dst(%arg9 : memref<128x128xf32, #tpu.memory_space<vmem>>)
      "tpu.region"() ({
        %run_scoped3A = tpu.sem_alloc : memref<!tpu.dma_semaphore, #tpu.memory_space<semaphore_mem>>
        %dma_start3A_81 = arith.constant 0 : i32
        %dma_start3A_82 = tpu.memref_slice %arg8[%mul3A_47, %dma_start3A_81] : memref<40x128xi32, #tpu.memory_space<vmem>> -> memref<1x128xi32, #tpu.memory_space<vmem>>
        %dma_start3A_83 = tpu.memref_squeeze %dma_start3A_82 : memref<1x128xi32, #tpu.memory_space<vmem>> -> memref<128xi32, #tpu.memory_space<vmem>>
        %dma_start3A_84 = arith.constant 0 : i32
        %dma_start3A_85 = arith.constant 0 : i32
        %dma_start3A_86 = tpu.memref_slice %arg11[%dma_start3A_84, %dma_start3A_85] : memref<10112x128xf32, #tpu.memory_space<vmem_shared>> -> memref<10112x128xf32, #tpu.memory_space<vmem_shared>>
        tpu.enqueue_indirect_dma source(%arg9 : memref<128x128xf32, #tpu.memory_space<vmem>>) target(%dma_start3A_86 : memref<10112x128xf32, #tpu.memory_space<vmem_shared>>) offsets(%dma_start3A_83 : memref<128xi32, #tpu.memory_space<vmem>>) semaphore(%run_scoped3A : memref<!tpu.dma_semaphore, #tpu.memory_space<semaphore_mem>>) {add = true}
        %dma_wait3A_87 = arith.constant 0 : i32
        %dma_wait3A_88 = tpu.memref_slice %arg8[%mul3A_47, %dma_wait3A_87] : memref<40x128xi32, #tpu.memory_space<vmem>> -> memref<1x128xi32, #tpu.memory_space<vmem>>
        %dma_wait3A_89 = tpu.memref_squeeze %dma_wait3A_88 : memref<1x128xi32, #tpu.memory_space<vmem>> -> memref<128xi32, #tpu.memory_space<vmem>>
        %dma_wait3A_90 = arith.constant 0 : i32
        %dma_wait3A_91 = arith.constant 0 : i32
        %dma_wait3A_92 = tpu.memref_slice %arg11[%dma_wait3A_90, %dma_wait3A_91] : memref<10112x128xf32, #tpu.memory_space<vmem_shared>> -> memref<10112x128xf32, #tpu.memory_space<vmem_shared>>
        tpu.wait_indirect_dma semaphore(%run_scoped3A : memref<!tpu.dma_semaphore, #tpu.memory_space<semaphore_mem>>) src(%arg9 : memref<128x128xf32, #tpu.memory_space<vmem>>) dst(%dma_wait3A_92 : memref<10112x128xf32, #tpu.memory_space<vmem_shared>>)
        tpu.yield
      }) : () -> ()
      %add3A_62 = arith.constant 2 : i32
      %add3A_63 = arith.addi %mul3A_47, %add3A_62 : i32
      %min3A = arith.constant 39 : i32
      %min3A_64 = arith.minsi %add3A_63, %min3A : i32
      %dma_start3A_65 = arith.constant 0 : i32
      %dma_start3A_66 = tpu.memref_slice %arg7[%min3A_64, %dma_start3A_65] : memref<40x128xi32, #tpu.memory_space<vmem>> -> memref<1x128xi32, #tpu.memory_space<vmem>>
      %dma_start3A_67 = tpu.memref_squeeze %dma_start3A_66 : memref<1x128xi32, #tpu.memory_space<vmem>> -> memref<128xi32, #tpu.memory_space<vmem>>
      %dma_start3A_68 = arith.constant 0 : i32
      %dma_start3A_69 = arith.constant 0 : i32
      %dma_start3A_70 = tpu.memref_slice %arg2[%dma_start3A_68, %dma_start3A_69] : memref<20000x128xf32, #tpu.memory_space<hbm>> -> memref<20000x128xf32, #tpu.memory_space<hbm>>
      tpu.enqueue_indirect_dma source(%dma_start3A_70 : memref<20000x128xf32, #tpu.memory_space<hbm>>) target(%arg9 : memref<128x128xf32, #tpu.memory_space<vmem>>) offsets(%dma_start3A_67 : memref<128xi32, #tpu.memory_space<vmem>>) semaphore(%arg12 : memref<!tpu.dma_semaphore, #tpu.memory_space<semaphore_mem>>)
      %add3A_71 = arith.constant 1 : i32
      %add3A_72 = arith.addi %mul3A_47, %add3A_71 : i32
      %dma_wait3A_73 = arith.constant 0 : i32
      %dma_wait3A_74 = tpu.memref_slice %arg7[%add3A_72, %dma_wait3A_73] : memref<40x128xi32, #tpu.memory_space<vmem>> -> memref<1x128xi32, #tpu.memory_space<vmem>>
      %dma_wait3A_75 = tpu.memref_squeeze %dma_wait3A_74 : memref<1x128xi32, #tpu.memory_space<vmem>> -> memref<128xi32, #tpu.memory_space<vmem>>
      %dma_wait3A_76 = arith.constant 0 : i32
      %dma_wait3A_77 = arith.constant 0 : i32
      %dma_wait3A_78 = tpu.memref_slice %arg2[%dma_wait3A_76, %dma_wait3A_77] : memref<20000x128xf32, #tpu.memory_space<hbm>> -> memref<20000x128xf32, #tpu.memory_space<hbm>>
      tpu.wait_indirect_dma semaphore(%arg13 : memref<!tpu.dma_semaphore, #tpu.memory_space<semaphore_mem>>) src(%dma_wait3A_78 : memref<20000x128xf32, #tpu.memory_space<hbm>>) dst(%arg10 : memref<128x128xf32, #tpu.memory_space<vmem>>)
      %add3A_79 = arith.constant 1 : i32
      %add3A_80 = arith.addi %mul3A_47, %add3A_79 : i32
      "tpu.region"() ({
        %run_scoped3A = tpu.sem_alloc : memref<!tpu.dma_semaphore, #tpu.memory_space<semaphore_mem>>
        %dma_start3A_81 = arith.constant 0 : i32
        %dma_start3A_82 = tpu.memref_slice %arg8[%add3A_80, %dma_start3A_81] : memref<40x128xi32, #tpu.memory_space<vmem>> -> memref<1x128xi32, #tpu.memory_space<vmem>>
        %dma_start3A_83 = tpu.memref_squeeze %dma_start3A_82 : memref<1x128xi32, #tpu.memory_space<vmem>> -> memref<128xi32, #tpu.memory_space<vmem>>
        %dma_start3A_84 = arith.constant 0 : i32
        %dma_start3A_85 = arith.constant 0 : i32
        %dma_start3A_86 = tpu.memref_slice %arg11[%dma_start3A_84, %dma_start3A_85] : memref<10112x128xf32, #tpu.memory_space<vmem_shared>> -> memref<10112x128xf32, #tpu.memory_space<vmem_shared>>
        tpu.enqueue_indirect_dma source(%arg10 : memref<128x128xf32, #tpu.memory_space<vmem>>) target(%dma_start3A_86 : memref<10112x128xf32, #tpu.memory_space<vmem_shared>>) offsets(%dma_start3A_83 : memref<128xi32, #tpu.memory_space<vmem>>) semaphore(%run_scoped3A : memref<!tpu.dma_semaphore, #tpu.memory_space<semaphore_mem>>) {add = true}
        %dma_wait3A_87 = arith.constant 0 : i32
        %dma_wait3A_88 = tpu.memref_slice %arg8[%add3A_80, %dma_wait3A_87] : memref<40x128xi32, #tpu.memory_space<vmem>> -> memref<1x128xi32, #tpu.memory_space<vmem>>
        %dma_wait3A_89 = tpu.memref_squeeze %dma_wait3A_88 : memref<1x128xi32, #tpu.memory_space<vmem>> -> memref<128xi32, #tpu.memory_space<vmem>>
        %dma_wait3A_90 = arith.constant 0 : i32
        %dma_wait3A_91 = arith.constant 0 : i32
        %dma_wait3A_92 = tpu.memref_slice %arg11[%dma_wait3A_90, %dma_wait3A_91] : memref<10112x128xf32, #tpu.memory_space<vmem_shared>> -> memref<10112x128xf32, #tpu.memory_space<vmem_shared>>
        tpu.wait_indirect_dma semaphore(%run_scoped3A : memref<!tpu.dma_semaphore, #tpu.memory_space<semaphore_mem>>) src(%arg10 : memref<128x128xf32, #tpu.memory_space<vmem>>) dst(%dma_wait3A_92 : memref<10112x128xf32, #tpu.memory_space<vmem_shared>>)
        tpu.yield
      }) : () -> ()
    }
    %scan3A_11 = arith.constant 20 : i32
    %dma_wait3A = arith.constant 0 : i32
    %dma_wait3A_12 = arith.constant 0 : i32
    %dma_wait3A_13 = tpu.memref_slice %arg7[%dma_wait3A, %dma_wait3A_12] : memref<40x128xi32, #tpu.memory_space<vmem>> -> memref<1x128xi32, #tpu.memory_space<vmem>>
    %dma_wait3A_14 = tpu.memref_squeeze %dma_wait3A_13 : memref<1x128xi32, #tpu.memory_space<vmem>> -> memref<128xi32, #tpu.memory_space<vmem>>
    %dma_wait3A_15 = arith.constant 0 : i32
    %dma_wait3A_16 = arith.constant 0 : i32
    %dma_wait3A_17 = tpu.memref_slice %arg2[%dma_wait3A_15, %dma_wait3A_16] : memref<20000x128xf32, #tpu.memory_space<hbm>> -> memref<20000x128xf32, #tpu.memory_space<hbm>>
    tpu.wait_indirect_dma semaphore(%arg12 : memref<!tpu.dma_semaphore, #tpu.memory_space<semaphore_mem>>) src(%dma_wait3A_17 : memref<20000x128xf32, #tpu.memory_space<hbm>>) dst(%arg9 : memref<128x128xf32, #tpu.memory_space<vmem>>)
    "tpu.region"() ({
      %run_scoped3A = tpu.sem_alloc : memref<!tpu.dma_semaphore, #tpu.memory_space<semaphore_mem>>
      %dma_start3A_45 = arith.constant 40 : i32
      %dma_start3A_46 = arith.constant 0 : i32
      %dma_start3A_47 = tpu.memref_slice %arg3[%arg0, %arg1, %dma_start3A_45, %dma_start3A_46] : memref<2x16x80x128xi32, #tpu.memory_space<hbm>> -> memref<1x1x40x128xi32, #tpu.memory_space<hbm>>
      %dma_start3A_48 = tpu.memref_squeeze %dma_start3A_47 : memref<1x1x40x128xi32, #tpu.memory_space<hbm>> -> memref<40x128xi32, #tpu.memory_space<hbm>>
      %dma_start3A_49 = arith.constant 40 : i32
      %dma_start3A_50 = arith.constant 0 : i32
      %dma_start3A_51 = tpu.memref_slice %arg3[%arg0, %arg1, %dma_start3A_49, %dma_start3A_50] : memref<2x16x80x128xi32, #tpu.memory_space<hbm>> -> memref<1x1x40x128xi32, #tpu.memory_space<hbm>>
      %dma_start3A_52 = tpu.memref_squeeze %dma_start3A_51 : memref<1x1x40x128xi32, #tpu.memory_space<hbm>> -> memref<40x128xi32, #tpu.memory_space<hbm>>
      tpu.enqueue_dma source(%dma_start3A_52 : memref<40x128xi32, #tpu.memory_space<hbm>>) target(%arg7 : memref<40x128xi32, #tpu.memory_space<vmem>>) target_semaphore(%run_scoped3A : memref<!tpu.dma_semaphore, #tpu.memory_space<semaphore_mem>>)
      %dma_wait3A_53 = arith.constant 40 : i32
      %dma_wait3A_54 = arith.constant 0 : i32
      %dma_wait3A_55 = tpu.memref_slice %arg3[%arg0, %arg1, %dma_wait3A_53, %dma_wait3A_54] : memref<2x16x80x128xi32, #tpu.memory_space<hbm>> -> memref<1x1x40x128xi32, #tpu.memory_space<hbm>>
      %dma_wait3A_56 = tpu.memref_squeeze %dma_wait3A_55 : memref<1x1x40x128xi32, #tpu.memory_space<hbm>> -> memref<40x128xi32, #tpu.memory_space<hbm>>
      %dma_wait3A_57 = arith.constant 40 : i32
      %dma_wait3A_58 = arith.constant 0 : i32
      %dma_wait3A_59 = tpu.memref_slice %arg3[%arg0, %arg1, %dma_wait3A_57, %dma_wait3A_58] : memref<2x16x80x128xi32, #tpu.memory_space<hbm>> -> memref<1x1x40x128xi32, #tpu.memory_space<hbm>>
      %dma_wait3A_60 = tpu.memref_squeeze %dma_wait3A_59 : memref<1x1x40x128xi32, #tpu.memory_space<hbm>> -> memref<40x128xi32, #tpu.memory_space<hbm>>
      tpu.wait_dma2 semaphore(%run_scoped3A : memref<!tpu.dma_semaphore, #tpu.memory_space<semaphore_mem>>) src(%dma_wait3A_60 : memref<40x128xi32, #tpu.memory_space<hbm>>) dst(%arg7 : memref<40x128xi32, #tpu.memory_space<vmem>>)
      tpu.yield
    }) : () -> ()
    "tpu.region"() ({
      %run_scoped3A = tpu.sem_alloc : memref<!tpu.dma_semaphore, #tpu.memory_space<semaphore_mem>>
      %dma_start3A_45 = arith.constant 40 : i32
      %dma_start3A_46 = arith.constant 0 : i32
      %dma_start3A_47 = tpu.memref_slice %arg4[%arg1, %dma_start3A_45, %dma_start3A_46] : memref<16x80x128xi32, #tpu.memory_space<hbm>> -> memref<1x40x128xi32, #tpu.memory_space<hbm>>
      %dma_start3A_48 = tpu.memref_squeeze %dma_start3A_47 : memref<1x40x128xi32, #tpu.memory_space<hbm>> -> memref<40x128xi32, #tpu.memory_space<hbm>>
      %dma_start3A_49 = arith.constant 40 : i32
      %dma_start3A_50 = arith.constant 0 : i32
      %dma_start3A_51 = tpu.memref_slice %arg4[%arg1, %dma_start3A_49, %dma_start3A_50] : memref<16x80x128xi32, #tpu.memory_space<hbm>> -> memref<1x40x128xi32, #tpu.memory_space<hbm>>
      %dma_start3A_52 = tpu.memref_squeeze %dma_start3A_51 : memref<1x40x128xi32, #tpu.memory_space<hbm>> -> memref<40x128xi32, #tpu.memory_space<hbm>>
      tpu.enqueue_dma source(%dma_start3A_52 : memref<40x128xi32, #tpu.memory_space<hbm>>) target(%arg8 : memref<40x128xi32, #tpu.memory_space<vmem>>) target_semaphore(%run_scoped3A : memref<!tpu.dma_semaphore, #tpu.memory_space<semaphore_mem>>)
      %dma_wait3A_53 = arith.constant 40 : i32
      %dma_wait3A_54 = arith.constant 0 : i32
      %dma_wait3A_55 = tpu.memref_slice %arg4[%arg1, %dma_wait3A_53, %dma_wait3A_54] : memref<16x80x128xi32, #tpu.memory_space<hbm>> -> memref<1x40x128xi32, #tpu.memory_space<hbm>>
      %dma_wait3A_56 = tpu.memref_squeeze %dma_wait3A_55 : memref<1x40x128xi32, #tpu.memory_space<hbm>> -> memref<40x128xi32, #tpu.memory_space<hbm>>
      %dma_wait3A_57 = arith.constant 40 : i32
      %dma_wait3A_58 = arith.constant 0 : i32
      %dma_wait3A_59 = tpu.memref_slice %arg4[%arg1, %dma_wait3A_57, %dma_wait3A_58] : memref<16x80x128xi32, #tpu.memory_space<hbm>> -> memref<1x40x128xi32, #tpu.memory_space<hbm>>
      %dma_wait3A_60 = tpu.memref_squeeze %dma_wait3A_59 : memref<1x40x128xi32, #tpu.memory_space<hbm>> -> memref<40x128xi32, #tpu.memory_space<hbm>>
      tpu.wait_dma2 semaphore(%run_scoped3A : memref<!tpu.dma_semaphore, #tpu.memory_space<semaphore_mem>>) src(%dma_wait3A_60 : memref<40x128xi32, #tpu.memory_space<hbm>>) dst(%arg8 : memref<40x128xi32, #tpu.memory_space<vmem>>)
      tpu.yield
    }) : () -> ()
    %dma_start3A_18 = arith.constant 0 : i32
    %dma_start3A_19 = arith.constant 0 : i32
    %dma_start3A_20 = tpu.memref_slice %arg7[%dma_start3A_18, %dma_start3A_19] : memref<40x128xi32, #tpu.memory_space<vmem>> -> memref<1x128xi32, #tpu.memory_space<vmem>>
    %dma_start3A_21 = tpu.memref_squeeze %dma_start3A_20 : memref<1x128xi32, #tpu.memory_space<vmem>> -> memref<128xi32, #tpu.memory_space<vmem>>
    %dma_start3A_22 = arith.constant 0 : i32
    %dma_start3A_23 = arith.constant 0 : i32
    %dma_start3A_24 = tpu.memref_slice %arg2[%dma_start3A_22, %dma_start3A_23] : memref<20000x128xf32, #tpu.memory_space<hbm>> -> memref<20000x128xf32, #tpu.memory_space<hbm>>
    tpu.enqueue_indirect_dma source(%dma_start3A_24 : memref<20000x128xf32, #tpu.memory_space<hbm>>) target(%arg9 : memref<128x128xf32, #tpu.memory_space<vmem>>) offsets(%dma_start3A_21 : memref<128xi32, #tpu.memory_space<vmem>>) semaphore(%arg12 : memref<!tpu.dma_semaphore, #tpu.memory_space<semaphore_mem>>)
    %scan3A_25 = arith.constant 0 : i32
    %scan3A_26 = arith.constant 0 : i32
    %scan3A_27 = arith.constant 20 : i32
    %scan3A_28 = arith.addi %scan3A_26, %scan3A_27 : i32
    %scan3A_29 = arith.constant 1 : i32
    scf.for %scan3A_45 = %scan3A_26 to %scan3A_28 step %scan3A_29  : i32 {
      %mul3A_46 = arith.constant 2 : i32
      %mul3A_47 = arith.muli %mul3A_46, %scan3A_45 : i32
      %add3A_48 = arith.constant 1 : i32
      %add3A_49 = arith.addi %mul3A_47, %add3A_48 : i32
      %dma_start3A_50 = arith.constant 0 : i32
      %dma_start3A_51 = tpu.memref_slice %arg7[%add3A_49, %dma_start3A_50] : memref<40x128xi32, #tpu.memory_space<vmem>> -> memref<1x128xi32, #tpu.memory_space<vmem>>
      %dma_start3A_52 = tpu.memref_squeeze %dma_start3A_51 : memref<1x128xi32, #tpu.memory_space<vmem>> -> memref<128xi32, #tpu.memory_space<vmem>>
      %dma_start3A_53 = arith.constant 0 : i32
      %dma_start3A_54 = arith.constant 0 : i32
      %dma_start3A_55 = tpu.memref_slice %arg2[%dma_start3A_53, %dma_start3A_54] : memref<20000x128xf32, #tpu.memory_space<hbm>> -> memref<20000x128xf32, #tpu.memory_space<hbm>>
      tpu.enqueue_indirect_dma source(%dma_start3A_55 : memref<20000x128xf32, #tpu.memory_space<hbm>>) target(%arg10 : memref<128x128xf32, #tpu.memory_space<vmem>>) offsets(%dma_start3A_52 : memref<128xi32, #tpu.memory_space<vmem>>) semaphore(%arg13 : memref<!tpu.dma_semaphore, #tpu.memory_space<semaphore_mem>>)
      %dma_wait3A_56 = arith.constant 0 : i32
      %dma_wait3A_57 = tpu.memref_slice %arg7[%mul3A_47, %dma_wait3A_56] : memref<40x128xi32, #tpu.memory_space<vmem>> -> memref<1x128xi32, #tpu.memory_space<vmem>>
      %dma_wait3A_58 = tpu.memref_squeeze %dma_wait3A_57 : memref<1x128xi32, #tpu.memory_space<vmem>> -> memref<128xi32, #tpu.memory_space<vmem>>
      %dma_wait3A_59 = arith.constant 0 : i32
      %dma_wait3A_60 = arith.constant 0 : i32
      %dma_wait3A_61 = tpu.memref_slice %arg2[%dma_wait3A_59, %dma_wait3A_60] : memref<20000x128xf32, #tpu.memory_space<hbm>> -> memref<20000x128xf32, #tpu.memory_space<hbm>>
      tpu.wait_indirect_dma semaphore(%arg12 : memref<!tpu.dma_semaphore, #tpu.memory_space<semaphore_mem>>) src(%dma_wait3A_61 : memref<20000x128xf32, #tpu.memory_space<hbm>>) dst(%arg9 : memref<128x128xf32, #tpu.memory_space<vmem>>)
      "tpu.region"() ({
        %run_scoped3A = tpu.sem_alloc : memref<!tpu.dma_semaphore, #tpu.memory_space<semaphore_mem>>
        %dma_start3A_81 = arith.constant 0 : i32
        %dma_start3A_82 = tpu.memref_slice %arg8[%mul3A_47, %dma_start3A_81] : memref<40x128xi32, #tpu.memory_space<vmem>> -> memref<1x128xi32, #tpu.memory_space<vmem>>
        %dma_start3A_83 = tpu.memref_squeeze %dma_start3A_82 : memref<1x128xi32, #tpu.memory_space<vmem>> -> memref<128xi32, #tpu.memory_space<vmem>>
        %dma_start3A_84 = arith.constant 0 : i32
        %dma_start3A_85 = arith.constant 0 : i32
        %dma_start3A_86 = tpu.memref_slice %arg11[%dma_start3A_84, %dma_start3A_85] : memref<10112x128xf32, #tpu.memory_space<vmem_shared>> -> memref<10112x128xf32, #tpu.memory_space<vmem_shared>>
        tpu.enqueue_indirect_dma source(%arg9 : memref<128x128xf32, #tpu.memory_space<vmem>>) target(%dma_start3A_86 : memref<10112x128xf32, #tpu.memory_space<vmem_shared>>) offsets(%dma_start3A_83 : memref<128xi32, #tpu.memory_space<vmem>>) semaphore(%run_scoped3A : memref<!tpu.dma_semaphore, #tpu.memory_space<semaphore_mem>>) {add = true}
        %dma_wait3A_87 = arith.constant 0 : i32
        %dma_wait3A_88 = tpu.memref_slice %arg8[%mul3A_47, %dma_wait3A_87] : memref<40x128xi32, #tpu.memory_space<vmem>> -> memref<1x128xi32, #tpu.memory_space<vmem>>
        %dma_wait3A_89 = tpu.memref_squeeze %dma_wait3A_88 : memref<1x128xi32, #tpu.memory_space<vmem>> -> memref<128xi32, #tpu.memory_space<vmem>>
        %dma_wait3A_90 = arith.constant 0 : i32
        %dma_wait3A_91 = arith.constant 0 : i32
        %dma_wait3A_92 = tpu.memref_slice %arg11[%dma_wait3A_90, %dma_wait3A_91] : memref<10112x128xf32, #tpu.memory_space<vmem_shared>> -> memref<10112x128xf32, #tpu.memory_space<vmem_shared>>
        tpu.wait_indirect_dma semaphore(%run_scoped3A : memref<!tpu.dma_semaphore, #tpu.memory_space<semaphore_mem>>) src(%arg9 : memref<128x128xf32, #tpu.memory_space<vmem>>) dst(%dma_wait3A_92 : memref<10112x128xf32, #tpu.memory_space<vmem_shared>>)
        tpu.yield
      }) : () -> ()
      %add3A_62 = arith.constant 2 : i32
      %add3A_63 = arith.addi %mul3A_47, %add3A_62 : i32
      %min3A = arith.constant 39 : i32
      %min3A_64 = arith.minsi %add3A_63, %min3A : i32
      %dma_start3A_65 = arith.constant 0 : i32
      %dma_start3A_66 = tpu.memref_slice %arg7[%min3A_64, %dma_start3A_65] : memref<40x128xi32, #tpu.memory_space<vmem>> -> memref<1x128xi32, #tpu.memory_space<vmem>>
      %dma_start3A_67 = tpu.memref_squeeze %dma_start3A_66 : memref<1x128xi32, #tpu.memory_space<vmem>> -> memref<128xi32, #tpu.memory_space<vmem>>
      %dma_start3A_68 = arith.constant 0 : i32
      %dma_start3A_69 = arith.constant 0 : i32
      %dma_start3A_70 = tpu.memref_slice %arg2[%dma_start3A_68, %dma_start3A_69] : memref<20000x128xf32, #tpu.memory_space<hbm>> -> memref<20000x128xf32, #tpu.memory_space<hbm>>
      tpu.enqueue_indirect_dma source(%dma_start3A_70 : memref<20000x128xf32, #tpu.memory_space<hbm>>) target(%arg9 : memref<128x128xf32, #tpu.memory_space<vmem>>) offsets(%dma_start3A_67 : memref<128xi32, #tpu.memory_space<vmem>>) semaphore(%arg12 : memref<!tpu.dma_semaphore, #tpu.memory_space<semaphore_mem>>)
      %add3A_71 = arith.constant 1 : i32
      %add3A_72 = arith.addi %mul3A_47, %add3A_71 : i32
      %dma_wait3A_73 = arith.constant 0 : i32
      %dma_wait3A_74 = tpu.memref_slice %arg7[%add3A_72, %dma_wait3A_73] : memref<40x128xi32, #tpu.memory_space<vmem>> -> memref<1x128xi32, #tpu.memory_space<vmem>>
      %dma_wait3A_75 = tpu.memref_squeeze %dma_wait3A_74 : memref<1x128xi32, #tpu.memory_space<vmem>> -> memref<128xi32, #tpu.memory_space<vmem>>
      %dma_wait3A_76 = arith.constant 0 : i32
      %dma_wait3A_77 = arith.constant 0 : i32
      %dma_wait3A_78 = tpu.memref_slice %arg2[%dma_wait3A_76, %dma_wait3A_77] : memref<20000x128xf32, #tpu.memory_space<hbm>> -> memref<20000x128xf32, #tpu.memory_space<hbm>>
      tpu.wait_indirect_dma semaphore(%arg13 : memref<!tpu.dma_semaphore, #tpu.memory_space<semaphore_mem>>) src(%dma_wait3A_78 : memref<20000x128xf32, #tpu.memory_space<hbm>>) dst(%arg10 : memref<128x128xf32, #tpu.memory_space<vmem>>)
      %add3A_79 = arith.constant 1 : i32
      %add3A_80 = arith.addi %mul3A_47, %add3A_79 : i32
      "tpu.region"() ({
        %run_scoped3A = tpu.sem_alloc : memref<!tpu.dma_semaphore, #tpu.memory_space<semaphore_mem>>
        %dma_start3A_81 = arith.constant 0 : i32
        %dma_start3A_82 = tpu.memref_slice %arg8[%add3A_80, %dma_start3A_81] : memref<40x128xi32, #tpu.memory_space<vmem>> -> memref<1x128xi32, #tpu.memory_space<vmem>>
        %dma_start3A_83 = tpu.memref_squeeze %dma_start3A_82 : memref<1x128xi32, #tpu.memory_space<vmem>> -> memref<128xi32, #tpu.memory_space<vmem>>
        %dma_start3A_84 = arith.constant 0 : i32
        %dma_start3A_85 = arith.constant 0 : i32
        %dma_start3A_86 = tpu.memref_slice %arg11[%dma_start3A_84, %dma_start3A_85] : memref<10112x128xf32, #tpu.memory_space<vmem_shared>> -> memref<10112x128xf32, #tpu.memory_space<vmem_shared>>
        tpu.enqueue_indirect_dma source(%arg10 : memref<128x128xf32, #tpu.memory_space<vmem>>) target(%dma_start3A_86 : memref<10112x128xf32, #tpu.memory_space<vmem_shared>>) offsets(%dma_start3A_83 : memref<128xi32, #tpu.memory_space<vmem>>) semaphore(%run_scoped3A : memref<!tpu.dma_semaphore, #tpu.memory_space<semaphore_mem>>) {add = true}
        %dma_wait3A_87 = arith.constant 0 : i32
        %dma_wait3A_88 = tpu.memref_slice %arg8[%add3A_80, %dma_wait3A_87] : memref<40x128xi32, #tpu.memory_space<vmem>> -> memref<1x128xi32, #tpu.memory_space<vmem>>
        %dma_wait3A_89 = tpu.memref_squeeze %dma_wait3A_88 : memref<1x128xi32, #tpu.memory_space<vmem>> -> memref<128xi32, #tpu.memory_space<vmem>>
        %dma_wait3A_90 = arith.constant 0 : i32
        %dma_wait3A_91 = arith.constant 0 : i32
        %dma_wait3A_92 = tpu.memref_slice %arg11[%dma_wait3A_90, %dma_wait3A_91] : memref<10112x128xf32, #tpu.memory_space<vmem_shared>> -> memref<10112x128xf32, #tpu.memory_space<vmem_shared>>
        tpu.wait_indirect_dma semaphore(%run_scoped3A : memref<!tpu.dma_semaphore, #tpu.memory_space<semaphore_mem>>) src(%arg10 : memref<128x128xf32, #tpu.memory_space<vmem>>) dst(%dma_wait3A_92 : memref<10112x128xf32, #tpu.memory_space<vmem_shared>>)
        tpu.yield
      }) : () -> ()
    }
    %scan3A_30 = arith.constant 20 : i32
    %dma_wait3A_31 = arith.constant 0 : i32
    %dma_wait3A_32 = arith.constant 0 : i32
    %dma_wait3A_33 = tpu.memref_slice %arg7[%dma_wait3A_31, %dma_wait3A_32] : memref<40x128xi32, #tpu.memory_space<vmem>> -> memref<1x128xi32, #tpu.memory_space<vmem>>
    %dma_wait3A_34 = tpu.memref_squeeze %dma_wait3A_33 : memref<1x128xi32, #tpu.memory_space<vmem>> -> memref<128xi32, #tpu.memory_space<vmem>>
    %dma_wait3A_35 = arith.constant 0 : i32
    %dma_wait3A_36 = arith.constant 0 : i32
    %dma_wait3A_37 = tpu.memref_slice %arg2[%dma_wait3A_35, %dma_wait3A_36] : memref<20000x128xf32, #tpu.memory_space<hbm>> -> memref<20000x128xf32, #tpu.memory_space<hbm>>
    tpu.wait_indirect_dma semaphore(%arg12 : memref<!tpu.dma_semaphore, #tpu.memory_space<semaphore_mem>>) src(%dma_wait3A_37 : memref<20000x128xf32, #tpu.memory_space<hbm>>) dst(%arg9 : memref<128x128xf32, #tpu.memory_space<vmem>>)
    %barrier3A_38 = arith.constant 0 : index
    tpu.barrier barrier_id(%barrier3A_38)
    %mul3A_39 = arith.constant 632 : i32
    %mul3A_40 = arith.muli %arg1, %mul3A_39 : i32
    %mul3A_41 = arith.constant 10112 : i32
    %mul3A_42 = arith.muli %arg0, %mul3A_41 : i32
    %mul3A_43 = arith.constant 632 : i32
    %mul3A_44 = arith.muli %arg1, %mul3A_43 : i32
    %add3A = arith.addi %mul3A_42, %mul3A_44 : i32
    "tpu.region"() ({
      %run_scoped3A = tpu.sem_alloc : memref<!tpu.dma_semaphore, #tpu.memory_space<semaphore_mem>>
      %dma_start3A_45 = arith.constant 0 : i32
      %dma_start3A_46 = tpu.memref_slice %arg6[%add3A, %dma_start3A_45] : memref<20224x128xf32, #tpu.memory_space<hbm>> -> memref<632x128xf32, #tpu.memory_space<hbm>>
      %dma_start3A_47 = arith.constant 0 : i32
      %dma_start3A_48 = tpu.memref_slice %arg11[%mul3A_40, %dma_start3A_47] : memref<10112x128xf32, #tpu.memory_space<vmem_shared>> -> memref<632x128xf32, #tpu.memory_space<vmem_shared>>
      tpu.enqueue_dma source(%dma_start3A_48 : memref<632x128xf32, #tpu.memory_space<vmem_shared>>) target(%dma_start3A_46 : memref<632x128xf32, #tpu.memory_space<hbm>>) target_semaphore(%run_scoped3A : memref<!tpu.dma_semaphore, #tpu.memory_space<semaphore_mem>>)
      %dma_wait3A_49 = arith.constant 0 : i32
      %dma_wait3A_50 = tpu.memref_slice %arg6[%add3A, %dma_wait3A_49] : memref<20224x128xf32, #tpu.memory_space<hbm>> -> memref<632x128xf32, #tpu.memory_space<hbm>>
      %dma_wait3A_51 = arith.constant 0 : i32
      %dma_wait3A_52 = tpu.memref_slice %arg11[%mul3A_40, %dma_wait3A_51] : memref<10112x128xf32, #tpu.memory_space<vmem_shared>> -> memref<632x128xf32, #tpu.memory_space<vmem_shared>>
      tpu.wait_dma2 semaphore(%run_scoped3A : memref<!tpu.dma_semaphore, #tpu.memory_space<semaphore_mem>>) src(%dma_wait3A_52 : memref<632x128xf32, #tpu.memory_space<vmem_shared>>) dst(%dma_wait3A_50 : memref<632x128xf32, #tpu.memory_space<hbm>>)
      tpu.yield
    }) : () -> ()
    return
  }
}

#map = affine_map<(d0, d1) -> (0, 0)>
#map1 = affine_map<(d0, d1) -> (0, 0, 0, 0)>
#map2 = affine_map<(d0, d1) -> (0, 0, 0)>
module attributes {stable_mosaic.version = 14 : i64} {
  func.func @aggk(%arg0: i32, %arg1: i32, %arg2: memref<20000x128xf32, #tpu.memory_space<hbm>>, %arg3: memref<2x16x80x128xi32, #tpu.memory_space<hbm>>, %arg4: memref<16x80x128xi32, #tpu.memory_space<hbm>>, %arg5: memref<632x128xf32, #tpu.memory_space<hbm>>, %arg6: memref<20224x128xf32, #tpu.memory_space<hbm>>, %arg7: memref<40x128xi32, #tpu.memory_space<vmem>>, %arg8: memref<40x128xi32, #tpu.memory_space<vmem>>, %arg9: memref<128x128xf32, #tpu.memory_space<vmem>>, %arg10: memref<128x128xf32, #tpu.memory_space<vmem>>, %arg11: memref<10112x128xf32, #tpu.memory_space<vmem_shared>>, %arg12: memref<!tpu.dma_semaphore, #tpu.memory_space<semaphore_mem>>, %arg13: memref<!tpu.dma_semaphore, #tpu.memory_space<semaphore_mem>>, %arg14: memref<!tpu.dma_semaphore, #tpu.memory_space<semaphore_mem>>, %arg15: memref<!tpu.dma_semaphore, #tpu.memory_space<semaphore_mem>>) attributes {dimension_semantics = [#tpu.dimension_semantics<core_parallel>, #tpu.dimension_semantics<subcore_parallel>], iteration_bounds = array<i64: 2, 16>, scalar_prefetch = 0 : i64, scratch_operands = 9 : i64, tpu.core_type = #tpu.core_type<sc_vector_subcore>, window_params = [{transform_indices = #map}, {transform_indices = #map1}, {transform_indices = #map2}, {transform_indices = #map}, {transform_indices = #map}]} {
    %mul3A = arith.constant 632 : i32
    %mul3A_0 = arith.muli %arg1, %mul3A : i32
    "tpu.region"() ({
      %run_scoped3A = tpu.sem_alloc : memref<!tpu.dma_semaphore, #tpu.memory_space<semaphore_mem>>
      %dma_start3A_45 = arith.constant 0 : i32
      %dma_start3A_46 = tpu.memref_slice %arg11[%mul3A_0, %dma_start3A_45] : memref<10112x128xf32, #tpu.memory_space<vmem_shared>> -> memref<632x128xf32, #tpu.memory_space<vmem_shared>>
      tpu.enqueue_dma source(%arg5 : memref<632x128xf32, #tpu.memory_space<hbm>>) target(%dma_start3A_46 : memref<632x128xf32, #tpu.memory_space<vmem_shared>>) target_semaphore(%run_scoped3A : memref<!tpu.dma_semaphore, #tpu.memory_space<semaphore_mem>>)
      %dma_wait3A_47 = arith.constant 0 : i32
      %dma_wait3A_48 = tpu.memref_slice %arg11[%mul3A_0, %dma_wait3A_47] : memref<10112x128xf32, #tpu.memory_space<vmem_shared>> -> memref<632x128xf32, #tpu.memory_space<vmem_shared>>
      tpu.wait_dma2 semaphore(%run_scoped3A : memref<!tpu.dma_semaphore, #tpu.memory_space<semaphore_mem>>) src(%arg5 : memref<632x128xf32, #tpu.memory_space<hbm>>) dst(%dma_wait3A_48 : memref<632x128xf32, #tpu.memory_space<vmem_shared>>)
      tpu.yield
    }) : () -> ()
    %barrier3A = arith.constant 0 : index
    tpu.barrier barrier_id(%barrier3A)
    "tpu.region"() ({
      %run_scoped3A = tpu.sem_alloc : memref<!tpu.dma_semaphore, #tpu.memory_space<semaphore_mem>>
      %dma_start3A_45 = arith.constant 0 : i32
      %dma_start3A_46 = arith.constant 0 : i32
      %dma_start3A_47 = tpu.memref_slice %arg3[%arg0, %arg1, %dma_start3A_45, %dma_start3A_46] : memref<2x16x80x128xi32, #tpu.memory_space<hbm>> -> memref<1x1x40x128xi32, #tpu.memory_space<hbm>>
      %dma_start3A_48 = tpu.memref_squeeze %dma_start3A_47 : memref<1x1x40x128xi32, #tpu.memory_space<hbm>> -> memref<40x128xi32, #tpu.memory_space<hbm>>
      %dma_start3A_49 = arith.constant 0 : i32
      %dma_start3A_50 = arith.constant 0 : i32
      %dma_start3A_51 = tpu.memref_slice %arg3[%arg0, %arg1, %dma_start3A_49, %dma_start3A_50] : memref<2x16x80x128xi32, #tpu.memory_space<hbm>> -> memref<1x1x40x128xi32, #tpu.memory_space<hbm>>
      %dma_start3A_52 = tpu.memref_squeeze %dma_start3A_51 : memref<1x1x40x128xi32, #tpu.memory_space<hbm>> -> memref<40x128xi32, #tpu.memory_space<hbm>>
      tpu.enqueue_dma source(%dma_start3A_52 : memref<40x128xi32, #tpu.memory_space<hbm>>) target(%arg7 : memref<40x128xi32, #tpu.memory_space<vmem>>) target_semaphore(%run_scoped3A : memref<!tpu.dma_semaphore, #tpu.memory_space<semaphore_mem>>)
      %dma_wait3A_53 = arith.constant 0 : i32
      %dma_wait3A_54 = arith.constant 0 : i32
      %dma_wait3A_55 = tpu.memref_slice %arg3[%arg0, %arg1, %dma_wait3A_53, %dma_wait3A_54] : memref<2x16x80x128xi32, #tpu.memory_space<hbm>> -> memref<1x1x40x128xi32, #tpu.memory_space<hbm>>
      %dma_wait3A_56 = tpu.memref_squeeze %dma_wait3A_55 : memref<1x1x40x128xi32, #tpu.memory_space<hbm>> -> memref<40x128xi32, #tpu.memory_space<hbm>>
      %dma_wait3A_57 = arith.constant 0 : i32
      %dma_wait3A_58 = arith.constant 0 : i32
      %dma_wait3A_59 = tpu.memref_slice %arg3[%arg0, %arg1, %dma_wait3A_57, %dma_wait3A_58] : memref<2x16x80x128xi32, #tpu.memory_space<hbm>> -> memref<1x1x40x128xi32, #tpu.memory_space<hbm>>
      %dma_wait3A_60 = tpu.memref_squeeze %dma_wait3A_59 : memref<1x1x40x128xi32, #tpu.memory_space<hbm>> -> memref<40x128xi32, #tpu.memory_space<hbm>>
      tpu.wait_dma2 semaphore(%run_scoped3A : memref<!tpu.dma_semaphore, #tpu.memory_space<semaphore_mem>>) src(%dma_wait3A_60 : memref<40x128xi32, #tpu.memory_space<hbm>>) dst(%arg7 : memref<40x128xi32, #tpu.memory_space<vmem>>)
      tpu.yield
    }) : () -> ()
    "tpu.region"() ({
      %run_scoped3A = tpu.sem_alloc : memref<!tpu.dma_semaphore, #tpu.memory_space<semaphore_mem>>
      %dma_start3A_45 = arith.constant 0 : i32
      %dma_start3A_46 = arith.constant 0 : i32
      %dma_start3A_47 = tpu.memref_slice %arg4[%arg1, %dma_start3A_45, %dma_start3A_46] : memref<16x80x128xi32, #tpu.memory_space<hbm>> -> memref<1x40x128xi32, #tpu.memory_space<hbm>>
      %dma_start3A_48 = tpu.memref_squeeze %dma_start3A_47 : memref<1x40x128xi32, #tpu.memory_space<hbm>> -> memref<40x128xi32, #tpu.memory_space<hbm>>
      %dma_start3A_49 = arith.constant 0 : i32
      %dma_start3A_50 = arith.constant 0 : i32
      %dma_start3A_51 = tpu.memref_slice %arg4[%arg1, %dma_start3A_49, %dma_start3A_50] : memref<16x80x128xi32, #tpu.memory_space<hbm>> -> memref<1x40x128xi32, #tpu.memory_space<hbm>>
      %dma_start3A_52 = tpu.memref_squeeze %dma_start3A_51 : memref<1x40x128xi32, #tpu.memory_space<hbm>> -> memref<40x128xi32, #tpu.memory_space<hbm>>
      tpu.enqueue_dma source(%dma_start3A_52 : memref<40x128xi32, #tpu.memory_space<hbm>>) target(%arg8 : memref<40x128xi32, #tpu.memory_space<vmem>>) target_semaphore(%run_scoped3A : memref<!tpu.dma_semaphore, #tpu.memory_space<semaphore_mem>>)
      %dma_wait3A_53 = arith.constant 0 : i32
      %dma_wait3A_54 = arith.constant 0 : i32
      %dma_wait3A_55 = tpu.memref_slice %arg4[%arg1, %dma_wait3A_53, %dma_wait3A_54] : memref<16x80x128xi32, #tpu.memory_space<hbm>> -> memref<1x40x128xi32, #tpu.memory_space<hbm>>
      %dma_wait3A_56 = tpu.memref_squeeze %dma_wait3A_55 : memref<1x40x128xi32, #tpu.memory_space<hbm>> -> memref<40x128xi32, #tpu.memory_space<hbm>>
      %dma_wait3A_57 = arith.constant 0 : i32
      %dma_wait3A_58 = arith.constant 0 : i32
      %dma_wait3A_59 = tpu.memref_slice %arg4[%arg1, %dma_wait3A_57, %dma_wait3A_58] : memref<16x80x128xi32, #tpu.memory_space<hbm>> -> memref<1x40x128xi32, #tpu.memory_space<hbm>>
      %dma_wait3A_60 = tpu.memref_squeeze %dma_wait3A_59 : memref<1x40x128xi32, #tpu.memory_space<hbm>> -> memref<40x128xi32, #tpu.memory_space<hbm>>
      tpu.wait_dma2 semaphore(%run_scoped3A : memref<!tpu.dma_semaphore, #tpu.memory_space<semaphore_mem>>) src(%dma_wait3A_60 : memref<40x128xi32, #tpu.memory_space<hbm>>) dst(%arg8 : memref<40x128xi32, #tpu.memory_space<vmem>>)
      tpu.yield
    }) : () -> ()
    %dma_start3A = arith.constant 0 : i32
    %dma_start3A_1 = arith.constant 0 : i32
    %dma_start3A_2 = tpu.memref_slice %arg7[%dma_start3A, %dma_start3A_1] : memref<40x128xi32, #tpu.memory_space<vmem>> -> memref<1x128xi32, #tpu.memory_space<vmem>>
    %dma_start3A_3 = tpu.memref_squeeze %dma_start3A_2 : memref<1x128xi32, #tpu.memory_space<vmem>> -> memref<128xi32, #tpu.memory_space<vmem>>
    %dma_start3A_4 = arith.constant 0 : i32
    %dma_start3A_5 = arith.constant 0 : i32
    %dma_start3A_6 = tpu.memref_slice %arg2[%dma_start3A_4, %dma_start3A_5] : memref<20000x128xf32, #tpu.memory_space<hbm>> -> memref<20000x128xf32, #tpu.memory_space<hbm>>
    tpu.enqueue_indirect_dma source(%dma_start3A_6 : memref<20000x128xf32, #tpu.memory_space<hbm>>) target(%arg9 : memref<128x128xf32, #tpu.memory_space<vmem>>) offsets(%dma_start3A_3 : memref<128xi32, #tpu.memory_space<vmem>>) semaphore(%arg12 : memref<!tpu.dma_semaphore, #tpu.memory_space<semaphore_mem>>)
    %scan3A = arith.constant 0 : i32
    %scan3A_7 = arith.constant 0 : i32
    %scan3A_8 = arith.constant 20 : i32
    %scan3A_9 = arith.addi %scan3A_7, %scan3A_8 : i32
    %scan3A_10 = arith.constant 1 : i32
    scf.for %scan3A_45 = %scan3A_7 to %scan3A_9 step %scan3A_10  : i32 {
      %mul3A_46 = arith.constant 2 : i32
      %mul3A_47 = arith.muli %mul3A_46, %scan3A_45 : i32
      %add3A_48 = arith.constant 1 : i32
      %add3A_49 = arith.addi %mul3A_47, %add3A_48 : i32
      %dma_start3A_50 = arith.constant 0 : i32
      %dma_start3A_51 = tpu.memref_slice %arg7[%add3A_49, %dma_start3A_50] : memref<40x128xi32, #tpu.memory_space<vmem>> -> memref<1x128xi32, #tpu.memory_space<vmem>>
      %dma_start3A_52 = tpu.memref_squeeze %dma_start3A_51 : memref<1x128xi32, #tpu.memory_space<vmem>> -> memref<128xi32, #tpu.memory_space<vmem>>
      %dma_start3A_53 = arith.constant 0 : i32
      %dma_start3A_54 = arith.constant 0 : i32
      %dma_start3A_55 = tpu.memref_slice %arg2[%dma_start3A_53, %dma_start3A_54] : memref<20000x128xf32, #tpu.memory_space<hbm>> -> memref<20000x128xf32, #tpu.memory_space<hbm>>
      tpu.enqueue_indirect_dma source(%dma_start3A_55 : memref<20000x128xf32, #tpu.memory_space<hbm>>) target(%arg10 : memref<128x128xf32, #tpu.memory_space<vmem>>) offsets(%dma_start3A_52 : memref<128xi32, #tpu.memory_space<vmem>>) semaphore(%arg13 : memref<!tpu.dma_semaphore, #tpu.memory_space<semaphore_mem>>)
      %dma_wait3A_56 = arith.constant 0 : i32
      %dma_wait3A_57 = tpu.memref_slice %arg7[%mul3A_47, %dma_wait3A_56] : memref<40x128xi32, #tpu.memory_space<vmem>> -> memref<1x128xi32, #tpu.memory_space<vmem>>
      %dma_wait3A_58 = tpu.memref_squeeze %dma_wait3A_57 : memref<1x128xi32, #tpu.memory_space<vmem>> -> memref<128xi32, #tpu.memory_space<vmem>>
      %dma_wait3A_59 = arith.constant 0 : i32
      %dma_wait3A_60 = arith.constant 0 : i32
      %dma_wait3A_61 = tpu.memref_slice %arg2[%dma_wait3A_59, %dma_wait3A_60] : memref<20000x128xf32, #tpu.memory_space<hbm>> -> memref<20000x128xf32, #tpu.memory_space<hbm>>
      tpu.wait_indirect_dma semaphore(%arg12 : memref<!tpu.dma_semaphore, #tpu.memory_space<semaphore_mem>>) src(%dma_wait3A_61 : memref<20000x128xf32, #tpu.memory_space<hbm>>) dst(%arg9 : memref<128x128xf32, #tpu.memory_space<vmem>>)
      "tpu.region"() ({
        %run_scoped3A = tpu.sem_alloc : memref<!tpu.dma_semaphore, #tpu.memory_space<semaphore_mem>>
        %dma_start3A_81 = arith.constant 0 : i32
        %dma_start3A_82 = tpu.memref_slice %arg8[%mul3A_47, %dma_start3A_81] : memref<40x128xi32, #tpu.memory_space<vmem>> -> memref<1x128xi32, #tpu.memory_space<vmem>>
        %dma_start3A_83 = tpu.memref_squeeze %dma_start3A_82 : memref<1x128xi32, #tpu.memory_space<vmem>> -> memref<128xi32, #tpu.memory_space<vmem>>
        %dma_start3A_84 = arith.constant 0 : i32
        %dma_start3A_85 = arith.constant 0 : i32
        %dma_start3A_86 = tpu.memref_slice %arg11[%dma_start3A_84, %dma_start3A_85] : memref<10112x128xf32, #tpu.memory_space<vmem_shared>> -> memref<10112x128xf32, #tpu.memory_space<vmem_shared>>
        tpu.enqueue_indirect_dma source(%arg9 : memref<128x128xf32, #tpu.memory_space<vmem>>) target(%dma_start3A_86 : memref<10112x128xf32, #tpu.memory_space<vmem_shared>>) offsets(%dma_start3A_83 : memref<128xi32, #tpu.memory_space<vmem>>) semaphore(%run_scoped3A : memref<!tpu.dma_semaphore, #tpu.memory_space<semaphore_mem>>) {add = true}
        %dma_wait3A_87 = arith.constant 0 : i32
        %dma_wait3A_88 = tpu.memref_slice %arg8[%mul3A_47, %dma_wait3A_87] : memref<40x128xi32, #tpu.memory_space<vmem>> -> memref<1x128xi32, #tpu.memory_space<vmem>>
        %dma_wait3A_89 = tpu.memref_squeeze %dma_wait3A_88 : memref<1x128xi32, #tpu.memory_space<vmem>> -> memref<128xi32, #tpu.memory_space<vmem>>
        %dma_wait3A_90 = arith.constant 0 : i32
        %dma_wait3A_91 = arith.constant 0 : i32
        %dma_wait3A_92 = tpu.memref_slice %arg11[%dma_wait3A_90, %dma_wait3A_91] : memref<10112x128xf32, #tpu.memory_space<vmem_shared>> -> memref<10112x128xf32, #tpu.memory_space<vmem_shared>>
        tpu.wait_indirect_dma semaphore(%run_scoped3A : memref<!tpu.dma_semaphore, #tpu.memory_space<semaphore_mem>>) src(%arg9 : memref<128x128xf32, #tpu.memory_space<vmem>>) dst(%dma_wait3A_92 : memref<10112x128xf32, #tpu.memory_space<vmem_shared>>)
        tpu.yield
      }) : () -> ()
      %add3A_62 = arith.constant 2 : i32
      %add3A_63 = arith.addi %mul3A_47, %add3A_62 : i32
      %min3A = arith.constant 39 : i32
      %min3A_64 = arith.minsi %add3A_63, %min3A : i32
      %dma_start3A_65 = arith.constant 0 : i32
      %dma_start3A_66 = tpu.memref_slice %arg7[%min3A_64, %dma_start3A_65] : memref<40x128xi32, #tpu.memory_space<vmem>> -> memref<1x128xi32, #tpu.memory_space<vmem>>
      %dma_start3A_67 = tpu.memref_squeeze %dma_start3A_66 : memref<1x128xi32, #tpu.memory_space<vmem>> -> memref<128xi32, #tpu.memory_space<vmem>>
      %dma_start3A_68 = arith.constant 0 : i32
      %dma_start3A_69 = arith.constant 0 : i32
      %dma_start3A_70 = tpu.memref_slice %arg2[%dma_start3A_68, %dma_start3A_69] : memref<20000x128xf32, #tpu.memory_space<hbm>> -> memref<20000x128xf32, #tpu.memory_space<hbm>>
      tpu.enqueue_indirect_dma source(%dma_start3A_70 : memref<20000x128xf32, #tpu.memory_space<hbm>>) target(%arg9 : memref<128x128xf32, #tpu.memory_space<vmem>>) offsets(%dma_start3A_67 : memref<128xi32, #tpu.memory_space<vmem>>) semaphore(%arg12 : memref<!tpu.dma_semaphore, #tpu.memory_space<semaphore_mem>>)
      %add3A_71 = arith.constant 1 : i32
      %add3A_72 = arith.addi %mul3A_47, %add3A_71 : i32
      %dma_wait3A_73 = arith.constant 0 : i32
      %dma_wait3A_74 = tpu.memref_slice %arg7[%add3A_72, %dma_wait3A_73] : memref<40x128xi32, #tpu.memory_space<vmem>> -> memref<1x128xi32, #tpu.memory_space<vmem>>
      %dma_wait3A_75 = tpu.memref_squeeze %dma_wait3A_74 : memref<1x128xi32, #tpu.memory_space<vmem>> -> memref<128xi32, #tpu.memory_space<vmem>>
      %dma_wait3A_76 = arith.constant 0 : i32
      %dma_wait3A_77 = arith.constant 0 : i32
      %dma_wait3A_78 = tpu.memref_slice %arg2[%dma_wait3A_76, %dma_wait3A_77] : memref<20000x128xf32, #tpu.memory_space<hbm>> -> memref<20000x128xf32, #tpu.memory_space<hbm>>
      tpu.wait_indirect_dma semaphore(%arg13 : memref<!tpu.dma_semaphore, #tpu.memory_space<semaphore_mem>>) src(%dma_wait3A_78 : memref<20000x128xf32, #tpu.memory_space<hbm>>) dst(%arg10 : memref<128x128xf32, #tpu.memory_space<vmem>>)
      %add3A_79 = arith.constant 1 : i32
      %add3A_80 = arith.addi %mul3A_47, %add3A_79 : i32
      "tpu.region"() ({
        %run_scoped3A = tpu.sem_alloc : memref<!tpu.dma_semaphore, #tpu.memory_space<semaphore_mem>>
        %dma_start3A_81 = arith.constant 0 : i32
        %dma_start3A_82 = tpu.memref_slice %arg8[%add3A_80, %dma_start3A_81] : memref<40x128xi32, #tpu.memory_space<vmem>> -> memref<1x128xi32, #tpu.memory_space<vmem>>
        %dma_start3A_83 = tpu.memref_squeeze %dma_start3A_82 : memref<1x128xi32, #tpu.memory_space<vmem>> -> memref<128xi32, #tpu.memory_space<vmem>>
        %dma_start3A_84 = arith.constant 0 : i32
        %dma_start3A_85 = arith.constant 0 : i32
        %dma_start3A_86 = tpu.memref_slice %arg11[%dma_start3A_84, %dma_start3A_85] : memref<10112x128xf32, #tpu.memory_space<vmem_shared>> -> memref<10112x128xf32, #tpu.memory_space<vmem_shared>>
        tpu.enqueue_indirect_dma source(%arg10 : memref<128x128xf32, #tpu.memory_space<vmem>>) target(%dma_start3A_86 : memref<10112x128xf32, #tpu.memory_space<vmem_shared>>) offsets(%dma_start3A_83 : memref<128xi32, #tpu.memory_space<vmem>>) semaphore(%run_scoped3A : memref<!tpu.dma_semaphore, #tpu.memory_space<semaphore_mem>>) {add = true}
        %dma_wait3A_87 = arith.constant 0 : i32
        %dma_wait3A_88 = tpu.memref_slice %arg8[%add3A_80, %dma_wait3A_87] : memref<40x128xi32, #tpu.memory_space<vmem>> -> memref<1x128xi32, #tpu.memory_space<vmem>>
        %dma_wait3A_89 = tpu.memref_squeeze %dma_wait3A_88 : memref<1x128xi32, #tpu.memory_space<vmem>> -> memref<128xi32, #tpu.memory_space<vmem>>
        %dma_wait3A_90 = arith.constant 0 : i32
        %dma_wait3A_91 = arith.constant 0 : i32
        %dma_wait3A_92 = tpu.memref_slice %arg11[%dma_wait3A_90, %dma_wait3A_91] : memref<10112x128xf32, #tpu.memory_space<vmem_shared>> -> memref<10112x128xf32, #tpu.memory_space<vmem_shared>>
        tpu.wait_indirect_dma semaphore(%run_scoped3A : memref<!tpu.dma_semaphore, #tpu.memory_space<semaphore_mem>>) src(%arg10 : memref<128x128xf32, #tpu.memory_space<vmem>>) dst(%dma_wait3A_92 : memref<10112x128xf32, #tpu.memory_space<vmem_shared>>)
        tpu.yield
      }) : () -> ()
    }
    %scan3A_11 = arith.constant 20 : i32
    %dma_wait3A = arith.constant 0 : i32
    %dma_wait3A_12 = arith.constant 0 : i32
    %dma_wait3A_13 = tpu.memref_slice %arg7[%dma_wait3A, %dma_wait3A_12] : memref<40x128xi32, #tpu.memory_space<vmem>> -> memref<1x128xi32, #tpu.memory_space<vmem>>
    %dma_wait3A_14 = tpu.memref_squeeze %dma_wait3A_13 : memref<1x128xi32, #tpu.memory_space<vmem>> -> memref<128xi32, #tpu.memory_space<vmem>>
    %dma_wait3A_15 = arith.constant 0 : i32
    %dma_wait3A_16 = arith.constant 0 : i32
    %dma_wait3A_17 = tpu.memref_slice %arg2[%dma_wait3A_15, %dma_wait3A_16] : memref<20000x128xf32, #tpu.memory_space<hbm>> -> memref<20000x128xf32, #tpu.memory_space<hbm>>
    tpu.wait_indirect_dma semaphore(%arg12 : memref<!tpu.dma_semaphore, #tpu.memory_space<semaphore_mem>>) src(%dma_wait3A_17 : memref<20000x128xf32, #tpu.memory_space<hbm>>) dst(%arg9 : memref<128x128xf32, #tpu.memory_space<vmem>>)
    "tpu.region"() ({
      %run_scoped3A = tpu.sem_alloc : memref<!tpu.dma_semaphore, #tpu.memory_space<semaphore_mem>>
      %dma_start3A_45 = arith.constant 40 : i32
      %dma_start3A_46 = arith.constant 0 : i32
      %dma_start3A_47 = tpu.memref_slice %arg3[%arg0, %arg1, %dma_start3A_45, %dma_start3A_46] : memref<2x16x80x128xi32, #tpu.memory_space<hbm>> -> memref<1x1x40x128xi32, #tpu.memory_space<hbm>>
      %dma_start3A_48 = tpu.memref_squeeze %dma_start3A_47 : memref<1x1x40x128xi32, #tpu.memory_space<hbm>> -> memref<40x128xi32, #tpu.memory_space<hbm>>
      %dma_start3A_49 = arith.constant 40 : i32
      %dma_start3A_50 = arith.constant 0 : i32
      %dma_start3A_51 = tpu.memref_slice %arg3[%arg0, %arg1, %dma_start3A_49, %dma_start3A_50] : memref<2x16x80x128xi32, #tpu.memory_space<hbm>> -> memref<1x1x40x128xi32, #tpu.memory_space<hbm>>
      %dma_start3A_52 = tpu.memref_squeeze %dma_start3A_51 : memref<1x1x40x128xi32, #tpu.memory_space<hbm>> -> memref<40x128xi32, #tpu.memory_space<hbm>>
      tpu.enqueue_dma source(%dma_start3A_52 : memref<40x128xi32, #tpu.memory_space<hbm>>) target(%arg7 : memref<40x128xi32, #tpu.memory_space<vmem>>) target_semaphore(%run_scoped3A : memref<!tpu.dma_semaphore, #tpu.memory_space<semaphore_mem>>)
      %dma_wait3A_53 = arith.constant 40 : i32
      %dma_wait3A_54 = arith.constant 0 : i32
      %dma_wait3A_55 = tpu.memref_slice %arg3[%arg0, %arg1, %dma_wait3A_53, %dma_wait3A_54] : memref<2x16x80x128xi32, #tpu.memory_space<hbm>> -> memref<1x1x40x128xi32, #tpu.memory_space<hbm>>
      %dma_wait3A_56 = tpu.memref_squeeze %dma_wait3A_55 : memref<1x1x40x128xi32, #tpu.memory_space<hbm>> -> memref<40x128xi32, #tpu.memory_space<hbm>>
      %dma_wait3A_57 = arith.constant 40 : i32
      %dma_wait3A_58 = arith.constant 0 : i32
      %dma_wait3A_59 = tpu.memref_slice %arg3[%arg0, %arg1, %dma_wait3A_57, %dma_wait3A_58] : memref<2x16x80x128xi32, #tpu.memory_space<hbm>> -> memref<1x1x40x128xi32, #tpu.memory_space<hbm>>
      %dma_wait3A_60 = tpu.memref_squeeze %dma_wait3A_59 : memref<1x1x40x128xi32, #tpu.memory_space<hbm>> -> memref<40x128xi32, #tpu.memory_space<hbm>>
      tpu.wait_dma2 semaphore(%run_scoped3A : memref<!tpu.dma_semaphore, #tpu.memory_space<semaphore_mem>>) src(%dma_wait3A_60 : memref<40x128xi32, #tpu.memory_space<hbm>>) dst(%arg7 : memref<40x128xi32, #tpu.memory_space<vmem>>)
      tpu.yield
    }) : () -> ()
    "tpu.region"() ({
      %run_scoped3A = tpu.sem_alloc : memref<!tpu.dma_semaphore, #tpu.memory_space<semaphore_mem>>
      %dma_start3A_45 = arith.constant 40 : i32
      %dma_start3A_46 = arith.constant 0 : i32
      %dma_start3A_47 = tpu.memref_slice %arg4[%arg1, %dma_start3A_45, %dma_start3A_46] : memref<16x80x128xi32, #tpu.memory_space<hbm>> -> memref<1x40x128xi32, #tpu.memory_space<hbm>>
      %dma_start3A_48 = tpu.memref_squeeze %dma_start3A_47 : memref<1x40x128xi32, #tpu.memory_space<hbm>> -> memref<40x128xi32, #tpu.memory_space<hbm>>
      %dma_start3A_49 = arith.constant 40 : i32
      %dma_start3A_50 = arith.constant 0 : i32
      %dma_start3A_51 = tpu.memref_slice %arg4[%arg1, %dma_start3A_49, %dma_start3A_50] : memref<16x80x128xi32, #tpu.memory_space<hbm>> -> memref<1x40x128xi32, #tpu.memory_space<hbm>>
      %dma_start3A_52 = tpu.memref_squeeze %dma_start3A_51 : memref<1x40x128xi32, #tpu.memory_space<hbm>> -> memref<40x128xi32, #tpu.memory_space<hbm>>
      tpu.enqueue_dma source(%dma_start3A_52 : memref<40x128xi32, #tpu.memory_space<hbm>>) target(%arg8 : memref<40x128xi32, #tpu.memory_space<vmem>>) target_semaphore(%run_scoped3A : memref<!tpu.dma_semaphore, #tpu.memory_space<semaphore_mem>>)
      %dma_wait3A_53 = arith.constant 40 : i32
      %dma_wait3A_54 = arith.constant 0 : i32
      %dma_wait3A_55 = tpu.memref_slice %arg4[%arg1, %dma_wait3A_53, %dma_wait3A_54] : memref<16x80x128xi32, #tpu.memory_space<hbm>> -> memref<1x40x128xi32, #tpu.memory_space<hbm>>
      %dma_wait3A_56 = tpu.memref_squeeze %dma_wait3A_55 : memref<1x40x128xi32, #tpu.memory_space<hbm>> -> memref<40x128xi32, #tpu.memory_space<hbm>>
      %dma_wait3A_57 = arith.constant 40 : i32
      %dma_wait3A_58 = arith.constant 0 : i32
      %dma_wait3A_59 = tpu.memref_slice %arg4[%arg1, %dma_wait3A_57, %dma_wait3A_58] : memref<16x80x128xi32, #tpu.memory_space<hbm>> -> memref<1x40x128xi32, #tpu.memory_space<hbm>>
      %dma_wait3A_60 = tpu.memref_squeeze %dma_wait3A_59 : memref<1x40x128xi32, #tpu.memory_space<hbm>> -> memref<40x128xi32, #tpu.memory_space<hbm>>
      tpu.wait_dma2 semaphore(%run_scoped3A : memref<!tpu.dma_semaphore, #tpu.memory_space<semaphore_mem>>) src(%dma_wait3A_60 : memref<40x128xi32, #tpu.memory_space<hbm>>) dst(%arg8 : memref<40x128xi32, #tpu.memory_space<vmem>>)
      tpu.yield
    }) : () -> ()
    %dma_start3A_18 = arith.constant 0 : i32
    %dma_start3A_19 = arith.constant 0 : i32
    %dma_start3A_20 = tpu.memref_slice %arg7[%dma_start3A_18, %dma_start3A_19] : memref<40x128xi32, #tpu.memory_space<vmem>> -> memref<1x128xi32, #tpu.memory_space<vmem>>
    %dma_start3A_21 = tpu.memref_squeeze %dma_start3A_20 : memref<1x128xi32, #tpu.memory_space<vmem>> -> memref<128xi32, #tpu.memory_space<vmem>>
    %dma_start3A_22 = arith.constant 0 : i32
    %dma_start3A_23 = arith.constant 0 : i32
    %dma_start3A_24 = tpu.memref_slice %arg2[%dma_start3A_22, %dma_start3A_23] : memref<20000x128xf32, #tpu.memory_space<hbm>> -> memref<20000x128xf32, #tpu.memory_space<hbm>>
    tpu.enqueue_indirect_dma source(%dma_start3A_24 : memref<20000x128xf32, #tpu.memory_space<hbm>>) target(%arg9 : memref<128x128xf32, #tpu.memory_space<vmem>>) offsets(%dma_start3A_21 : memref<128xi32, #tpu.memory_space<vmem>>) semaphore(%arg12 : memref<!tpu.dma_semaphore, #tpu.memory_space<semaphore_mem>>)
    %scan3A_25 = arith.constant 0 : i32
    %scan3A_26 = arith.constant 0 : i32
    %scan3A_27 = arith.constant 20 : i32
    %scan3A_28 = arith.addi %scan3A_26, %scan3A_27 : i32
    %scan3A_29 = arith.constant 1 : i32
    scf.for %scan3A_45 = %scan3A_26 to %scan3A_28 step %scan3A_29  : i32 {
      %mul3A_46 = arith.constant 2 : i32
      %mul3A_47 = arith.muli %mul3A_46, %scan3A_45 : i32
      %add3A_48 = arith.constant 1 : i32
      %add3A_49 = arith.addi %mul3A_47, %add3A_48 : i32
      %dma_start3A_50 = arith.constant 0 : i32
      %dma_start3A_51 = tpu.memref_slice %arg7[%add3A_49, %dma_start3A_50] : memref<40x128xi32, #tpu.memory_space<vmem>> -> memref<1x128xi32, #tpu.memory_space<vmem>>
      %dma_start3A_52 = tpu.memref_squeeze %dma_start3A_51 : memref<1x128xi32, #tpu.memory_space<vmem>> -> memref<128xi32, #tpu.memory_space<vmem>>
      %dma_start3A_53 = arith.constant 0 : i32
      %dma_start3A_54 = arith.constant 0 : i32
      %dma_start3A_55 = tpu.memref_slice %arg2[%dma_start3A_53, %dma_start3A_54] : memref<20000x128xf32, #tpu.memory_space<hbm>> -> memref<20000x128xf32, #tpu.memory_space<hbm>>
      tpu.enqueue_indirect_dma source(%dma_start3A_55 : memref<20000x128xf32, #tpu.memory_space<hbm>>) target(%arg10 : memref<128x128xf32, #tpu.memory_space<vmem>>) offsets(%dma_start3A_52 : memref<128xi32, #tpu.memory_space<vmem>>) semaphore(%arg13 : memref<!tpu.dma_semaphore, #tpu.memory_space<semaphore_mem>>)
      %dma_wait3A_56 = arith.constant 0 : i32
      %dma_wait3A_57 = tpu.memref_slice %arg7[%mul3A_47, %dma_wait3A_56] : memref<40x128xi32, #tpu.memory_space<vmem>> -> memref<1x128xi32, #tpu.memory_space<vmem>>
      %dma_wait3A_58 = tpu.memref_squeeze %dma_wait3A_57 : memref<1x128xi32, #tpu.memory_space<vmem>> -> memref<128xi32, #tpu.memory_space<vmem>>
      %dma_wait3A_59 = arith.constant 0 : i32
      %dma_wait3A_60 = arith.constant 0 : i32
      %dma_wait3A_61 = tpu.memref_slice %arg2[%dma_wait3A_59, %dma_wait3A_60] : memref<20000x128xf32, #tpu.memory_space<hbm>> -> memref<20000x128xf32, #tpu.memory_space<hbm>>
      tpu.wait_indirect_dma semaphore(%arg12 : memref<!tpu.dma_semaphore, #tpu.memory_space<semaphore_mem>>) src(%dma_wait3A_61 : memref<20000x128xf32, #tpu.memory_space<hbm>>) dst(%arg9 : memref<128x128xf32, #tpu.memory_space<vmem>>)
      "tpu.region"() ({
        %run_scoped3A = tpu.sem_alloc : memref<!tpu.dma_semaphore, #tpu.memory_space<semaphore_mem>>
        %dma_start3A_81 = arith.constant 0 : i32
        %dma_start3A_82 = tpu.memref_slice %arg8[%mul3A_47, %dma_start3A_81] : memref<40x128xi32, #tpu.memory_space<vmem>> -> memref<1x128xi32, #tpu.memory_space<vmem>>
        %dma_start3A_83 = tpu.memref_squeeze %dma_start3A_82 : memref<1x128xi32, #tpu.memory_space<vmem>> -> memref<128xi32, #tpu.memory_space<vmem>>
        %dma_start3A_84 = arith.constant 0 : i32
        %dma_start3A_85 = arith.constant 0 : i32
        %dma_start3A_86 = tpu.memref_slice %arg11[%dma_start3A_84, %dma_start3A_85] : memref<10112x128xf32, #tpu.memory_space<vmem_shared>> -> memref<10112x128xf32, #tpu.memory_space<vmem_shared>>
        tpu.enqueue_indirect_dma source(%arg9 : memref<128x128xf32, #tpu.memory_space<vmem>>) target(%dma_start3A_86 : memref<10112x128xf32, #tpu.memory_space<vmem_shared>>) offsets(%dma_start3A_83 : memref<128xi32, #tpu.memory_space<vmem>>) semaphore(%run_scoped3A : memref<!tpu.dma_semaphore, #tpu.memory_space<semaphore_mem>>) {add = true}
        %dma_wait3A_87 = arith.constant 0 : i32
        %dma_wait3A_88 = tpu.memref_slice %arg8[%mul3A_47, %dma_wait3A_87] : memref<40x128xi32, #tpu.memory_space<vmem>> -> memref<1x128xi32, #tpu.memory_space<vmem>>
        %dma_wait3A_89 = tpu.memref_squeeze %dma_wait3A_88 : memref<1x128xi32, #tpu.memory_space<vmem>> -> memref<128xi32, #tpu.memory_space<vmem>>
        %dma_wait3A_90 = arith.constant 0 : i32
        %dma_wait3A_91 = arith.constant 0 : i32
        %dma_wait3A_92 = tpu.memref_slice %arg11[%dma_wait3A_90, %dma_wait3A_91] : memref<10112x128xf32, #tpu.memory_space<vmem_shared>> -> memref<10112x128xf32, #tpu.memory_space<vmem_shared>>
        tpu.wait_indirect_dma semaphore(%run_scoped3A : memref<!tpu.dma_semaphore, #tpu.memory_space<semaphore_mem>>) src(%arg9 : memref<128x128xf32, #tpu.memory_space<vmem>>) dst(%dma_wait3A_92 : memref<10112x128xf32, #tpu.memory_space<vmem_shared>>)
        tpu.yield
      }) : () -> ()
      %add3A_62 = arith.constant 2 : i32
      %add3A_63 = arith.addi %mul3A_47, %add3A_62 : i32
      %min3A = arith.constant 39 : i32
      %min3A_64 = arith.minsi %add3A_63, %min3A : i32
      %dma_start3A_65 = arith.constant 0 : i32
      %dma_start3A_66 = tpu.memref_slice %arg7[%min3A_64, %dma_start3A_65] : memref<40x128xi32, #tpu.memory_space<vmem>> -> memref<1x128xi32, #tpu.memory_space<vmem>>
      %dma_start3A_67 = tpu.memref_squeeze %dma_start3A_66 : memref<1x128xi32, #tpu.memory_space<vmem>> -> memref<128xi32, #tpu.memory_space<vmem>>
      %dma_start3A_68 = arith.constant 0 : i32
      %dma_start3A_69 = arith.constant 0 : i32
      %dma_start3A_70 = tpu.memref_slice %arg2[%dma_start3A_68, %dma_start3A_69] : memref<20000x128xf32, #tpu.memory_space<hbm>> -> memref<20000x128xf32, #tpu.memory_space<hbm>>
      tpu.enqueue_indirect_dma source(%dma_start3A_70 : memref<20000x128xf32, #tpu.memory_space<hbm>>) target(%arg9 : memref<128x128xf32, #tpu.memory_space<vmem>>) offsets(%dma_start3A_67 : memref<128xi32, #tpu.memory_space<vmem>>) semaphore(%arg12 : memref<!tpu.dma_semaphore, #tpu.memory_space<semaphore_mem>>)
      %add3A_71 = arith.constant 1 : i32
      %add3A_72 = arith.addi %mul3A_47, %add3A_71 : i32
      %dma_wait3A_73 = arith.constant 0 : i32
      %dma_wait3A_74 = tpu.memref_slice %arg7[%add3A_72, %dma_wait3A_73] : memref<40x128xi32, #tpu.memory_space<vmem>> -> memref<1x128xi32, #tpu.memory_space<vmem>>
      %dma_wait3A_75 = tpu.memref_squeeze %dma_wait3A_74 : memref<1x128xi32, #tpu.memory_space<vmem>> -> memref<128xi32, #tpu.memory_space<vmem>>
      %dma_wait3A_76 = arith.constant 0 : i32
      %dma_wait3A_77 = arith.constant 0 : i32
      %dma_wait3A_78 = tpu.memref_slice %arg2[%dma_wait3A_76, %dma_wait3A_77] : memref<20000x128xf32, #tpu.memory_space<hbm>> -> memref<20000x128xf32, #tpu.memory_space<hbm>>
      tpu.wait_indirect_dma semaphore(%arg13 : memref<!tpu.dma_semaphore, #tpu.memory_space<semaphore_mem>>) src(%dma_wait3A_78 : memref<20000x128xf32, #tpu.memory_space<hbm>>) dst(%arg10 : memref<128x128xf32, #tpu.memory_space<vmem>>)
      %add3A_79 = arith.constant 1 : i32
      %add3A_80 = arith.addi %mul3A_47, %add3A_79 : i32
      "tpu.region"() ({
        %run_scoped3A = tpu.sem_alloc : memref<!tpu.dma_semaphore, #tpu.memory_space<semaphore_mem>>
        %dma_start3A_81 = arith.constant 0 : i32
        %dma_start3A_82 = tpu.memref_slice %arg8[%add3A_80, %dma_start3A_81] : memref<40x128xi32, #tpu.memory_space<vmem>> -> memref<1x128xi32, #tpu.memory_space<vmem>>
        %dma_start3A_83 = tpu.memref_squeeze %dma_start3A_82 : memref<1x128xi32, #tpu.memory_space<vmem>> -> memref<128xi32, #tpu.memory_space<vmem>>
        %dma_start3A_84 = arith.constant 0 : i32
        %dma_start3A_85 = arith.constant 0 : i32
        %dma_start3A_86 = tpu.memref_slice %arg11[%dma_start3A_84, %dma_start3A_85] : memref<10112x128xf32, #tpu.memory_space<vmem_shared>> -> memref<10112x128xf32, #tpu.memory_space<vmem_shared>>
        tpu.enqueue_indirect_dma source(%arg10 : memref<128x128xf32, #tpu.memory_space<vmem>>) target(%dma_start3A_86 : memref<10112x128xf32, #tpu.memory_space<vmem_shared>>) offsets(%dma_start3A_83 : memref<128xi32, #tpu.memory_space<vmem>>) semaphore(%run_scoped3A : memref<!tpu.dma_semaphore, #tpu.memory_space<semaphore_mem>>) {add = true}
        %dma_wait3A_87 = arith.constant 0 : i32
        %dma_wait3A_88 = tpu.memref_slice %arg8[%add3A_80, %dma_wait3A_87] : memref<40x128xi32, #tpu.memory_space<vmem>> -> memref<1x128xi32, #tpu.memory_space<vmem>>
        %dma_wait3A_89 = tpu.memref_squeeze %dma_wait3A_88 : memref<1x128xi32, #tpu.memory_space<vmem>> -> memref<128xi32, #tpu.memory_space<vmem>>
        %dma_wait3A_90 = arith.constant 0 : i32
        %dma_wait3A_91 = arith.constant 0 : i32
        %dma_wait3A_92 = tpu.memref_slice %arg11[%dma_wait3A_90, %dma_wait3A_91] : memref<10112x128xf32, #tpu.memory_space<vmem_shared>> -> memref<10112x128xf32, #tpu.memory_space<vmem_shared>>
        tpu.wait_indirect_dma semaphore(%run_scoped3A : memref<!tpu.dma_semaphore, #tpu.memory_space<semaphore_mem>>) src(%arg10 : memref<128x128xf32, #tpu.memory_space<vmem>>) dst(%dma_wait3A_92 : memref<10112x128xf32, #tpu.memory_space<vmem_shared>>)
        tpu.yield
      }) : () -> ()
    }
    %scan3A_30 = arith.constant 20 : i32
    %dma_wait3A_31 = arith.constant 0 : i32
    %dma_wait3A_32 = arith.constant 0 : i32
    %dma_wait3A_33 = tpu.memref_slice %arg7[%dma_wait3A_31, %dma_wait3A_32] : memref<40x128xi32, #tpu.memory_space<vmem>> -> memref<1x128xi32, #tpu.memory_space<vmem>>
    %dma_wait3A_34 = tpu.memref_squeeze %dma_wait3A_33 : memref<1x128xi32, #tpu.memory_space<vmem>> -> memref<128xi32, #tpu.memory_space<vmem>>
    %dma_wait3A_35 = arith.constant 0 : i32
    %dma_wait3A_36 = arith.constant 0 : i32
    %dma_wait3A_37 = tpu.memref_slice %arg2[%dma_wait3A_35, %dma_wait3A_36] : memref<20000x128xf32, #tpu.memory_space<hbm>> -> memref<20000x128xf32, #tpu.memory_space<hbm>>
    tpu.wait_indirect_dma semaphore(%arg12 : memref<!tpu.dma_semaphore, #tpu.memory_space<semaphore_mem>>) src(%dma_wait3A_37 : memref<20000x128xf32, #tpu.memory_space<hbm>>) dst(%arg9 : memref<128x128xf32, #tpu.memory_space<vmem>>)
    %barrier3A_38 = arith.constant 0 : index
    tpu.barrier barrier_id(%barrier3A_38)
    %mul3A_39 = arith.constant 632 : i32
    %mul3A_40 = arith.muli %arg1, %mul3A_39 : i32
    %mul3A_41 = arith.constant 10112 : i32
    %mul3A_42 = arith.muli %arg0, %mul3A_41 : i32
    %mul3A_43 = arith.constant 632 : i32
    %mul3A_44 = arith.muli %arg1, %mul3A_43 : i32
    %add3A = arith.addi %mul3A_42, %mul3A_44 : i32
    "tpu.region"() ({
      %run_scoped3A = tpu.sem_alloc : memref<!tpu.dma_semaphore, #tpu.memory_space<semaphore_mem>>
      %dma_start3A_45 = arith.constant 0 : i32
      %dma_start3A_46 = tpu.memref_slice %arg6[%add3A, %dma_start3A_45] : memref<20224x128xf32, #tpu.memory_space<hbm>> -> memref<632x128xf32, #tpu.memory_space<hbm>>
      %dma_start3A_47 = arith.constant 0 : i32
      %dma_start3A_48 = tpu.memref_slice %arg11[%mul3A_40, %dma_start3A_47] : memref<10112x128xf32, #tpu.memory_space<vmem_shared>> -> memref<632x128xf32, #tpu.memory_space<vmem_shared>>
      tpu.enqueue_dma source(%dma_start3A_48 : memref<632x128xf32, #tpu.memory_space<vmem_shared>>) target(%dma_start3A_46 : memref<632x128xf32, #tpu.memory_space<hbm>>) target_semaphore(%run_scoped3A : memref<!tpu.dma_semaphore, #tpu.memory_space<semaphore_mem>>)
      %dma_wait3A_49 = arith.constant 0 : i32
      %dma_wait3A_50 = tpu.memref_slice %arg6[%add3A, %dma_wait3A_49] : memref<20224x128xf32, #tpu.memory_space<hbm>> -> memref<632x128xf32, #tpu.memory_space<hbm>>
      %dma_wait3A_51 = arith.constant 0 : i32
      %dma_wait3A_52 = tpu.memref_slice %arg11[%mul3A_40, %dma_wait3A_51] : memref<10112x128xf32, #tpu.memory_space<vmem_shared>> -> memref<632x128xf32, #tpu.memory_space<vmem_shared>>
      tpu.wait_dma2 semaphore(%run_scoped3A : memref<!tpu.dma_semaphore, #tpu.memory_space<semaphore_mem>>) src(%dma_wait3A_52 : memref<632x128xf32, #tpu.memory_space<vmem_shared>>) dst(%dma_wait3A_50 : memref<632x128xf32, #tpu.memory_space<hbm>>)
      tpu.yield
    }) : () -> ()
    return
  }
}

#map = affine_map<(d0, d1) -> (0, 0)>
#map1 = affine_map<(d0, d1) -> (0, 0, 0, 0)>
#map2 = affine_map<(d0, d1) -> (0, 0, 0)>
module attributes {stable_mosaic.version = 14 : i64} {
  func.func @aggk(%arg0: i32, %arg1: i32, %arg2: memref<20000x128xf32, #tpu.memory_space<hbm>>, %arg3: memref<2x16x80x128xi32, #tpu.memory_space<hbm>>, %arg4: memref<16x80x128xi32, #tpu.memory_space<hbm>>, %arg5: memref<632x128xf32, #tpu.memory_space<hbm>>, %arg6: memref<20224x128xf32, #tpu.memory_space<hbm>>, %arg7: memref<40x128xi32, #tpu.memory_space<vmem>>, %arg8: memref<40x128xi32, #tpu.memory_space<vmem>>, %arg9: memref<128x128xf32, #tpu.memory_space<vmem>>, %arg10: memref<128x128xf32, #tpu.memory_space<vmem>>, %arg11: memref<10112x128xf32, #tpu.memory_space<vmem_shared>>, %arg12: memref<!tpu.dma_semaphore, #tpu.memory_space<semaphore_mem>>, %arg13: memref<!tpu.dma_semaphore, #tpu.memory_space<semaphore_mem>>, %arg14: memref<!tpu.dma_semaphore, #tpu.memory_space<semaphore_mem>>, %arg15: memref<!tpu.dma_semaphore, #tpu.memory_space<semaphore_mem>>) attributes {dimension_semantics = [#tpu.dimension_semantics<core_parallel>, #tpu.dimension_semantics<subcore_parallel>], iteration_bounds = array<i64: 2, 16>, scalar_prefetch = 0 : i64, scratch_operands = 9 : i64, tpu.core_type = #tpu.core_type<sc_vector_subcore>, window_params = [{transform_indices = #map}, {transform_indices = #map1}, {transform_indices = #map2}, {transform_indices = #map}, {transform_indices = #map}]} {
    %mul3A = arith.constant 632 : i32
    %mul3A_0 = arith.muli %arg1, %mul3A : i32
    "tpu.region"() ({
      %run_scoped3A = tpu.sem_alloc : memref<!tpu.dma_semaphore, #tpu.memory_space<semaphore_mem>>
      %dma_start3A_45 = arith.constant 0 : i32
      %dma_start3A_46 = tpu.memref_slice %arg11[%mul3A_0, %dma_start3A_45] : memref<10112x128xf32, #tpu.memory_space<vmem_shared>> -> memref<632x128xf32, #tpu.memory_space<vmem_shared>>
      tpu.enqueue_dma source(%arg5 : memref<632x128xf32, #tpu.memory_space<hbm>>) target(%dma_start3A_46 : memref<632x128xf32, #tpu.memory_space<vmem_shared>>) target_semaphore(%run_scoped3A : memref<!tpu.dma_semaphore, #tpu.memory_space<semaphore_mem>>)
      %dma_wait3A_47 = arith.constant 0 : i32
      %dma_wait3A_48 = tpu.memref_slice %arg11[%mul3A_0, %dma_wait3A_47] : memref<10112x128xf32, #tpu.memory_space<vmem_shared>> -> memref<632x128xf32, #tpu.memory_space<vmem_shared>>
      tpu.wait_dma2 semaphore(%run_scoped3A : memref<!tpu.dma_semaphore, #tpu.memory_space<semaphore_mem>>) src(%arg5 : memref<632x128xf32, #tpu.memory_space<hbm>>) dst(%dma_wait3A_48 : memref<632x128xf32, #tpu.memory_space<vmem_shared>>)
      tpu.yield
    }) : () -> ()
    %barrier3A = arith.constant 0 : index
    tpu.barrier barrier_id(%barrier3A)
    "tpu.region"() ({
      %run_scoped3A = tpu.sem_alloc : memref<!tpu.dma_semaphore, #tpu.memory_space<semaphore_mem>>
      %dma_start3A_45 = arith.constant 0 : i32
      %dma_start3A_46 = arith.constant 0 : i32
      %dma_start3A_47 = tpu.memref_slice %arg3[%arg0, %arg1, %dma_start3A_45, %dma_start3A_46] : memref<2x16x80x128xi32, #tpu.memory_space<hbm>> -> memref<1x1x40x128xi32, #tpu.memory_space<hbm>>
      %dma_start3A_48 = tpu.memref_squeeze %dma_start3A_47 : memref<1x1x40x128xi32, #tpu.memory_space<hbm>> -> memref<40x128xi32, #tpu.memory_space<hbm>>
      %dma_start3A_49 = arith.constant 0 : i32
      %dma_start3A_50 = arith.constant 0 : i32
      %dma_start3A_51 = tpu.memref_slice %arg3[%arg0, %arg1, %dma_start3A_49, %dma_start3A_50] : memref<2x16x80x128xi32, #tpu.memory_space<hbm>> -> memref<1x1x40x128xi32, #tpu.memory_space<hbm>>
      %dma_start3A_52 = tpu.memref_squeeze %dma_start3A_51 : memref<1x1x40x128xi32, #tpu.memory_space<hbm>> -> memref<40x128xi32, #tpu.memory_space<hbm>>
      tpu.enqueue_dma source(%dma_start3A_52 : memref<40x128xi32, #tpu.memory_space<hbm>>) target(%arg7 : memref<40x128xi32, #tpu.memory_space<vmem>>) target_semaphore(%run_scoped3A : memref<!tpu.dma_semaphore, #tpu.memory_space<semaphore_mem>>)
      %dma_wait3A_53 = arith.constant 0 : i32
      %dma_wait3A_54 = arith.constant 0 : i32
      %dma_wait3A_55 = tpu.memref_slice %arg3[%arg0, %arg1, %dma_wait3A_53, %dma_wait3A_54] : memref<2x16x80x128xi32, #tpu.memory_space<hbm>> -> memref<1x1x40x128xi32, #tpu.memory_space<hbm>>
      %dma_wait3A_56 = tpu.memref_squeeze %dma_wait3A_55 : memref<1x1x40x128xi32, #tpu.memory_space<hbm>> -> memref<40x128xi32, #tpu.memory_space<hbm>>
      %dma_wait3A_57 = arith.constant 0 : i32
      %dma_wait3A_58 = arith.constant 0 : i32
      %dma_wait3A_59 = tpu.memref_slice %arg3[%arg0, %arg1, %dma_wait3A_57, %dma_wait3A_58] : memref<2x16x80x128xi32, #tpu.memory_space<hbm>> -> memref<1x1x40x128xi32, #tpu.memory_space<hbm>>
      %dma_wait3A_60 = tpu.memref_squeeze %dma_wait3A_59 : memref<1x1x40x128xi32, #tpu.memory_space<hbm>> -> memref<40x128xi32, #tpu.memory_space<hbm>>
      tpu.wait_dma2 semaphore(%run_scoped3A : memref<!tpu.dma_semaphore, #tpu.memory_space<semaphore_mem>>) src(%dma_wait3A_60 : memref<40x128xi32, #tpu.memory_space<hbm>>) dst(%arg7 : memref<40x128xi32, #tpu.memory_space<vmem>>)
      tpu.yield
    }) : () -> ()
    "tpu.region"() ({
      %run_scoped3A = tpu.sem_alloc : memref<!tpu.dma_semaphore, #tpu.memory_space<semaphore_mem>>
      %dma_start3A_45 = arith.constant 0 : i32
      %dma_start3A_46 = arith.constant 0 : i32
      %dma_start3A_47 = tpu.memref_slice %arg4[%arg1, %dma_start3A_45, %dma_start3A_46] : memref<16x80x128xi32, #tpu.memory_space<hbm>> -> memref<1x40x128xi32, #tpu.memory_space<hbm>>
      %dma_start3A_48 = tpu.memref_squeeze %dma_start3A_47 : memref<1x40x128xi32, #tpu.memory_space<hbm>> -> memref<40x128xi32, #tpu.memory_space<hbm>>
      %dma_start3A_49 = arith.constant 0 : i32
      %dma_start3A_50 = arith.constant 0 : i32
      %dma_start3A_51 = tpu.memref_slice %arg4[%arg1, %dma_start3A_49, %dma_start3A_50] : memref<16x80x128xi32, #tpu.memory_space<hbm>> -> memref<1x40x128xi32, #tpu.memory_space<hbm>>
      %dma_start3A_52 = tpu.memref_squeeze %dma_start3A_51 : memref<1x40x128xi32, #tpu.memory_space<hbm>> -> memref<40x128xi32, #tpu.memory_space<hbm>>
      tpu.enqueue_dma source(%dma_start3A_52 : memref<40x128xi32, #tpu.memory_space<hbm>>) target(%arg8 : memref<40x128xi32, #tpu.memory_space<vmem>>) target_semaphore(%run_scoped3A : memref<!tpu.dma_semaphore, #tpu.memory_space<semaphore_mem>>)
      %dma_wait3A_53 = arith.constant 0 : i32
      %dma_wait3A_54 = arith.constant 0 : i32
      %dma_wait3A_55 = tpu.memref_slice %arg4[%arg1, %dma_wait3A_53, %dma_wait3A_54] : memref<16x80x128xi32, #tpu.memory_space<hbm>> -> memref<1x40x128xi32, #tpu.memory_space<hbm>>
      %dma_wait3A_56 = tpu.memref_squeeze %dma_wait3A_55 : memref<1x40x128xi32, #tpu.memory_space<hbm>> -> memref<40x128xi32, #tpu.memory_space<hbm>>
      %dma_wait3A_57 = arith.constant 0 : i32
      %dma_wait3A_58 = arith.constant 0 : i32
      %dma_wait3A_59 = tpu.memref_slice %arg4[%arg1, %dma_wait3A_57, %dma_wait3A_58] : memref<16x80x128xi32, #tpu.memory_space<hbm>> -> memref<1x40x128xi32, #tpu.memory_space<hbm>>
      %dma_wait3A_60 = tpu.memref_squeeze %dma_wait3A_59 : memref<1x40x128xi32, #tpu.memory_space<hbm>> -> memref<40x128xi32, #tpu.memory_space<hbm>>
      tpu.wait_dma2 semaphore(%run_scoped3A : memref<!tpu.dma_semaphore, #tpu.memory_space<semaphore_mem>>) src(%dma_wait3A_60 : memref<40x128xi32, #tpu.memory_space<hbm>>) dst(%arg8 : memref<40x128xi32, #tpu.memory_space<vmem>>)
      tpu.yield
    }) : () -> ()
    %dma_start3A = arith.constant 0 : i32
    %dma_start3A_1 = arith.constant 0 : i32
    %dma_start3A_2 = tpu.memref_slice %arg7[%dma_start3A, %dma_start3A_1] : memref<40x128xi32, #tpu.memory_space<vmem>> -> memref<1x128xi32, #tpu.memory_space<vmem>>
    %dma_start3A_3 = tpu.memref_squeeze %dma_start3A_2 : memref<1x128xi32, #tpu.memory_space<vmem>> -> memref<128xi32, #tpu.memory_space<vmem>>
    %dma_start3A_4 = arith.constant 0 : i32
    %dma_start3A_5 = arith.constant 0 : i32
    %dma_start3A_6 = tpu.memref_slice %arg2[%dma_start3A_4, %dma_start3A_5] : memref<20000x128xf32, #tpu.memory_space<hbm>> -> memref<20000x128xf32, #tpu.memory_space<hbm>>
    tpu.enqueue_indirect_dma source(%dma_start3A_6 : memref<20000x128xf32, #tpu.memory_space<hbm>>) target(%arg9 : memref<128x128xf32, #tpu.memory_space<vmem>>) offsets(%dma_start3A_3 : memref<128xi32, #tpu.memory_space<vmem>>) semaphore(%arg12 : memref<!tpu.dma_semaphore, #tpu.memory_space<semaphore_mem>>)
    %scan3A = arith.constant 0 : i32
    %scan3A_7 = arith.constant 0 : i32
    %scan3A_8 = arith.constant 20 : i32
    %scan3A_9 = arith.addi %scan3A_7, %scan3A_8 : i32
    %scan3A_10 = arith.constant 1 : i32
    scf.for %scan3A_45 = %scan3A_7 to %scan3A_9 step %scan3A_10  : i32 {
      %mul3A_46 = arith.constant 2 : i32
      %mul3A_47 = arith.muli %mul3A_46, %scan3A_45 : i32
      %add3A_48 = arith.constant 1 : i32
      %add3A_49 = arith.addi %mul3A_47, %add3A_48 : i32
      %dma_start3A_50 = arith.constant 0 : i32
      %dma_start3A_51 = tpu.memref_slice %arg7[%add3A_49, %dma_start3A_50] : memref<40x128xi32, #tpu.memory_space<vmem>> -> memref<1x128xi32, #tpu.memory_space<vmem>>
      %dma_start3A_52 = tpu.memref_squeeze %dma_start3A_51 : memref<1x128xi32, #tpu.memory_space<vmem>> -> memref<128xi32, #tpu.memory_space<vmem>>
      %dma_start3A_53 = arith.constant 0 : i32
      %dma_start3A_54 = arith.constant 0 : i32
      %dma_start3A_55 = tpu.memref_slice %arg2[%dma_start3A_53, %dma_start3A_54] : memref<20000x128xf32, #tpu.memory_space<hbm>> -> memref<20000x128xf32, #tpu.memory_space<hbm>>
      tpu.enqueue_indirect_dma source(%dma_start3A_55 : memref<20000x128xf32, #tpu.memory_space<hbm>>) target(%arg10 : memref<128x128xf32, #tpu.memory_space<vmem>>) offsets(%dma_start3A_52 : memref<128xi32, #tpu.memory_space<vmem>>) semaphore(%arg13 : memref<!tpu.dma_semaphore, #tpu.memory_space<semaphore_mem>>)
      %dma_wait3A_56 = arith.constant 0 : i32
      %dma_wait3A_57 = tpu.memref_slice %arg7[%mul3A_47, %dma_wait3A_56] : memref<40x128xi32, #tpu.memory_space<vmem>> -> memref<1x128xi32, #tpu.memory_space<vmem>>
      %dma_wait3A_58 = tpu.memref_squeeze %dma_wait3A_57 : memref<1x128xi32, #tpu.memory_space<vmem>> -> memref<128xi32, #tpu.memory_space<vmem>>
      %dma_wait3A_59 = arith.constant 0 : i32
      %dma_wait3A_60 = arith.constant 0 : i32
      %dma_wait3A_61 = tpu.memref_slice %arg2[%dma_wait3A_59, %dma_wait3A_60] : memref<20000x128xf32, #tpu.memory_space<hbm>> -> memref<20000x128xf32, #tpu.memory_space<hbm>>
      tpu.wait_indirect_dma semaphore(%arg12 : memref<!tpu.dma_semaphore, #tpu.memory_space<semaphore_mem>>) src(%dma_wait3A_61 : memref<20000x128xf32, #tpu.memory_space<hbm>>) dst(%arg9 : memref<128x128xf32, #tpu.memory_space<vmem>>)
      "tpu.region"() ({
        %run_scoped3A = tpu.sem_alloc : memref<!tpu.dma_semaphore, #tpu.memory_space<semaphore_mem>>
        %dma_start3A_81 = arith.constant 0 : i32
        %dma_start3A_82 = tpu.memref_slice %arg8[%mul3A_47, %dma_start3A_81] : memref<40x128xi32, #tpu.memory_space<vmem>> -> memref<1x128xi32, #tpu.memory_space<vmem>>
        %dma_start3A_83 = tpu.memref_squeeze %dma_start3A_82 : memref<1x128xi32, #tpu.memory_space<vmem>> -> memref<128xi32, #tpu.memory_space<vmem>>
        %dma_start3A_84 = arith.constant 0 : i32
        %dma_start3A_85 = arith.constant 0 : i32
        %dma_start3A_86 = tpu.memref_slice %arg11[%dma_start3A_84, %dma_start3A_85] : memref<10112x128xf32, #tpu.memory_space<vmem_shared>> -> memref<10112x128xf32, #tpu.memory_space<vmem_shared>>
        tpu.enqueue_indirect_dma source(%arg9 : memref<128x128xf32, #tpu.memory_space<vmem>>) target(%dma_start3A_86 : memref<10112x128xf32, #tpu.memory_space<vmem_shared>>) offsets(%dma_start3A_83 : memref<128xi32, #tpu.memory_space<vmem>>) semaphore(%run_scoped3A : memref<!tpu.dma_semaphore, #tpu.memory_space<semaphore_mem>>) {add = true}
        %dma_wait3A_87 = arith.constant 0 : i32
        %dma_wait3A_88 = tpu.memref_slice %arg8[%mul3A_47, %dma_wait3A_87] : memref<40x128xi32, #tpu.memory_space<vmem>> -> memref<1x128xi32, #tpu.memory_space<vmem>>
        %dma_wait3A_89 = tpu.memref_squeeze %dma_wait3A_88 : memref<1x128xi32, #tpu.memory_space<vmem>> -> memref<128xi32, #tpu.memory_space<vmem>>
        %dma_wait3A_90 = arith.constant 0 : i32
        %dma_wait3A_91 = arith.constant 0 : i32
        %dma_wait3A_92 = tpu.memref_slice %arg11[%dma_wait3A_90, %dma_wait3A_91] : memref<10112x128xf32, #tpu.memory_space<vmem_shared>> -> memref<10112x128xf32, #tpu.memory_space<vmem_shared>>
        tpu.wait_indirect_dma semaphore(%run_scoped3A : memref<!tpu.dma_semaphore, #tpu.memory_space<semaphore_mem>>) src(%arg9 : memref<128x128xf32, #tpu.memory_space<vmem>>) dst(%dma_wait3A_92 : memref<10112x128xf32, #tpu.memory_space<vmem_shared>>)
        tpu.yield
      }) : () -> ()
      %add3A_62 = arith.constant 2 : i32
      %add3A_63 = arith.addi %mul3A_47, %add3A_62 : i32
      %min3A = arith.constant 39 : i32
      %min3A_64 = arith.minsi %add3A_63, %min3A : i32
      %dma_start3A_65 = arith.constant 0 : i32
      %dma_start3A_66 = tpu.memref_slice %arg7[%min3A_64, %dma_start3A_65] : memref<40x128xi32, #tpu.memory_space<vmem>> -> memref<1x128xi32, #tpu.memory_space<vmem>>
      %dma_start3A_67 = tpu.memref_squeeze %dma_start3A_66 : memref<1x128xi32, #tpu.memory_space<vmem>> -> memref<128xi32, #tpu.memory_space<vmem>>
      %dma_start3A_68 = arith.constant 0 : i32
      %dma_start3A_69 = arith.constant 0 : i32
      %dma_start3A_70 = tpu.memref_slice %arg2[%dma_start3A_68, %dma_start3A_69] : memref<20000x128xf32, #tpu.memory_space<hbm>> -> memref<20000x128xf32, #tpu.memory_space<hbm>>
      tpu.enqueue_indirect_dma source(%dma_start3A_70 : memref<20000x128xf32, #tpu.memory_space<hbm>>) target(%arg9 : memref<128x128xf32, #tpu.memory_space<vmem>>) offsets(%dma_start3A_67 : memref<128xi32, #tpu.memory_space<vmem>>) semaphore(%arg12 : memref<!tpu.dma_semaphore, #tpu.memory_space<semaphore_mem>>)
      %add3A_71 = arith.constant 1 : i32
      %add3A_72 = arith.addi %mul3A_47, %add3A_71 : i32
      %dma_wait3A_73 = arith.constant 0 : i32
      %dma_wait3A_74 = tpu.memref_slice %arg7[%add3A_72, %dma_wait3A_73] : memref<40x128xi32, #tpu.memory_space<vmem>> -> memref<1x128xi32, #tpu.memory_space<vmem>>
      %dma_wait3A_75 = tpu.memref_squeeze %dma_wait3A_74 : memref<1x128xi32, #tpu.memory_space<vmem>> -> memref<128xi32, #tpu.memory_space<vmem>>
      %dma_wait3A_76 = arith.constant 0 : i32
      %dma_wait3A_77 = arith.constant 0 : i32
      %dma_wait3A_78 = tpu.memref_slice %arg2[%dma_wait3A_76, %dma_wait3A_77] : memref<20000x128xf32, #tpu.memory_space<hbm>> -> memref<20000x128xf32, #tpu.memory_space<hbm>>
      tpu.wait_indirect_dma semaphore(%arg13 : memref<!tpu.dma_semaphore, #tpu.memory_space<semaphore_mem>>) src(%dma_wait3A_78 : memref<20000x128xf32, #tpu.memory_space<hbm>>) dst(%arg10 : memref<128x128xf32, #tpu.memory_space<vmem>>)
      %add3A_79 = arith.constant 1 : i32
      %add3A_80 = arith.addi %mul3A_47, %add3A_79 : i32
      "tpu.region"() ({
        %run_scoped3A = tpu.sem_alloc : memref<!tpu.dma_semaphore, #tpu.memory_space<semaphore_mem>>
        %dma_start3A_81 = arith.constant 0 : i32
        %dma_start3A_82 = tpu.memref_slice %arg8[%add3A_80, %dma_start3A_81] : memref<40x128xi32, #tpu.memory_space<vmem>> -> memref<1x128xi32, #tpu.memory_space<vmem>>
        %dma_start3A_83 = tpu.memref_squeeze %dma_start3A_82 : memref<1x128xi32, #tpu.memory_space<vmem>> -> memref<128xi32, #tpu.memory_space<vmem>>
        %dma_start3A_84 = arith.constant 0 : i32
        %dma_start3A_85 = arith.constant 0 : i32
        %dma_start3A_86 = tpu.memref_slice %arg11[%dma_start3A_84, %dma_start3A_85] : memref<10112x128xf32, #tpu.memory_space<vmem_shared>> -> memref<10112x128xf32, #tpu.memory_space<vmem_shared>>
        tpu.enqueue_indirect_dma source(%arg10 : memref<128x128xf32, #tpu.memory_space<vmem>>) target(%dma_start3A_86 : memref<10112x128xf32, #tpu.memory_space<vmem_shared>>) offsets(%dma_start3A_83 : memref<128xi32, #tpu.memory_space<vmem>>) semaphore(%run_scoped3A : memref<!tpu.dma_semaphore, #tpu.memory_space<semaphore_mem>>) {add = true}
        %dma_wait3A_87 = arith.constant 0 : i32
        %dma_wait3A_88 = tpu.memref_slice %arg8[%add3A_80, %dma_wait3A_87] : memref<40x128xi32, #tpu.memory_space<vmem>> -> memref<1x128xi32, #tpu.memory_space<vmem>>
        %dma_wait3A_89 = tpu.memref_squeeze %dma_wait3A_88 : memref<1x128xi32, #tpu.memory_space<vmem>> -> memref<128xi32, #tpu.memory_space<vmem>>
        %dma_wait3A_90 = arith.constant 0 : i32
        %dma_wait3A_91 = arith.constant 0 : i32
        %dma_wait3A_92 = tpu.memref_slice %arg11[%dma_wait3A_90, %dma_wait3A_91] : memref<10112x128xf32, #tpu.memory_space<vmem_shared>> -> memref<10112x128xf32, #tpu.memory_space<vmem_shared>>
        tpu.wait_indirect_dma semaphore(%run_scoped3A : memref<!tpu.dma_semaphore, #tpu.memory_space<semaphore_mem>>) src(%arg10 : memref<128x128xf32, #tpu.memory_space<vmem>>) dst(%dma_wait3A_92 : memref<10112x128xf32, #tpu.memory_space<vmem_shared>>)
        tpu.yield
      }) : () -> ()
    }
    %scan3A_11 = arith.constant 20 : i32
    %dma_wait3A = arith.constant 0 : i32
    %dma_wait3A_12 = arith.constant 0 : i32
    %dma_wait3A_13 = tpu.memref_slice %arg7[%dma_wait3A, %dma_wait3A_12] : memref<40x128xi32, #tpu.memory_space<vmem>> -> memref<1x128xi32, #tpu.memory_space<vmem>>
    %dma_wait3A_14 = tpu.memref_squeeze %dma_wait3A_13 : memref<1x128xi32, #tpu.memory_space<vmem>> -> memref<128xi32, #tpu.memory_space<vmem>>
    %dma_wait3A_15 = arith.constant 0 : i32
    %dma_wait3A_16 = arith.constant 0 : i32
    %dma_wait3A_17 = tpu.memref_slice %arg2[%dma_wait3A_15, %dma_wait3A_16] : memref<20000x128xf32, #tpu.memory_space<hbm>> -> memref<20000x128xf32, #tpu.memory_space<hbm>>
    tpu.wait_indirect_dma semaphore(%arg12 : memref<!tpu.dma_semaphore, #tpu.memory_space<semaphore_mem>>) src(%dma_wait3A_17 : memref<20000x128xf32, #tpu.memory_space<hbm>>) dst(%arg9 : memref<128x128xf32, #tpu.memory_space<vmem>>)
    "tpu.region"() ({
      %run_scoped3A = tpu.sem_alloc : memref<!tpu.dma_semaphore, #tpu.memory_space<semaphore_mem>>
      %dma_start3A_45 = arith.constant 40 : i32
      %dma_start3A_46 = arith.constant 0 : i32
      %dma_start3A_47 = tpu.memref_slice %arg3[%arg0, %arg1, %dma_start3A_45, %dma_start3A_46] : memref<2x16x80x128xi32, #tpu.memory_space<hbm>> -> memref<1x1x40x128xi32, #tpu.memory_space<hbm>>
      %dma_start3A_48 = tpu.memref_squeeze %dma_start3A_47 : memref<1x1x40x128xi32, #tpu.memory_space<hbm>> -> memref<40x128xi32, #tpu.memory_space<hbm>>
      %dma_start3A_49 = arith.constant 40 : i32
      %dma_start3A_50 = arith.constant 0 : i32
      %dma_start3A_51 = tpu.memref_slice %arg3[%arg0, %arg1, %dma_start3A_49, %dma_start3A_50] : memref<2x16x80x128xi32, #tpu.memory_space<hbm>> -> memref<1x1x40x128xi32, #tpu.memory_space<hbm>>
      %dma_start3A_52 = tpu.memref_squeeze %dma_start3A_51 : memref<1x1x40x128xi32, #tpu.memory_space<hbm>> -> memref<40x128xi32, #tpu.memory_space<hbm>>
      tpu.enqueue_dma source(%dma_start3A_52 : memref<40x128xi32, #tpu.memory_space<hbm>>) target(%arg7 : memref<40x128xi32, #tpu.memory_space<vmem>>) target_semaphore(%run_scoped3A : memref<!tpu.dma_semaphore, #tpu.memory_space<semaphore_mem>>)
      %dma_wait3A_53 = arith.constant 40 : i32
      %dma_wait3A_54 = arith.constant 0 : i32
      %dma_wait3A_55 = tpu.memref_slice %arg3[%arg0, %arg1, %dma_wait3A_53, %dma_wait3A_54] : memref<2x16x80x128xi32, #tpu.memory_space<hbm>> -> memref<1x1x40x128xi32, #tpu.memory_space<hbm>>
      %dma_wait3A_56 = tpu.memref_squeeze %dma_wait3A_55 : memref<1x1x40x128xi32, #tpu.memory_space<hbm>> -> memref<40x128xi32, #tpu.memory_space<hbm>>
      %dma_wait3A_57 = arith.constant 40 : i32
      %dma_wait3A_58 = arith.constant 0 : i32
      %dma_wait3A_59 = tpu.memref_slice %arg3[%arg0, %arg1, %dma_wait3A_57, %dma_wait3A_58] : memref<2x16x80x128xi32, #tpu.memory_space<hbm>> -> memref<1x1x40x128xi32, #tpu.memory_space<hbm>>
      %dma_wait3A_60 = tpu.memref_squeeze %dma_wait3A_59 : memref<1x1x40x128xi32, #tpu.memory_space<hbm>> -> memref<40x128xi32, #tpu.memory_space<hbm>>
      tpu.wait_dma2 semaphore(%run_scoped3A : memref<!tpu.dma_semaphore, #tpu.memory_space<semaphore_mem>>) src(%dma_wait3A_60 : memref<40x128xi32, #tpu.memory_space<hbm>>) dst(%arg7 : memref<40x128xi32, #tpu.memory_space<vmem>>)
      tpu.yield
    }) : () -> ()
    "tpu.region"() ({
      %run_scoped3A = tpu.sem_alloc : memref<!tpu.dma_semaphore, #tpu.memory_space<semaphore_mem>>
      %dma_start3A_45 = arith.constant 40 : i32
      %dma_start3A_46 = arith.constant 0 : i32
      %dma_start3A_47 = tpu.memref_slice %arg4[%arg1, %dma_start3A_45, %dma_start3A_46] : memref<16x80x128xi32, #tpu.memory_space<hbm>> -> memref<1x40x128xi32, #tpu.memory_space<hbm>>
      %dma_start3A_48 = tpu.memref_squeeze %dma_start3A_47 : memref<1x40x128xi32, #tpu.memory_space<hbm>> -> memref<40x128xi32, #tpu.memory_space<hbm>>
      %dma_start3A_49 = arith.constant 40 : i32
      %dma_start3A_50 = arith.constant 0 : i32
      %dma_start3A_51 = tpu.memref_slice %arg4[%arg1, %dma_start3A_49, %dma_start3A_50] : memref<16x80x128xi32, #tpu.memory_space<hbm>> -> memref<1x40x128xi32, #tpu.memory_space<hbm>>
      %dma_start3A_52 = tpu.memref_squeeze %dma_start3A_51 : memref<1x40x128xi32, #tpu.memory_space<hbm>> -> memref<40x128xi32, #tpu.memory_space<hbm>>
      tpu.enqueue_dma source(%dma_start3A_52 : memref<40x128xi32, #tpu.memory_space<hbm>>) target(%arg8 : memref<40x128xi32, #tpu.memory_space<vmem>>) target_semaphore(%run_scoped3A : memref<!tpu.dma_semaphore, #tpu.memory_space<semaphore_mem>>)
      %dma_wait3A_53 = arith.constant 40 : i32
      %dma_wait3A_54 = arith.constant 0 : i32
      %dma_wait3A_55 = tpu.memref_slice %arg4[%arg1, %dma_wait3A_53, %dma_wait3A_54] : memref<16x80x128xi32, #tpu.memory_space<hbm>> -> memref<1x40x128xi32, #tpu.memory_space<hbm>>
      %dma_wait3A_56 = tpu.memref_squeeze %dma_wait3A_55 : memref<1x40x128xi32, #tpu.memory_space<hbm>> -> memref<40x128xi32, #tpu.memory_space<hbm>>
      %dma_wait3A_57 = arith.constant 40 : i32
      %dma_wait3A_58 = arith.constant 0 : i32
      %dma_wait3A_59 = tpu.memref_slice %arg4[%arg1, %dma_wait3A_57, %dma_wait3A_58] : memref<16x80x128xi32, #tpu.memory_space<hbm>> -> memref<1x40x128xi32, #tpu.memory_space<hbm>>
      %dma_wait3A_60 = tpu.memref_squeeze %dma_wait3A_59 : memref<1x40x128xi32, #tpu.memory_space<hbm>> -> memref<40x128xi32, #tpu.memory_space<hbm>>
      tpu.wait_dma2 semaphore(%run_scoped3A : memref<!tpu.dma_semaphore, #tpu.memory_space<semaphore_mem>>) src(%dma_wait3A_60 : memref<40x128xi32, #tpu.memory_space<hbm>>) dst(%arg8 : memref<40x128xi32, #tpu.memory_space<vmem>>)
      tpu.yield
    }) : () -> ()
    %dma_start3A_18 = arith.constant 0 : i32
    %dma_start3A_19 = arith.constant 0 : i32
    %dma_start3A_20 = tpu.memref_slice %arg7[%dma_start3A_18, %dma_start3A_19] : memref<40x128xi32, #tpu.memory_space<vmem>> -> memref<1x128xi32, #tpu.memory_space<vmem>>
    %dma_start3A_21 = tpu.memref_squeeze %dma_start3A_20 : memref<1x128xi32, #tpu.memory_space<vmem>> -> memref<128xi32, #tpu.memory_space<vmem>>
    %dma_start3A_22 = arith.constant 0 : i32
    %dma_start3A_23 = arith.constant 0 : i32
    %dma_start3A_24 = tpu.memref_slice %arg2[%dma_start3A_22, %dma_start3A_23] : memref<20000x128xf32, #tpu.memory_space<hbm>> -> memref<20000x128xf32, #tpu.memory_space<hbm>>
    tpu.enqueue_indirect_dma source(%dma_start3A_24 : memref<20000x128xf32, #tpu.memory_space<hbm>>) target(%arg9 : memref<128x128xf32, #tpu.memory_space<vmem>>) offsets(%dma_start3A_21 : memref<128xi32, #tpu.memory_space<vmem>>) semaphore(%arg12 : memref<!tpu.dma_semaphore, #tpu.memory_space<semaphore_mem>>)
    %scan3A_25 = arith.constant 0 : i32
    %scan3A_26 = arith.constant 0 : i32
    %scan3A_27 = arith.constant 20 : i32
    %scan3A_28 = arith.addi %scan3A_26, %scan3A_27 : i32
    %scan3A_29 = arith.constant 1 : i32
    scf.for %scan3A_45 = %scan3A_26 to %scan3A_28 step %scan3A_29  : i32 {
      %mul3A_46 = arith.constant 2 : i32
      %mul3A_47 = arith.muli %mul3A_46, %scan3A_45 : i32
      %add3A_48 = arith.constant 1 : i32
      %add3A_49 = arith.addi %mul3A_47, %add3A_48 : i32
      %dma_start3A_50 = arith.constant 0 : i32
      %dma_start3A_51 = tpu.memref_slice %arg7[%add3A_49, %dma_start3A_50] : memref<40x128xi32, #tpu.memory_space<vmem>> -> memref<1x128xi32, #tpu.memory_space<vmem>>
      %dma_start3A_52 = tpu.memref_squeeze %dma_start3A_51 : memref<1x128xi32, #tpu.memory_space<vmem>> -> memref<128xi32, #tpu.memory_space<vmem>>
      %dma_start3A_53 = arith.constant 0 : i32
      %dma_start3A_54 = arith.constant 0 : i32
      %dma_start3A_55 = tpu.memref_slice %arg2[%dma_start3A_53, %dma_start3A_54] : memref<20000x128xf32, #tpu.memory_space<hbm>> -> memref<20000x128xf32, #tpu.memory_space<hbm>>
      tpu.enqueue_indirect_dma source(%dma_start3A_55 : memref<20000x128xf32, #tpu.memory_space<hbm>>) target(%arg10 : memref<128x128xf32, #tpu.memory_space<vmem>>) offsets(%dma_start3A_52 : memref<128xi32, #tpu.memory_space<vmem>>) semaphore(%arg13 : memref<!tpu.dma_semaphore, #tpu.memory_space<semaphore_mem>>)
      %dma_wait3A_56 = arith.constant 0 : i32
      %dma_wait3A_57 = tpu.memref_slice %arg7[%mul3A_47, %dma_wait3A_56] : memref<40x128xi32, #tpu.memory_space<vmem>> -> memref<1x128xi32, #tpu.memory_space<vmem>>
      %dma_wait3A_58 = tpu.memref_squeeze %dma_wait3A_57 : memref<1x128xi32, #tpu.memory_space<vmem>> -> memref<128xi32, #tpu.memory_space<vmem>>
      %dma_wait3A_59 = arith.constant 0 : i32
      %dma_wait3A_60 = arith.constant 0 : i32
      %dma_wait3A_61 = tpu.memref_slice %arg2[%dma_wait3A_59, %dma_wait3A_60] : memref<20000x128xf32, #tpu.memory_space<hbm>> -> memref<20000x128xf32, #tpu.memory_space<hbm>>
      tpu.wait_indirect_dma semaphore(%arg12 : memref<!tpu.dma_semaphore, #tpu.memory_space<semaphore_mem>>) src(%dma_wait3A_61 : memref<20000x128xf32, #tpu.memory_space<hbm>>) dst(%arg9 : memref<128x128xf32, #tpu.memory_space<vmem>>)
      "tpu.region"() ({
        %run_scoped3A = tpu.sem_alloc : memref<!tpu.dma_semaphore, #tpu.memory_space<semaphore_mem>>
        %dma_start3A_81 = arith.constant 0 : i32
        %dma_start3A_82 = tpu.memref_slice %arg8[%mul3A_47, %dma_start3A_81] : memref<40x128xi32, #tpu.memory_space<vmem>> -> memref<1x128xi32, #tpu.memory_space<vmem>>
        %dma_start3A_83 = tpu.memref_squeeze %dma_start3A_82 : memref<1x128xi32, #tpu.memory_space<vmem>> -> memref<128xi32, #tpu.memory_space<vmem>>
        %dma_start3A_84 = arith.constant 0 : i32
        %dma_start3A_85 = arith.constant 0 : i32
        %dma_start3A_86 = tpu.memref_slice %arg11[%dma_start3A_84, %dma_start3A_85] : memref<10112x128xf32, #tpu.memory_space<vmem_shared>> -> memref<10112x128xf32, #tpu.memory_space<vmem_shared>>
        tpu.enqueue_indirect_dma source(%arg9 : memref<128x128xf32, #tpu.memory_space<vmem>>) target(%dma_start3A_86 : memref<10112x128xf32, #tpu.memory_space<vmem_shared>>) offsets(%dma_start3A_83 : memref<128xi32, #tpu.memory_space<vmem>>) semaphore(%run_scoped3A : memref<!tpu.dma_semaphore, #tpu.memory_space<semaphore_mem>>) {add = true}
        %dma_wait3A_87 = arith.constant 0 : i32
        %dma_wait3A_88 = tpu.memref_slice %arg8[%mul3A_47, %dma_wait3A_87] : memref<40x128xi32, #tpu.memory_space<vmem>> -> memref<1x128xi32, #tpu.memory_space<vmem>>
        %dma_wait3A_89 = tpu.memref_squeeze %dma_wait3A_88 : memref<1x128xi32, #tpu.memory_space<vmem>> -> memref<128xi32, #tpu.memory_space<vmem>>
        %dma_wait3A_90 = arith.constant 0 : i32
        %dma_wait3A_91 = arith.constant 0 : i32
        %dma_wait3A_92 = tpu.memref_slice %arg11[%dma_wait3A_90, %dma_wait3A_91] : memref<10112x128xf32, #tpu.memory_space<vmem_shared>> -> memref<10112x128xf32, #tpu.memory_space<vmem_shared>>
        tpu.wait_indirect_dma semaphore(%run_scoped3A : memref<!tpu.dma_semaphore, #tpu.memory_space<semaphore_mem>>) src(%arg9 : memref<128x128xf32, #tpu.memory_space<vmem>>) dst(%dma_wait3A_92 : memref<10112x128xf32, #tpu.memory_space<vmem_shared>>)
        tpu.yield
      }) : () -> ()
      %add3A_62 = arith.constant 2 : i32
      %add3A_63 = arith.addi %mul3A_47, %add3A_62 : i32
      %min3A = arith.constant 39 : i32
      %min3A_64 = arith.minsi %add3A_63, %min3A : i32
      %dma_start3A_65 = arith.constant 0 : i32
      %dma_start3A_66 = tpu.memref_slice %arg7[%min3A_64, %dma_start3A_65] : memref<40x128xi32, #tpu.memory_space<vmem>> -> memref<1x128xi32, #tpu.memory_space<vmem>>
      %dma_start3A_67 = tpu.memref_squeeze %dma_start3A_66 : memref<1x128xi32, #tpu.memory_space<vmem>> -> memref<128xi32, #tpu.memory_space<vmem>>
      %dma_start3A_68 = arith.constant 0 : i32
      %dma_start3A_69 = arith.constant 0 : i32
      %dma_start3A_70 = tpu.memref_slice %arg2[%dma_start3A_68, %dma_start3A_69] : memref<20000x128xf32, #tpu.memory_space<hbm>> -> memref<20000x128xf32, #tpu.memory_space<hbm>>
      tpu.enqueue_indirect_dma source(%dma_start3A_70 : memref<20000x128xf32, #tpu.memory_space<hbm>>) target(%arg9 : memref<128x128xf32, #tpu.memory_space<vmem>>) offsets(%dma_start3A_67 : memref<128xi32, #tpu.memory_space<vmem>>) semaphore(%arg12 : memref<!tpu.dma_semaphore, #tpu.memory_space<semaphore_mem>>)
      %add3A_71 = arith.constant 1 : i32
      %add3A_72 = arith.addi %mul3A_47, %add3A_71 : i32
      %dma_wait3A_73 = arith.constant 0 : i32
      %dma_wait3A_74 = tpu.memref_slice %arg7[%add3A_72, %dma_wait3A_73] : memref<40x128xi32, #tpu.memory_space<vmem>> -> memref<1x128xi32, #tpu.memory_space<vmem>>
      %dma_wait3A_75 = tpu.memref_squeeze %dma_wait3A_74 : memref<1x128xi32, #tpu.memory_space<vmem>> -> memref<128xi32, #tpu.memory_space<vmem>>
      %dma_wait3A_76 = arith.constant 0 : i32
      %dma_wait3A_77 = arith.constant 0 : i32
      %dma_wait3A_78 = tpu.memref_slice %arg2[%dma_wait3A_76, %dma_wait3A_77] : memref<20000x128xf32, #tpu.memory_space<hbm>> -> memref<20000x128xf32, #tpu.memory_space<hbm>>
      tpu.wait_indirect_dma semaphore(%arg13 : memref<!tpu.dma_semaphore, #tpu.memory_space<semaphore_mem>>) src(%dma_wait3A_78 : memref<20000x128xf32, #tpu.memory_space<hbm>>) dst(%arg10 : memref<128x128xf32, #tpu.memory_space<vmem>>)
      %add3A_79 = arith.constant 1 : i32
      %add3A_80 = arith.addi %mul3A_47, %add3A_79 : i32
      "tpu.region"() ({
        %run_scoped3A = tpu.sem_alloc : memref<!tpu.dma_semaphore, #tpu.memory_space<semaphore_mem>>
        %dma_start3A_81 = arith.constant 0 : i32
        %dma_start3A_82 = tpu.memref_slice %arg8[%add3A_80, %dma_start3A_81] : memref<40x128xi32, #tpu.memory_space<vmem>> -> memref<1x128xi32, #tpu.memory_space<vmem>>
        %dma_start3A_83 = tpu.memref_squeeze %dma_start3A_82 : memref<1x128xi32, #tpu.memory_space<vmem>> -> memref<128xi32, #tpu.memory_space<vmem>>
        %dma_start3A_84 = arith.constant 0 : i32
        %dma_start3A_85 = arith.constant 0 : i32
        %dma_start3A_86 = tpu.memref_slice %arg11[%dma_start3A_84, %dma_start3A_85] : memref<10112x128xf32, #tpu.memory_space<vmem_shared>> -> memref<10112x128xf32, #tpu.memory_space<vmem_shared>>
        tpu.enqueue_indirect_dma source(%arg10 : memref<128x128xf32, #tpu.memory_space<vmem>>) target(%dma_start3A_86 : memref<10112x128xf32, #tpu.memory_space<vmem_shared>>) offsets(%dma_start3A_83 : memref<128xi32, #tpu.memory_space<vmem>>) semaphore(%run_scoped3A : memref<!tpu.dma_semaphore, #tpu.memory_space<semaphore_mem>>) {add = true}
        %dma_wait3A_87 = arith.constant 0 : i32
        %dma_wait3A_88 = tpu.memref_slice %arg8[%add3A_80, %dma_wait3A_87] : memref<40x128xi32, #tpu.memory_space<vmem>> -> memref<1x128xi32, #tpu.memory_space<vmem>>
        %dma_wait3A_89 = tpu.memref_squeeze %dma_wait3A_88 : memref<1x128xi32, #tpu.memory_space<vmem>> -> memref<128xi32, #tpu.memory_space<vmem>>
        %dma_wait3A_90 = arith.constant 0 : i32
        %dma_wait3A_91 = arith.constant 0 : i32
        %dma_wait3A_92 = tpu.memref_slice %arg11[%dma_wait3A_90, %dma_wait3A_91] : memref<10112x128xf32, #tpu.memory_space<vmem_shared>> -> memref<10112x128xf32, #tpu.memory_space<vmem_shared>>
        tpu.wait_indirect_dma semaphore(%run_scoped3A : memref<!tpu.dma_semaphore, #tpu.memory_space<semaphore_mem>>) src(%arg10 : memref<128x128xf32, #tpu.memory_space<vmem>>) dst(%dma_wait3A_92 : memref<10112x128xf32, #tpu.memory_space<vmem_shared>>)
        tpu.yield
      }) : () -> ()
    }
    %scan3A_30 = arith.constant 20 : i32
    %dma_wait3A_31 = arith.constant 0 : i32
    %dma_wait3A_32 = arith.constant 0 : i32
    %dma_wait3A_33 = tpu.memref_slice %arg7[%dma_wait3A_31, %dma_wait3A_32] : memref<40x128xi32, #tpu.memory_space<vmem>> -> memref<1x128xi32, #tpu.memory_space<vmem>>
    %dma_wait3A_34 = tpu.memref_squeeze %dma_wait3A_33 : memref<1x128xi32, #tpu.memory_space<vmem>> -> memref<128xi32, #tpu.memory_space<vmem>>
    %dma_wait3A_35 = arith.constant 0 : i32
    %dma_wait3A_36 = arith.constant 0 : i32
    %dma_wait3A_37 = tpu.memref_slice %arg2[%dma_wait3A_35, %dma_wait3A_36] : memref<20000x128xf32, #tpu.memory_space<hbm>> -> memref<20000x128xf32, #tpu.memory_space<hbm>>
    tpu.wait_indirect_dma semaphore(%arg12 : memref<!tpu.dma_semaphore, #tpu.memory_space<semaphore_mem>>) src(%dma_wait3A_37 : memref<20000x128xf32, #tpu.memory_space<hbm>>) dst(%arg9 : memref<128x128xf32, #tpu.memory_space<vmem>>)
    %barrier3A_38 = arith.constant 0 : index
    tpu.barrier barrier_id(%barrier3A_38)
    %mul3A_39 = arith.constant 632 : i32
    %mul3A_40 = arith.muli %arg1, %mul3A_39 : i32
    %mul3A_41 = arith.constant 10112 : i32
    %mul3A_42 = arith.muli %arg0, %mul3A_41 : i32
    %mul3A_43 = arith.constant 632 : i32
    %mul3A_44 = arith.muli %arg1, %mul3A_43 : i32
    %add3A = arith.addi %mul3A_42, %mul3A_44 : i32
    "tpu.region"() ({
      %run_scoped3A = tpu.sem_alloc : memref<!tpu.dma_semaphore, #tpu.memory_space<semaphore_mem>>
      %dma_start3A_45 = arith.constant 0 : i32
      %dma_start3A_46 = tpu.memref_slice %arg6[%add3A, %dma_start3A_45] : memref<20224x128xf32, #tpu.memory_space<hbm>> -> memref<632x128xf32, #tpu.memory_space<hbm>>
      %dma_start3A_47 = arith.constant 0 : i32
      %dma_start3A_48 = tpu.memref_slice %arg11[%mul3A_40, %dma_start3A_47] : memref<10112x128xf32, #tpu.memory_space<vmem_shared>> -> memref<632x128xf32, #tpu.memory_space<vmem_shared>>
      tpu.enqueue_dma source(%dma_start3A_48 : memref<632x128xf32, #tpu.memory_space<vmem_shared>>) target(%dma_start3A_46 : memref<632x128xf32, #tpu.memory_space<hbm>>) target_semaphore(%run_scoped3A : memref<!tpu.dma_semaphore, #tpu.memory_space<semaphore_mem>>)
      %dma_wait3A_49 = arith.constant 0 : i32
      %dma_wait3A_50 = tpu.memref_slice %arg6[%add3A, %dma_wait3A_49] : memref<20224x128xf32, #tpu.memory_space<hbm>> -> memref<632x128xf32, #tpu.memory_space<hbm>>
      %dma_wait3A_51 = arith.constant 0 : i32
      %dma_wait3A_52 = tpu.memref_slice %arg11[%mul3A_40, %dma_wait3A_51] : memref<10112x128xf32, #tpu.memory_space<vmem_shared>> -> memref<632x128xf32, #tpu.memory_space<vmem_shared>>
      tpu.wait_dma2 semaphore(%run_scoped3A : memref<!tpu.dma_semaphore, #tpu.memory_space<semaphore_mem>>) src(%dma_wait3A_52 : memref<632x128xf32, #tpu.memory_space<vmem_shared>>) dst(%dma_wait3A_50 : memref<632x128xf32, #tpu.memory_space<hbm>>)
      tpu.yield
    }) : () -> ()
    return
  }
}

module attributes {stable_mosaic.version = 14 : i64} {
  func.func @body(%arg0: i32, %arg1: memref<2000x256xf32, #tpu.memory_space<vmem>>, %arg2: memref<2x128x256xf32, #tpu.memory_space<vmem>>, %arg3: memref<2x2000x128xf32, #tpu.memory_space<vmem>>, %arg4: memref<2x2000x128xf32, #tpu.memory_space<vmem>>, %arg5: memref<2000x1xf32, #tpu.memory_space<vmem>>) attributes {dimension_semantics = [#tpu.dimension_semantics<arbitrary>], iteration_bounds = array<i64: 5>, scalar_prefetch = 0 : i64, scratch_operands = 0 : i64, tpu.core_type = #tpu.core_type<tc>, window_params = [{transform_indices = @transform_0, window_bounds = array<i64: 2000, 256>}, {pipeline_mode = #tpu.pipeline_mode<synchronous>, transform_indices = @transform_1, window_bounds = array<i64: 2, 128, 256>}, {transform_indices = @transform_2, window_bounds = array<i64: 2, 2000, 128>}, {transform_indices = @transform_3, window_bounds = array<i64: 2, 2000, 128>}, {transform_indices = @transform_4, window_bounds = array<i64: 2000, 1>}]} {
    %get3A = arith.constant 0 : index
    %get3A_0 = arith.constant 0 : index
    %get3A_1 = arith.constant 0 : index
    %get3A_2 = vector.load %arg3[%get3A, %get3A_0, %get3A_1] : memref<2x2000x128xf32, #tpu.memory_space<vmem>>, vector<1x2000x1xf32>
    %get3A_3 = vector.shape_cast %get3A_2 : vector<1x2000x1xf32> to vector<2000x1xf32>
    %get3A_4 = arith.constant 1 : index
    %get3A_5 = arith.constant 0 : index
    %get3A_6 = arith.constant 0 : index
    %get3A_7 = vector.load %arg3[%get3A_4, %get3A_5, %get3A_6] : memref<2x2000x128xf32, #tpu.memory_space<vmem>>, vector<1x2000x1xf32>
    %get3A_8 = vector.shape_cast %get3A_7 : vector<1x2000x1xf32> to vector<2000x1xf32>
    %add3A = arith.addf %get3A_3, %get3A_8 : vector<2000x1xf32>
    %add3A_9 = arith.constant 1.000000e+00 : f32
    %add3A_10 = vector.broadcast %add3A_9 : f32 to vector<2000x1xf32>
    %add3A_11 = arith.addf %add3A, %add3A_10 : vector<2000x1xf32>
    %rsqrt3A = math.rsqrt %add3A_11 : vector<2000x1xf32>
    %swap3A = arith.constant 0 : index
    %swap3A_12 = arith.constant 0 : index
    %swap3A_13 = vector.load %arg5[%swap3A, %swap3A_12] : memref<2000x1xf32, #tpu.memory_space<vmem>>, vector<2000x1xf32>
    tpu.vector_store %arg5[%swap3A, %swap3A_12], %rsqrt3A {strides = array<i32>} : memref<2000x1xf32, #tpu.memory_space<vmem>>, vector<2000x1xf32>,
    %get3A_14 = arith.constant 0 : index
    %get3A_15 = arith.constant 0 : index
    %get3A_16 = vector.load %arg1[%get3A_14, %get3A_15] : memref<2000x256xf32, #tpu.memory_space<vmem>>, vector<2000x256xf32>
    %slice3A = vector.extract_strided_slice %get3A_16 {offsets = [0, 0], sizes = [2000, 128], strides = [1, 1]} : vector<2000x256xf32> to vector<2000x128xf32>
    %get3A_17 = arith.constant 0 : index
    %get3A_18 = arith.constant 0 : index
    %get3A_19 = arith.constant 0 : index
    %get3A_20 = vector.load %arg2[%get3A_17, %get3A_18, %get3A_19] : memref<2x128x256xf32, #tpu.memory_space<vmem>>, vector<1x128x128xf32>
    %get3A_21 = vector.shape_cast %get3A_20 : vector<1x128x128xf32> to vector<128x128xf32>
    %dot_general3A = arith.constant dense<0.000000e+00> : vector<2000x128xf32>
    %dot_general3A_22 = tpu.matmul %slice3A, %get3A_21, %dot_general3A {dimension_numbers = #tpu.dot_dimension_numbers<[1], [0], [0], [1], [0, 0, 1, 1], [], []>, precision = #tpu.contract_precision<fp32>, transpose_lhs_hint = false} : vector<2000x128xf32>, vector<128x128xf32>, vector<2000x128xf32> -> vector<2000x128xf32>
    %slice3A_23 = vector.extract_strided_slice %get3A_16 {offsets = [0, 128], sizes = [2000, 128], strides = [1, 1]} : vector<2000x256xf32> to vector<2000x128xf32>
    %get3A_24 = arith.constant 1 : index
    %get3A_25 = arith.constant 0 : index
    %get3A_26 = arith.constant 0 : index
    %get3A_27 = vector.load %arg2[%get3A_24, %get3A_25, %get3A_26] : memref<2x128x256xf32, #tpu.memory_space<vmem>>, vector<1x128x128xf32>
    %get3A_28 = vector.shape_cast %get3A_27 : vector<1x128x128xf32> to vector<128x128xf32>
    %dot_general3A_29 = arith.constant dense<0.000000e+00> : vector<2000x128xf32>
    %dot_general3A_30 = tpu.matmul %slice3A_23, %get3A_28, %dot_general3A_29 {dimension_numbers = #tpu.dot_dimension_numbers<[1], [0], [0], [1], [0, 0, 1, 1], [], []>, precision = #tpu.contract_precision<fp32>, transpose_lhs_hint = false} : vector<2000x128xf32>, vector<128x128xf32>, vector<2000x128xf32> -> vector<2000x128xf32>
    %add3A_31 = arith.addf %dot_general3A_22, %dot_general3A_30 : vector<2000x128xf32>
    %mul3A = vector.broadcast %rsqrt3A : vector<2000x1xf32> to vector<2000x128xf32>
    %mul3A_32 = arith.mulf %mul3A, %add3A_31 : vector<2000x128xf32>
    %swap3A_33 = arith.constant 0 : index
    %swap3A_34 = arith.constant 0 : index
    %swap3A_35 = arith.constant 0 : index
    %swap3A_36 = vector.load %arg4[%swap3A_33, %swap3A_34, %swap3A_35] : memref<2x2000x128xf32, #tpu.memory_space<vmem>>, vector<1x2000x128xf32>
    %swap3A_37 = vector.shape_cast %swap3A_36 : vector<1x2000x128xf32> to vector<2000x128xf32>
    %swap3A_38 = vector.shape_cast %mul3A_32 : vector<2000x128xf32> to vector<1x2000x128xf32>
    tpu.vector_store %arg4[%swap3A_33, %swap3A_34, %swap3A_35], %swap3A_38 {strides = array<i32>} : memref<2x2000x128xf32, #tpu.memory_space<vmem>>, vector<1x2000x128xf32>,
    %slice3A_39 = vector.extract_strided_slice %get3A_16 {offsets = [0, 0], sizes = [2000, 128], strides = [1, 1]} : vector<2000x256xf32> to vector<2000x128xf32>
    %get3A_40 = arith.constant 0 : index
    %get3A_41 = arith.constant 0 : index
    %get3A_42 = arith.constant 128 : index
    %get3A_43 = vector.load %arg2[%get3A_40, %get3A_41, %get3A_42] : memref<2x128x256xf32, #tpu.memory_space<vmem>>, vector<1x128x128xf32>
    %get3A_44 = vector.shape_cast %get3A_43 : vector<1x128x128xf32> to vector<128x128xf32>
    %dot_general3A_45 = arith.constant dense<0.000000e+00> : vector<2000x128xf32>
    %dot_general3A_46 = tpu.matmul %slice3A_39, %get3A_44, %dot_general3A_45 {dimension_numbers = #tpu.dot_dimension_numbers<[1], [0], [0], [1], [0, 0, 1, 1], [], []>, precision = #tpu.contract_precision<fp32>, transpose_lhs_hint = false} : vector<2000x128xf32>, vector<128x128xf32>, vector<2000x128xf32> -> vector<2000x128xf32>
    %slice3A_47 = vector.extract_strided_slice %get3A_16 {offsets = [0, 128], sizes = [2000, 128], strides = [1, 1]} : vector<2000x256xf32> to vector<2000x128xf32>
    %get3A_48 = arith.constant 1 : index
    %get3A_49 = arith.constant 0 : index
    %get3A_50 = arith.constant 128 : index
    %get3A_51 = vector.load %arg2[%get3A_48, %get3A_49, %get3A_50] : memref<2x128x256xf32, #tpu.memory_space<vmem>>, vector<1x128x128xf32>
    %get3A_52 = vector.shape_cast %get3A_51 : vector<1x128x128xf32> to vector<128x128xf32>
    %dot_general3A_53 = arith.constant dense<0.000000e+00> : vector<2000x128xf32>
    %dot_general3A_54 = tpu.matmul %slice3A_47, %get3A_52, %dot_general3A_53 {dimension_numbers = #tpu.dot_dimension_numbers<[1], [0], [0], [1], [0, 0, 1, 1], [], []>, precision = #tpu.contract_precision<fp32>, transpose_lhs_hint = false} : vector<2000x128xf32>, vector<128x128xf32>, vector<2000x128xf32> -> vector<2000x128xf32>
    %add3A_55 = arith.addf %dot_general3A_46, %dot_general3A_54 : vector<2000x128xf32>
    %mul3A_56 = vector.broadcast %rsqrt3A : vector<2000x1xf32> to vector<2000x128xf32>
    %mul3A_57 = arith.mulf %mul3A_56, %add3A_55 : vector<2000x128xf32>
    %swap3A_58 = arith.constant 1 : index
    %swap3A_59 = arith.constant 0 : index
    %swap3A_60 = arith.constant 0 : index
    %swap3A_61 = vector.load %arg4[%swap3A_58, %swap3A_59, %swap3A_60] : memref<2x2000x128xf32, #tpu.memory_space<vmem>>, vector<1x2000x128xf32>
    %swap3A_62 = vector.shape_cast %swap3A_61 : vector<1x2000x128xf32> to vector<2000x128xf32>
    %swap3A_63 = vector.shape_cast %mul3A_57 : vector<2000x128xf32> to vector<1x2000x128xf32>
    tpu.vector_store %arg4[%swap3A_58, %swap3A_59, %swap3A_60], %swap3A_63 {strides = array<i32>} : memref<2x2000x128xf32, #tpu.memory_space<vmem>>, vector<1x2000x128xf32>,
    return
  }
  func.func @transform_0(%arg0: i32) -> (i32, i32) {
    %c0_i32 = arith.constant 0 : i32
    %c0_i32_0 = arith.constant 0 : i32
    return %arg0, %c0_i32 : i32, i32
  }
  func.func @transform_1(%arg0: i32) -> (i32, i32, i32) {
    %c0_i32 = arith.constant 0 : i32
    %c0_i32_0 = arith.constant 0 : i32
    %c0_i32_1 = arith.constant 0 : i32
    %c0_i32_2 = arith.constant 0 : i32
    return %c0_i32, %c0_i32_0, %c0_i32_1 : i32, i32, i32
  }
  func.func @transform_2(%arg0: i32) -> (i32, i32, i32) {
    %c0_i32 = arith.constant 0 : i32
    %c0_i32_0 = arith.constant 0 : i32
    %c0_i32_1 = arith.constant 0 : i32
    return %c0_i32, %arg0, %c0_i32_0 : i32, i32, i32
  }
  func.func @transform_3(%arg0: i32) -> (i32, i32, i32) {
    %c0_i32 = arith.constant 0 : i32
    %c0_i32_0 = arith.constant 0 : i32
    %c0_i32_1 = arith.constant 0 : i32
    return %c0_i32, %arg0, %c0_i32_0 : i32, i32, i32
  }
  func.func @transform_4(%arg0: i32) -> (i32, i32) {
    %c0_i32 = arith.constant 0 : i32
    %c0_i32_0 = arith.constant 0 : i32
    return %arg0, %c0_i32 : i32, i32
  }
}

module attributes {stable_mosaic.version = 14 : i64} {
  func.func @body(%arg0: i32, %arg1: memref<2x2000x128xf32, #tpu.memory_space<vmem>>, %arg2: memref<2x2000x128xf32, #tpu.memory_space<vmem>>, %arg3: memref<2000x1xf32, #tpu.memory_space<vmem>>, %arg4: memref<2x1x128xf32, #tpu.memory_space<vmem>>, %arg5: memref<2x128x256xf32, #tpu.memory_space<vmem>>, %arg6: memref<2x2000x128xf32, #tpu.memory_space<vmem>>) attributes {dimension_semantics = [#tpu.dimension_semantics<arbitrary>], iteration_bounds = array<i64: 5>, scalar_prefetch = 0 : i64, scratch_operands = 0 : i64, tpu.core_type = #tpu.core_type<tc>, window_params = [{transform_indices = @transform_0, window_bounds = array<i64: 2, 2000, 128>}, {transform_indices = @transform_1, window_bounds = array<i64: 2, 2000, 128>}, {transform_indices = @transform_2, window_bounds = array<i64: 2000, 1>}, {pipeline_mode = #tpu.pipeline_mode<synchronous>, transform_indices = @transform_3, window_bounds = array<i64: 2, 1, 128>}, {pipeline_mode = #tpu.pipeline_mode<synchronous>, transform_indices = @transform_4, window_bounds = array<i64: 2, 128, 256>}, {transform_indices = @transform_5, window_bounds = array<i64: 2, 2000, 128>}]} {
    %get3A = arith.constant 0 : index
    %get3A_0 = arith.constant 0 : index
    %get3A_1 = vector.load %arg3[%get3A, %get3A_0] : memref<2000x1xf32, #tpu.memory_space<vmem>>, vector<2000x1xf32>
    %get3A_2 = arith.constant 0 : index
    %get3A_3 = arith.constant 0 : index
    %get3A_4 = arith.constant 0 : index
    %get3A_5 = vector.load %arg1[%get3A_2, %get3A_3, %get3A_4] : memref<2x2000x128xf32, #tpu.memory_space<vmem>>, vector<1x2000x128xf32>
    %get3A_6 = vector.shape_cast %get3A_5 : vector<1x2000x128xf32> to vector<2000x128xf32>
    %get3A_7 = arith.constant 0 : index
    %get3A_8 = arith.constant 0 : index
    %get3A_9 = arith.constant 0 : index
    %get3A_10 = vector.load %arg2[%get3A_7, %get3A_8, %get3A_9] : memref<2x2000x128xf32, #tpu.memory_space<vmem>>, vector<1x2000x128xf32>
    %get3A_11 = vector.shape_cast %get3A_10 : vector<1x2000x128xf32> to vector<2000x128xf32>
    %add3A = arith.addf %get3A_6, %get3A_11 : vector<2000x128xf32>
    %mul3A = vector.broadcast %get3A_1 : vector<2000x1xf32> to vector<2000x128xf32>
    %mul3A_12 = arith.mulf %mul3A, %add3A : vector<2000x128xf32>
    %get3A_13 = arith.constant 0 : index
    %get3A_14 = arith.constant 0 : index
    %get3A_15 = arith.constant 0 : index
    %get3A_16 = vector.load %arg4[%get3A_13, %get3A_14, %get3A_15] : memref<2x1x128xf32, #tpu.memory_space<vmem>>, vector<1x1x128xf32>
    %get3A_17 = vector.shape_cast %get3A_16 : vector<1x1x128xf32> to vector<1x128xf32>
    %add3A_18 = vector.broadcast %get3A_17 : vector<1x128xf32> to vector<2000x128xf32>
    %add3A_19 = arith.addf %mul3A_12, %add3A_18 : vector<2000x128xf32>
    %max3A = arith.constant 0.000000e+00 : f32
    %max3A_20 = vector.broadcast %max3A : f32 to vector<2000x128xf32>
    %max3A_21 = arith.maximumf %add3A_19, %max3A_20 : vector<2000x128xf32>
    %get3A_22 = arith.constant 1 : index
    %get3A_23 = arith.constant 0 : index
    %get3A_24 = arith.constant 0 : index
    %get3A_25 = vector.load %arg1[%get3A_22, %get3A_23, %get3A_24] : memref<2x2000x128xf32, #tpu.memory_space<vmem>>, vector<1x2000x128xf32>
    %get3A_26 = vector.shape_cast %get3A_25 : vector<1x2000x128xf32> to vector<2000x128xf32>
    %get3A_27 = arith.constant 1 : index
    %get3A_28 = arith.constant 0 : index
    %get3A_29 = arith.constant 0 : index
    %get3A_30 = vector.load %arg2[%get3A_27, %get3A_28, %get3A_29] : memref<2x2000x128xf32, #tpu.memory_space<vmem>>, vector<1x2000x128xf32>
    %get3A_31 = vector.shape_cast %get3A_30 : vector<1x2000x128xf32> to vector<2000x128xf32>
    %add3A_32 = arith.addf %get3A_26, %get3A_31 : vector<2000x128xf32>
    %mul3A_33 = vector.broadcast %get3A_1 : vector<2000x1xf32> to vector<2000x128xf32>
    %mul3A_34 = arith.mulf %mul3A_33, %add3A_32 : vector<2000x128xf32>
    %get3A_35 = arith.constant 1 : index
    %get3A_36 = arith.constant 0 : index
    %get3A_37 = arith.constant 0 : index
    %get3A_38 = vector.load %arg4[%get3A_35, %get3A_36, %get3A_37] : memref<2x1x128xf32, #tpu.memory_space<vmem>>, vector<1x1x128xf32>
    %get3A_39 = vector.shape_cast %get3A_38 : vector<1x1x128xf32> to vector<1x128xf32>
    %add3A_40 = vector.broadcast %get3A_39 : vector<1x128xf32> to vector<2000x128xf32>
    %add3A_41 = arith.addf %mul3A_34, %add3A_40 : vector<2000x128xf32>
    %max3A_42 = arith.constant 0.000000e+00 : f32
    %max3A_43 = vector.broadcast %max3A_42 : f32 to vector<2000x128xf32>
    %max3A_44 = arith.maximumf %add3A_41, %max3A_43 : vector<2000x128xf32>
    %get3A_45 = arith.constant 0 : index
    %get3A_46 = arith.constant 0 : index
    %get3A_47 = arith.constant 0 : index
    %get3A_48 = vector.load %arg5[%get3A_45, %get3A_46, %get3A_47] : memref<2x128x256xf32, #tpu.memory_space<vmem>>, vector<1x128x128xf32>
    %get3A_49 = vector.shape_cast %get3A_48 : vector<1x128x128xf32> to vector<128x128xf32>
    %dot_general3A = arith.constant dense<0.000000e+00> : vector<2000x128xf32>
    %dot_general3A_50 = tpu.matmul %max3A_21, %get3A_49, %dot_general3A {dimension_numbers = #tpu.dot_dimension_numbers<[1], [0], [0], [1], [0, 0, 1, 1], [], []>, precision = #tpu.contract_precision<fp32>, transpose_lhs_hint = false} : vector<2000x128xf32>, vector<128x128xf32>, vector<2000x128xf32> -> vector<2000x128xf32>
    %get3A_51 = arith.constant 1 : index
    %get3A_52 = arith.constant 0 : index
    %get3A_53 = arith.constant 0 : index
    %get3A_54 = vector.load %arg5[%get3A_51, %get3A_52, %get3A_53] : memref<2x128x256xf32, #tpu.memory_space<vmem>>, vector<1x128x128xf32>
    %get3A_55 = vector.shape_cast %get3A_54 : vector<1x128x128xf32> to vector<128x128xf32>
    %dot_general3A_56 = arith.constant dense<0.000000e+00> : vector<2000x128xf32>
    %dot_general3A_57 = tpu.matmul %max3A_44, %get3A_55, %dot_general3A_56 {dimension_numbers = #tpu.dot_dimension_numbers<[1], [0], [0], [1], [0, 0, 1, 1], [], []>, precision = #tpu.contract_precision<fp32>, transpose_lhs_hint = false} : vector<2000x128xf32>, vector<128x128xf32>, vector<2000x128xf32> -> vector<2000x128xf32>
    %add3A_58 = arith.addf %dot_general3A_50, %dot_general3A_57 : vector<2000x128xf32>
    %mul3A_59 = vector.broadcast %get3A_1 : vector<2000x1xf32> to vector<2000x128xf32>
    %mul3A_60 = arith.mulf %mul3A_59, %add3A_58 : vector<2000x128xf32>
    %swap3A = arith.constant 0 : index
    %swap3A_61 = arith.constant 0 : index
    %swap3A_62 = arith.constant 0 : index
    %swap3A_63 = vector.load %arg6[%swap3A, %swap3A_61, %swap3A_62] : memref<2x2000x128xf32, #tpu.memory_space<vmem>>, vector<1x2000x128xf32>
    %swap3A_64 = vector.shape_cast %swap3A_63 : vector<1x2000x128xf32> to vector<2000x128xf32>
    %swap3A_65 = vector.shape_cast %mul3A_60 : vector<2000x128xf32> to vector<1x2000x128xf32>
    tpu.vector_store %arg6[%swap3A, %swap3A_61, %swap3A_62], %swap3A_65 {strides = array<i32>} : memref<2x2000x128xf32, #tpu.memory_space<vmem>>, vector<1x2000x128xf32>,
    %get3A_66 = arith.constant 0 : index
    %get3A_67 = arith.constant 0 : index
    %get3A_68 = arith.constant 128 : index
    %get3A_69 = vector.load %arg5[%get3A_66, %get3A_67, %get3A_68] : memref<2x128x256xf32, #tpu.memory_space<vmem>>, vector<1x128x128xf32>
    %get3A_70 = vector.shape_cast %get3A_69 : vector<1x128x128xf32> to vector<128x128xf32>
    %dot_general3A_71 = arith.constant dense<0.000000e+00> : vector<2000x128xf32>
    %dot_general3A_72 = tpu.matmul %max3A_21, %get3A_70, %dot_general3A_71 {dimension_numbers = #tpu.dot_dimension_numbers<[1], [0], [0], [1], [0, 0, 1, 1], [], []>, precision = #tpu.contract_precision<fp32>, transpose_lhs_hint = false} : vector<2000x128xf32>, vector<128x128xf32>, vector<2000x128xf32> -> vector<2000x128xf32>
    %get3A_73 = arith.constant 1 : index
    %get3A_74 = arith.constant 0 : index
    %get3A_75 = arith.constant 128 : index
    %get3A_76 = vector.load %arg5[%get3A_73, %get3A_74, %get3A_75] : memref<2x128x256xf32, #tpu.memory_space<vmem>>, vector<1x128x128xf32>
    %get3A_77 = vector.shape_cast %get3A_76 : vector<1x128x128xf32> to vector<128x128xf32>
    %dot_general3A_78 = arith.constant dense<0.000000e+00> : vector<2000x128xf32>
    %dot_general3A_79 = tpu.matmul %max3A_44, %get3A_77, %dot_general3A_78 {dimension_numbers = #tpu.dot_dimension_numbers<[1], [0], [0], [1], [0, 0, 1, 1], [], []>, precision = #tpu.contract_precision<fp32>, transpose_lhs_hint = false} : vector<2000x128xf32>, vector<128x128xf32>, vector<2000x128xf32> -> vector<2000x128xf32>
    %add3A_80 = arith.addf %dot_general3A_72, %dot_general3A_79 : vector<2000x128xf32>
    %mul3A_81 = vector.broadcast %get3A_1 : vector<2000x1xf32> to vector<2000x128xf32>
    %mul3A_82 = arith.mulf %mul3A_81, %add3A_80 : vector<2000x128xf32>
    %swap3A_83 = arith.constant 1 : index
    %swap3A_84 = arith.constant 0 : index
    %swap3A_85 = arith.constant 0 : index
    %swap3A_86 = vector.load %arg6[%swap3A_83, %swap3A_84, %swap3A_85] : memref<2x2000x128xf32, #tpu.memory_space<vmem>>, vector<1x2000x128xf32>
    %swap3A_87 = vector.shape_cast %swap3A_86 : vector<1x2000x128xf32> to vector<2000x128xf32>
    %swap3A_88 = vector.shape_cast %mul3A_82 : vector<2000x128xf32> to vector<1x2000x128xf32>
    tpu.vector_store %arg6[%swap3A_83, %swap3A_84, %swap3A_85], %swap3A_88 {strides = array<i32>} : memref<2x2000x128xf32, #tpu.memory_space<vmem>>, vector<1x2000x128xf32>,
    return
  }
  func.func @transform_0(%arg0: i32) -> (i32, i32, i32) {
    %c0_i32 = arith.constant 0 : i32
    %c0_i32_0 = arith.constant 0 : i32
    %c0_i32_1 = arith.constant 0 : i32
    return %c0_i32, %arg0, %c0_i32_0 : i32, i32, i32
  }
  func.func @transform_1(%arg0: i32) -> (i32, i32, i32) {
    %c0_i32 = arith.constant 0 : i32
    %c0_i32_0 = arith.constant 0 : i32
    %c0_i32_1 = arith.constant 0 : i32
    return %c0_i32, %arg0, %c0_i32_0 : i32, i32, i32
  }
  func.func @transform_2(%arg0: i32) -> (i32, i32) {
    %c0_i32 = arith.constant 0 : i32
    %c0_i32_0 = arith.constant 0 : i32
    return %arg0, %c0_i32 : i32, i32
  }
  func.func @transform_3(%arg0: i32) -> (i32, i32, i32) {
    %c0_i32 = arith.constant 0 : i32
    %c0_i32_0 = arith.constant 0 : i32
    %c0_i32_1 = arith.constant 0 : i32
    %c0_i32_2 = arith.constant 0 : i32
    return %c0_i32, %c0_i32_0, %c0_i32_1 : i32, i32, i32
  }
  func.func @transform_4(%arg0: i32) -> (i32, i32, i32) {
    %c0_i32 = arith.constant 0 : i32
    %c0_i32_0 = arith.constant 0 : i32
    %c0_i32_1 = arith.constant 0 : i32
    %c0_i32_2 = arith.constant 0 : i32
    return %c0_i32, %c0_i32_0, %c0_i32_1 : i32, i32, i32
  }
  func.func @transform_5(%arg0: i32) -> (i32, i32, i32) {
    %c0_i32 = arith.constant 0 : i32
    %c0_i32_0 = arith.constant 0 : i32
    %c0_i32_1 = arith.constant 0 : i32
    return %c0_i32, %arg0, %c0_i32_0 : i32, i32, i32
  }
}

module attributes {stable_mosaic.version = 14 : i64} {
  func.func @body(%arg0: i32, %arg1: memref<2x2000x128xf32, #tpu.memory_space<vmem>>, %arg2: memref<2x2000x128xf32, #tpu.memory_space<vmem>>, %arg3: memref<2000x1xf32, #tpu.memory_space<vmem>>, %arg4: memref<2x1x128xf32, #tpu.memory_space<vmem>>, %arg5: memref<2x128x128xf32, #tpu.memory_space<vmem>>, %arg6: memref<1x128xf32, #tpu.memory_space<vmem>>, %arg7: memref<2000x256xf32, #tpu.memory_space<vmem>>, %arg8: memref<1x128xf32, #tpu.memory_space<vmem>>) attributes {dimension_semantics = [#tpu.dimension_semantics<arbitrary>], iteration_bounds = array<i64: 5>, scalar_prefetch = 0 : i64, scratch_operands = 0 : i64, tpu.core_type = #tpu.core_type<tc>, window_params = [{transform_indices = @transform_0, window_bounds = array<i64: 2, 2000, 128>}, {transform_indices = @transform_1, window_bounds = array<i64: 2, 2000, 128>}, {transform_indices = @transform_2, window_bounds = array<i64: 2000, 1>}, {pipeline_mode = #tpu.pipeline_mode<synchronous>, transform_indices = @transform_3, window_bounds = array<i64: 2, 1, 128>}, {pipeline_mode = #tpu.pipeline_mode<synchronous>, transform_indices = @transform_4, window_bounds = array<i64: 2, 128, 128>}, {pipeline_mode = #tpu.pipeline_mode<synchronous>, transform_indices = @transform_5, window_bounds = array<i64: 1, 128>}, {transform_indices = @transform_6, window_bounds = array<i64: 2000, 256>}, {pipeline_mode = #tpu.pipeline_mode<synchronous>, transform_indices = @transform_7, window_bounds = array<i64: 1, 128>}]} {
    %get3A = arith.constant 0 : index
    %get3A_0 = arith.constant 0 : index
    %get3A_1 = vector.load %arg3[%get3A, %get3A_0] : memref<2000x1xf32, #tpu.memory_space<vmem>>, vector<2000x1xf32>
    %get3A_2 = arith.constant 0 : index
    %get3A_3 = arith.constant 0 : index
    %get3A_4 = arith.constant 0 : index
    %get3A_5 = vector.load %arg1[%get3A_2, %get3A_3, %get3A_4] : memref<2x2000x128xf32, #tpu.memory_space<vmem>>, vector<1x2000x128xf32>
    %get3A_6 = vector.shape_cast %get3A_5 : vector<1x2000x128xf32> to vector<2000x128xf32>
    %get3A_7 = arith.constant 0 : index
    %get3A_8 = arith.constant 0 : index
    %get3A_9 = arith.constant 0 : index
    %get3A_10 = vector.load %arg2[%get3A_7, %get3A_8, %get3A_9] : memref<2x2000x128xf32, #tpu.memory_space<vmem>>, vector<1x2000x128xf32>
    %get3A_11 = vector.shape_cast %get3A_10 : vector<1x2000x128xf32> to vector<2000x128xf32>
    %add3A = arith.addf %get3A_6, %get3A_11 : vector<2000x128xf32>
    %mul3A = vector.broadcast %get3A_1 : vector<2000x1xf32> to vector<2000x128xf32>
    %mul3A_12 = arith.mulf %mul3A, %add3A : vector<2000x128xf32>
    %get3A_13 = arith.constant 0 : index
    %get3A_14 = arith.constant 0 : index
    %get3A_15 = arith.constant 0 : index
    %get3A_16 = vector.load %arg4[%get3A_13, %get3A_14, %get3A_15] : memref<2x1x128xf32, #tpu.memory_space<vmem>>, vector<1x1x128xf32>
    %get3A_17 = vector.shape_cast %get3A_16 : vector<1x1x128xf32> to vector<1x128xf32>
    %add3A_18 = vector.broadcast %get3A_17 : vector<1x128xf32> to vector<2000x128xf32>
    %add3A_19 = arith.addf %mul3A_12, %add3A_18 : vector<2000x128xf32>
    %max3A = arith.constant 0.000000e+00 : f32
    %max3A_20 = vector.broadcast %max3A : f32 to vector<2000x128xf32>
    %max3A_21 = arith.maximumf %add3A_19, %max3A_20 : vector<2000x128xf32>
    %get3A_22 = arith.constant 1 : index
    %get3A_23 = arith.constant 0 : index
    %get3A_24 = arith.constant 0 : index
    %get3A_25 = vector.load %arg1[%get3A_22, %get3A_23, %get3A_24] : memref<2x2000x128xf32, #tpu.memory_space<vmem>>, vector<1x2000x128xf32>
    %get3A_26 = vector.shape_cast %get3A_25 : vector<1x2000x128xf32> to vector<2000x128xf32>
    %get3A_27 = arith.constant 1 : index
    %get3A_28 = arith.constant 0 : index
    %get3A_29 = arith.constant 0 : index
    %get3A_30 = vector.load %arg2[%get3A_27, %get3A_28, %get3A_29] : memref<2x2000x128xf32, #tpu.memory_space<vmem>>, vector<1x2000x128xf32>
    %get3A_31 = vector.shape_cast %get3A_30 : vector<1x2000x128xf32> to vector<2000x128xf32>
    %add3A_32 = arith.addf %get3A_26, %get3A_31 : vector<2000x128xf32>
    %mul3A_33 = vector.broadcast %get3A_1 : vector<2000x1xf32> to vector<2000x128xf32>
    %mul3A_34 = arith.mulf %mul3A_33, %add3A_32 : vector<2000x128xf32>
    %get3A_35 = arith.constant 1 : index
    %get3A_36 = arith.constant 0 : index
    %get3A_37 = arith.constant 0 : index
    %get3A_38 = vector.load %arg4[%get3A_35, %get3A_36, %get3A_37] : memref<2x1x128xf32, #tpu.memory_space<vmem>>, vector<1x1x128xf32>
    %get3A_39 = vector.shape_cast %get3A_38 : vector<1x1x128xf32> to vector<1x128xf32>
    %add3A_40 = vector.broadcast %get3A_39 : vector<1x128xf32> to vector<2000x128xf32>
    %add3A_41 = arith.addf %mul3A_34, %add3A_40 : vector<2000x128xf32>
    %max3A_42 = arith.constant 0.000000e+00 : f32
    %max3A_43 = vector.broadcast %max3A_42 : f32 to vector<2000x128xf32>
    %max3A_44 = arith.maximumf %add3A_41, %max3A_43 : vector<2000x128xf32>
    %swap3A = arith.constant 0 : index
    %swap3A_45 = arith.constant 0 : index
    %swap3A_46 = vector.load %arg7[%swap3A, %swap3A_45] : memref<2000x256xf32, #tpu.memory_space<vmem>>, vector<2000x128xf32>
    tpu.vector_store %arg7[%swap3A, %swap3A_45], %max3A_21 {strides = array<i32>} : memref<2000x256xf32, #tpu.memory_space<vmem>>, vector<2000x128xf32>,
    %swap3A_47 = arith.constant 0 : index
    %swap3A_48 = arith.constant 128 : index
    %swap3A_49 = vector.load %arg7[%swap3A_47, %swap3A_48] : memref<2000x256xf32, #tpu.memory_space<vmem>>, vector<2000x128xf32>
    tpu.vector_store %arg7[%swap3A_47, %swap3A_48], %max3A_44 {strides = array<i32>} : memref<2000x256xf32, #tpu.memory_space<vmem>>, vector<2000x128xf32>,
    %reduce_sum3A = arith.constant dense<0.000000e+00> : vector<128xf32>
    %reduce_sum3A_50 = vector.multi_reduction <add>, %max3A_21, %reduce_sum3A [0] : vector<2000x128xf32> to vector<128xf32>
    %broadcast_in_dim3A = vector.shape_cast %reduce_sum3A_50 : vector<128xf32> to vector<1x128xf32>
    %mul3A_51 = arith.constant 9.99999974E-5 : f32
    %mul3A_52 = vector.broadcast %mul3A_51 : f32 to vector<1x128xf32>
    %mul3A_53 = arith.mulf %broadcast_in_dim3A, %mul3A_52 : vector<1x128xf32>
    %reduce_sum3A_54 = arith.constant dense<0.000000e+00> : vector<128xf32>
    %reduce_sum3A_55 = vector.multi_reduction <add>, %max3A_44, %reduce_sum3A_54 [0] : vector<2000x128xf32> to vector<128xf32>
    %broadcast_in_dim3A_56 = vector.shape_cast %reduce_sum3A_55 : vector<128xf32> to vector<1x128xf32>
    %mul3A_57 = arith.constant 9.99999974E-5 : f32
    %mul3A_58 = vector.broadcast %mul3A_57 : f32 to vector<1x128xf32>
    %mul3A_59 = arith.mulf %broadcast_in_dim3A_56, %mul3A_58 : vector<1x128xf32>
    %get3A_60 = arith.constant 0 : index
    %get3A_61 = arith.constant 0 : index
    %get3A_62 = arith.constant 0 : index
    %get3A_63 = vector.load %arg5[%get3A_60, %get3A_61, %get3A_62] : memref<2x128x128xf32, #tpu.memory_space<vmem>>, vector<1x128x128xf32>
    %get3A_64 = vector.shape_cast %get3A_63 : vector<1x128x128xf32> to vector<128x128xf32>
    %dot_general3A = arith.constant dense<0.000000e+00> : vector<1x128xf32>
    %dot_general3A_65 = tpu.matmul %mul3A_53, %get3A_64, %dot_general3A {dimension_numbers = #tpu.dot_dimension_numbers<[1], [0], [0], [1], [0, 0, 1, 1], [], []>, precision = #tpu.contract_precision<fp32>, transpose_lhs_hint = false} : vector<1x128xf32>, vector<128x128xf32>, vector<1x128xf32> -> vector<1x128xf32>
    %get3A_66 = arith.constant 1 : index
    %get3A_67 = arith.constant 0 : index
    %get3A_68 = arith.constant 0 : index
    %get3A_69 = vector.load %arg5[%get3A_66, %get3A_67, %get3A_68] : memref<2x128x128xf32, #tpu.memory_space<vmem>>, vector<1x128x128xf32>
    %get3A_70 = vector.shape_cast %get3A_69 : vector<1x128x128xf32> to vector<128x128xf32>
    %dot_general3A_71 = arith.constant dense<0.000000e+00> : vector<1x128xf32>
    %dot_general3A_72 = tpu.matmul %mul3A_59, %get3A_70, %dot_general3A_71 {dimension_numbers = #tpu.dot_dimension_numbers<[1], [0], [0], [1], [0, 0, 1, 1], [], []>, precision = #tpu.contract_precision<fp32>, transpose_lhs_hint = false} : vector<1x128xf32>, vector<128x128xf32>, vector<1x128xf32> -> vector<1x128xf32>
    %add3A_73 = arith.addf %dot_general3A_65, %dot_general3A_72 : vector<1x128xf32>
    %eq3A = arith.constant 0 : i32
    %eq3A_74 = arith.cmpi eq, %arg0, %eq3A : i32
    %convert_element_type3A = arith.extui %eq3A_74 : i1 to i32
    %cond3A = arith.constant 0 : i32
    %cond3A_75 = arith.cmpi ne, %convert_element_type3A, %cond3A : i32
    scf.if %cond3A_75 {
      %get3A_83 = arith.constant 0 : index
      %get3A_84 = arith.constant 0 : index
      %get3A_85 = vector.load %arg6[%get3A_83, %get3A_84] : memref<1x128xf32, #tpu.memory_space<vmem>>, vector<1x128xf32>
      %swap3A_86 = arith.constant 0 : index
      %swap3A_87 = arith.constant 0 : index
      %swap3A_88 = vector.load %arg8[%swap3A_86, %swap3A_87] : memref<1x128xf32, #tpu.memory_space<vmem>>, vector<1x128xf32>
      tpu.vector_store %arg8[%swap3A_86, %swap3A_87], %get3A_85 {strides = array<i32>} : memref<1x128xf32, #tpu.memory_space<vmem>>, vector<1x128xf32>,
    } else {
    }
    %get3A_76 = arith.constant 0 : index
    %get3A_77 = arith.constant 0 : index
    %get3A_78 = vector.load %arg8[%get3A_76, %get3A_77] : memref<1x128xf32, #tpu.memory_space<vmem>>, vector<1x128xf32>
    %add3A_79 = arith.addf %get3A_78, %add3A_73 : vector<1x128xf32>
    %swap3A_80 = arith.constant 0 : index
    %swap3A_81 = arith.constant 0 : index
    %swap3A_82 = vector.load %arg8[%swap3A_80, %swap3A_81] : memref<1x128xf32, #tpu.memory_space<vmem>>, vector<1x128xf32>
    tpu.vector_store %arg8[%swap3A_80, %swap3A_81], %add3A_79 {strides = array<i32>} : memref<1x128xf32, #tpu.memory_space<vmem>>, vector<1x128xf32>,
    return
  }
  func.func @transform_0(%arg0: i32) -> (i32, i32, i32) {
    %c0_i32 = arith.constant 0 : i32
    %c0_i32_0 = arith.constant 0 : i32
    %c0_i32_1 = arith.constant 0 : i32
    return %c0_i32, %arg0, %c0_i32_0 : i32, i32, i32
  }
  func.func @transform_1(%arg0: i32) -> (i32, i32, i32) {
    %c0_i32 = arith.constant 0 : i32
    %c0_i32_0 = arith.constant 0 : i32
    %c0_i32_1 = arith.constant 0 : i32
    return %c0_i32, %arg0, %c0_i32_0 : i32, i32, i32
  }
  func.func @transform_2(%arg0: i32) -> (i32, i32) {
    %c0_i32 = arith.constant 0 : i32
    %c0_i32_0 = arith.constant 0 : i32
    return %arg0, %c0_i32 : i32, i32
  }
  func.func @transform_3(%arg0: i32) -> (i32, i32, i32) {
    %c0_i32 = arith.constant 0 : i32
    %c0_i32_0 = arith.constant 0 : i32
    %c0_i32_1 = arith.constant 0 : i32
    %c0_i32_2 = arith.constant 0 : i32
    return %c0_i32, %c0_i32_0, %c0_i32_1 : i32, i32, i32
  }
  func.func @transform_4(%arg0: i32) -> (i32, i32, i32) {
    %c0_i32 = arith.constant 0 : i32
    %c0_i32_0 = arith.constant 0 : i32
    %c0_i32_1 = arith.constant 0 : i32
    %c0_i32_2 = arith.constant 0 : i32
    return %c0_i32, %c0_i32_0, %c0_i32_1 : i32, i32, i32
  }
  func.func @transform_5(%arg0: i32) -> (i32, i32) {
    %c0_i32 = arith.constant 0 : i32
    %c0_i32_0 = arith.constant 0 : i32
    %c0_i32_1 = arith.constant 0 : i32
    return %c0_i32, %c0_i32_0 : i32, i32
  }
  func.func @transform_6(%arg0: i32) -> (i32, i32) {
    %c0_i32 = arith.constant 0 : i32
    %c0_i32_0 = arith.constant 0 : i32
    return %arg0, %c0_i32 : i32, i32
  }
  func.func @transform_7(%arg0: i32) -> (i32, i32) {
    %c0_i32 = arith.constant 0 : i32
    %c0_i32_0 = arith.constant 0 : i32
    %c0_i32_1 = arith.constant 0 : i32
    return %c0_i32, %c0_i32_0 : i32, i32
  }
}

</mosaic_0001>

<sc_bundles>
// kernel: kernel.10.cloned.1.call-start
scs
__scs_entry_jumppad:
0x0: {  	(pc) =	sbr.rel $0x88, $3  }
0x1: {  	(tag) =	ssettag $0x0;
	lr =	simm.s32 $0x1  }
0x2: {  	[smem:$0x3F97] =	sst lr;
	_ =	strace $0xD0000000  }
0x3: {  	_ = 	snop  }
0x4: {  	_ = 	snop  }
0x5: {  	_ = 	snop  }
0x6: {  	_ = 	snop  }
0x7: {  	_ = 	snop  }
__scs_overlays_trampoline_lowered:
0x8: {  	[smem:$0x3FA6] =	sst s0  }
0x9: {  	[smem:$0x3FA7] =	sst s1  }
0xa: {  	[smem:$0x3FA8] =	sst s2  }
0xb: {  	[smem:$0x3FA9] =	sst s3  }
0xc: {  	[smem:$0x3FAA] =	sst s4  }
0xd: {  	[smem:$0x3FAB] =	sst s5  }
0xe: {  	[smem:$0x3FAC] =	sst s6  }
0xf: {  	[smem:$0x3FAD] =	sst s7  }
0x10: {  	[smem:$0x3FAE] =	sst s8  }
0x11: {  	[smem:$0x3FAF] =	sst s9;
	s0 =	simm.s32 @!p0 $0x0  }
0x12: {  	s1 =	sld [smem:$0x3F95];
	s0 =	simm.s32 @p0 $0x1  }
0x13: {  	[smem:$0x3FB0] =	sst s0;
	s0 =	simm.s32 @!p1 $0x0  }
0x14: {  	s2 =	sld [smem:$0x3F94];
	s0 =	simm.s32 @p1 $0x1  }
0x15: {  	[smem:$0x3FB1] =	sst s0;
	s0 =	simm.s32 @!p2 $0x0  }
0x16: {  	s3 =	sld [smem:$0x3FDB];
	s0 =	simm.s32 @p2 $0x1  }
0x17: {  	s4 =	simm.s32 $0x1BF5;
	[smem:$0x3FB3] =	sst s0  }
0x18: {  	s0 =	sld [smem:$0x3F96];
	_ =	swait.ge [sflag:s4], $0x0  }
0x19: {  	s7 =	sld [smem:$0x3F97]  }
0x1a: {  	s8 =	sadd.s32 $0xFFFFE003, lr  }
0x1b: {  	s9 =	sadd.s32 $0xFFFFFEF7, lr;
	s5 =	simm.s32 $0xFFFFFFFF;
	p2 =	slt.u32 s8, $0xFFFFF086  }
0x1c: {  	p1 =	slt.u32 s9, $0xF7A;
	s5 =	simm.s32 @!p2 $0x0  }
0x1d: {  	s5 =	simm.s32 @p1 $0x1;
	p0 =	seq.s32 s7, s2  }
0x1e: {  	s7 =	smul.u32 @!p0 $0xF7A, s2;
	p2 =	seq.s32 @!p0 s5, $0x0  }
0x1f: {  	s9 =	smul.u32 $0xF7A, s1;
	s8 =	simm.s32 @!p0 $0x1BF5;
	p2 =	por !p2, p0  }
0x20: {  	[sflag:s8] =	ssyncset.s32 @!p0 $0xFFFFF086;
	s6 =	sadd.s32 @!p0 s3, s7;
	s7 =	simm.s32 @!p0 $0x108  }
0x21: {  	s3 =	sadd.s32 s3, s9;
	s6 =	sadd.s32 @!p0 $0x88, s6;
	s7 =	simm.s32 @p2 $0x1082  }
0x22: {  	[simem:s7], [sflag:s8] =	dma.local @!p0 [hbm:s6], $0xF7A  }
0x23: {  	s9 =	sor.u32 $0xD0000000, s2;
	s6 =	simm.s32 $0x108;
	_ =	swait.ge @!p0 [sflag:s8], $0x0  }
0x24: {  	s3 =	sadd.s32 $0x88, s3;
	s6 =	simm.s32 @!p1 $0x1082;
	[sflag:s4] =	ssyncset.s32 $0xFFFFF086  }
0x25: {  	[simem:s6], [sflag:s4] =	dma.local [hbm:s3], $0xF7A  }
0x26: {  	[smem:$0x3F97] =	sst s1;
	(tag) =	ssettag s2;
	_ =	strace s9  }
0x27: {  	s1 =	sld [smem:$0x3FA7]  }
0x28: {  	s2 =	sld [smem:$0x3FA8]  }
0x29: {  	s4 =	sld [smem:$0x3FAA]  }
0x2a: {  	p0 =	seq.s32 s5, $0x0;
	s5 =	sld [smem:$0x3FAB]  }
0x2b: {  	s6 =	sld [smem:$0x3FAC]  }
0x2c: {  	s7 =	sld [smem:$0x3FAD]  }
0x2d: {  	s3 =	simm.s32 $0x108;
	s8 =	sld [smem:$0x3FAE]  }
0x2e: {  	s3 =	simm.s32 @!p0 $0x1082;
	s9 =	sld [smem:$0x3FAF]  }
0x2f: {  	lr =	sadd.s32 s0, s3;
	s0 =	sld [smem:$0x3FA6]  }
0x30: {  	s3 =	sld [smem:$0x3FA9]  }
0x31: {  	[smem:$0x3FB2] =	sst s10  }
0x32: {  	s10 =	sld [smem:$0x3FB0];
	_ =	sdelay $0x3  }
0x33: {  	p0 =	seq.s32 s10, $0x1;
	s10 =	sld [smem:$0x3FB2];
	_ =	sdelay $0x3  }
0x34: {  	[smem:$0x3FB2] =	sst s10  }
0x35: {  	s10 =	sld [smem:$0x3FB1];
	_ =	sdelay $0x3  }
0x36: {  	p1 =	seq.s32 s10, $0x1;
	s10 =	sld [smem:$0x3FB2];
	_ =	sdelay $0x3  }
0x37: {  	[smem:$0x3FB2] =	sst s10  }
0x38: {  	s10 =	sld [smem:$0x3FB3]  }
0x39: {  	_ = 	snop;
	(pc) =	sbr.ind lr, $3  }
0x3a: {  	_ = 	snop  }
0x3b: {  	_ = 	snop  }
0x3c: {  	p2 =	seq.s32 s10, $0x1;
	s10 =	sld [smem:$0x3FB2]  }
0x3d: {  	_ =	shalt  }
0x3e: {  	_ =	shalt  }
0x3f: {  	_ =	shalt  }
0x40: {  	_ =	shalt  }
0x41: {  	_ =	shalt  }
0x42: {  	_ =	shalt  }
0x43: {  	_ =	shalt  }
0x44: {  	_ =	shalt  }
0x45: {  	_ =	shalt  }
0x46: {  	_ =	shalt  }
0x47: {  	_ =	shalt  }
0x48: {  	_ =	shalt  }
0x49: {  	_ =	shalt  }
0x4a: {  	_ =	shalt  }
0x4b: {  	_ =	shalt  }
0x4c: {  	_ =	shalt  }
0x4d: {  	_ =	shalt  }
0x4e: {  	_ =	shalt  }
0x4f: {  	_ =	shalt  }
0x50: {  	_ =	shalt  }
0x51: {  	_ =	shalt  }
0x52: {  	_ =	shalt  }
0x53: {  	_ =	shalt  }
0x54: {  	_ =	shalt  }
0x55: {  	_ =	shalt  }
0x56: {  	_ =	shalt  }
0x57: {  	_ =	shalt  }
0x58: {  	_ =	shalt  }
0x59: {  	_ =	shalt  }
0x5a: {  	_ =	shalt  }
0x5b: {  	_ =	shalt  }
0x5c: {  	_ =	shalt  }
0x5d: {  	_ =	shalt  }
0x5e: {  	_ =	shalt  }
0x5f: {  	_ =	shalt  }
0x60: {  	_ =	shalt  }
0x61: {  	_ =	shalt  }
0x62: {  	_ =	shalt  }
0x63: {  	_ =	shalt  }
0x64: {  	_ =	shalt  }
0x65: {  	_ =	shalt  }
0x66: {  	_ =	shalt  }
0x67: {  	_ =	shalt  }
0x68: {  	_ =	shalt  }
0x69: {  	_ =	shalt  }
0x6a: {  	_ =	shalt  }
0x6b: {  	_ =	shalt  }
0x6c: {  	_ =	shalt  }
0x6d: {  	_ =	shalt  }
0x6e: {  	_ =	shalt  }
0x6f: {  	_ =	shalt  }
0x70: {  	_ =	shalt  }
0x71: {  	_ =	shalt  }
0x72: {  	_ =	shalt  }
0x73: {  	_ =	shalt  }
0x74: {  	_ =	shalt  }
0x75: {  	_ =	shalt  }
0x76: {  	_ =	shalt  }
0x77: {  	_ =	shalt  }
0x78: {  	_ =	shalt  }
0x79: {  	_ =	shalt  }
0x7a: {  	_ =	shalt  }
0x7b: {  	_ =	shalt  }
0x7c: {  	_ =	shalt  }
0x7d: {  	_ =	shalt  }
0x7e: {  	_ =	shalt  }
0x7f: {  	_ =	shalt  }
0x80: {  	_ =	shalt  }
0x81: {  	_ =	shalt  }
0x82: {  	_ =	shalt  }
0x83: {  	_ =	shalt  }
0x84: {  	_ =	shalt  }
0x85: {  	_ =	shalt  }
0x86: {  	_ =	shalt  }
0x87: {  	_ =	shalt  }
.Lfunc_end0:
.L_simem_size_0:
called_computation_lowered:
.L_overlay_start_0:
0x88: {  	s2 =	sld [smem:$0x3FD9]  }
0x89: {  	s3 =	sld [smem:$0x3FFE];
	_ =	sdelay $0x1  }
0x8a: {  	s1 =	srdreg.scid  }
0x8b: {  	s0 =	sand.u32 $0x1, s1  }
0x8c: {  	s14 =	sshll.u32 s0, $0xA;
	s2 =	sadd.s32 s3, s2  }
0x8d: {  	s2 =	sadd.s32 s2, s14  }
0x8e: {  	[smem:$0x3FBE] =	sst s2  }
0x8f: {  	_ = 	snop  }
0x90: {  	s2 =	sld [smem:$0x3FD0];
	_ =	sdelay $0x2  }
0x91: {  	s15 =	simm.s32 $0xA;
	s4 =	simm.s32 $0x10  }
0x92: {  	[smem:s4], [sflag:s15] =	dma.local [hbm:s2], $0x1  }
0x93: {  	_ =	swait.eq [sflag:s15], $0x1  }
0x94: {  	[sflag:s15] =	ssyncset.done $0x0  }
0x95: {  	[sflag:s15] =	ssyncadd.s32 $0xFFFFFFFF  }
0x96: {  	s16 =	sld [smem:$0x11];
	(tm) =	ssettm $0x1  }
0x97: {  	s17 =	sld [smem:$0x3FFB];
	_ =	sdelay $0x3  }
0x98: {  	_ =	strace s17  }
0x99: {  	s3 =	sld [smem:$0x3FFC];
	_ =	sdelay $0x3  }
0x9a: {  	_ =	strace s3  }
0x9b: {  	s3 =	sld [smem:$0x3FFD];
	_ =	sdelay $0x3  }
0x9c: {  	_ =	strace s3  }
0x9d: {  	_ =	strace $0x8FFFFFFF  }
0x9e: {  	s18 =	sld [smem:$0x3FDB];
	_ =	sdelay $0x1  }
0x9f: {  	s19 =	simm.s32 $_scs_section_size  }
0xa0: {  	s5 =	simm.s32 $_size__tile_overlayer_lowered;
	s6 =	simm.s32 $_tile_overlayer_lowered  }
0xa1: {  	s22 =	simm.s32 $0x1BFF;
	s21 =	sshll.u32 s6, $0x1;
	s3 =	sadd.s32 s19, s18  }
0xa2: {  	s7 =	simm.s32 $0x0;
	s20 =	sshll.u32 s5, $0x1;
	s5 =	sadd.s32 s21, s3  }
0xa3: {  	[timem:s7], [sflag:s22] =	dma.local [hbm:s5], s20  }
0xa4: {  	_ =	swait.ge [sflag:s22], s20  }
0xa5: {  	s4 =	ssub.s32 $0x0, s20;
	[sflag:s22] =	ssyncset.done $0x0  }
0xa6: {  	[sflag:s22] =	ssyncadd.s32 s4;
	_ =	sdelay $0x1  }
0xa7: {  	s23 =	simm.s32 $0x1B8B  }
0xa8: {  	_ =	swait.ge [sflag:s23], $0x1  }
0xa9: {  	[sflag:s23] =	ssyncset.done $0x0  }
0xaa: {  	s25 =	simm.s32 $0x1B8E;
	s24 =	sld [smem:$0x3FFE];
	[sflag:s23] =	ssyncadd.s32 $0xFFFFFFFF  }
0xab: {  	s26 =	simm.s32 $execute0_lowered;
	[smem:$0x3FD2] =	sst s25  }
0xac: {  	s5 =	sshll.u32 s26, $0x1;
	_ =	strace $0x80000046;
	[dreg:$0x1] =	wrdreg $0xFFFFFFFF  }
0xad: {  	s28 =	simm.s32 $_size_execute0_lowered;
	s3 =	sadd.s32 s3, s5;
	[dreg:$0x0] =	wrdreg $0x0  }
0xae: {  	s5 =	sshll.u32 s28, $0x1;
	[dreg:$0x2] =	wrdreg s3  }
0xaf: {  	[dreg:$0x3] =	wrdreg s5  }
0xb0: {  	[dreg:$0x4] =	wrdreg $0xC0  }
0xb1: {  	_ =	task [dreg:s7], $0x5FFFF  }
0xb2: {  	[dreg:$0x1] =	wrdreg $0xFFFFFFFF  }
0xb3: {  	[dreg:$0x0] =	wrdreg $0x60  }
0xb4: {  	[dreg:$0x2] =	wrdreg s24  }
0xb5: {  	[dreg:$0x3] =	wrdreg s16  }
0xb6: {  	[dreg:$0x4] =	wrdreg $0x54000  }
0xb7: {  	[dreg:$0x5] =	wrdreg $0x9  }
0xb8: {  	_ =	task.clear_ibuf [dreg:s7], $0x6FFFF;
	_ =	strace $0x90000046  }
0xb9: {  	s29 =	simm.s32 $0x9;
	_ =	strace $0x80000048  }
0xba: {  	_ =	swait.ge [sflag:s29], $0x1  }
0xbb: {  	[sflag:s29] =	ssyncadd.s32 $0xFFFFFFFF  }
0xbc: {  	_ =	strace $0x90000048  }
0xbd: {  	_ =	sfence  }
0xbe: {  	s30 =	sld [smem:$0x0];
	_ =	sdelay $0x2  }
0xbf: {  	s31 =	sshll.u32 s1, $0xD;
	s1 =	sshrl.u32 s1, $0x2  }
0xc0: {  	s3 =	sand.u32 $0x4000, s31;
	s1 =	sadd.s32 s1, s30  }
0xc1: {  	s0 =	sor.u32 s3, s0;
	s1 =	sshll.u32 s1, $0x11  }
0xc2: {  	s0 =	sor.u32 s1, s0  }
0xc3: {  	s0 =	sadd.s32 $0x8F2B, s0  }
0xc4: {  	[sflag:s0] =	ssyncadd.remote.s32 $0x1  }
0xc5: {  	_ =	sfence.sel $0xFFFF  }
0xc6: {  	[dreg:$0x0] =	wrdreg $0xFFFFFFFF;
	(pc) =	sbr.abs _section_cstart, $3  }
0xc7: {  	[dreg:$0x1] =	wrdreg $0xFFFFFFFF  }
0xc8: {  	_ =	task.clear_ibuf [dreg:s7], $0x2FFFF;
	_ =	strace $0x9FFFFFFF  }
0xc9: {  	(tm) =	ssettm $0x7FFFFFFF  }
tec
execute0_lowered:
.L_overlay_start_1:
0x0: {  	(tag) =	ssettag $0x1  }
0x1: {  	s6 =	rddreg [dreg:$0x0]  }
0x2: {  	s1 =	srdreg.scid;
	s2 =	rddreg [dreg:$0x1]  }
0x3: {  	s0 =	stileid.u32;
	s3 =	rddreg [dreg:$0x2];
	s4 =	simm.s32 $0x0  }
0x4: {  	s13 =	simm.s32 $0x80;
	s14 =	simm.s32 $0x0;
	s9 =	smul.u32 $0x13C00, s0  }
0x5: {  	s7 =	sand.u32 $0x1, s1;
	s28 =	sshll.u32 s0, $0x1;
	s29 =	smul.u32 $0x4F000, s0  }
0x6: {  	[smem:$0x7FF] =	sst s4;
	s1 =	sor.u32 s7, s28;
	s8 =	smul.u32 $0x13C000, s7  }
0x7: {  	s31 =	sshll.u32 s0, $0x6;
	s7 =	ssub.s32 $0x2, s7;
	s5 =	smul.u32 $0x280, s1  }
0x8: {  	s1 =	rddreg [dreg:$0x3];
	_ =	strace $0x80000047;
	s30 =	sshrl.u32 s7, $0x1  }
0x9: {  	s8 =	sadd.s32 s9, s8;
	s9 =	sshrl.u32 s29, $0x2;
	s11 =	ssub.s32 s7, s30  }
0xa: {  	s10 =	sadd.s32 s5, s6;
	s5 =	sadd.s32 $0x7400, s6;
	s8 =	sshrl.u32 s8, $0x3  }
0xb: {  	s12 =	sadd.s32 s9, s3;
	s9 =	smax.u32 s11, $0x1;
	s11 =	simm.s32 $0x1  }
0xc: {  	s8 =	sadd.s32 s8, s6;
	s6 =	sor.u32 $0x1C01, s31;
	s7 =	sadd.s32 $0x2400, s10  }
0xd: {  	s10 =	sshrl.u32 s12, $0x3;
	s12 =	simm.s32 $0x1400;
	s8 =	sadd.s32 $0x9C00, s8  }
.LBB2_1:
0xe: {  	[spmem:s10], [sflag:s6] =	dma.local [hbm:s5], $0x2780  }
0xf: {  	_ =	swait.ge [sflag:s11], $0x2780  }
0x10: {  	[sflag:s11] =	ssyncset.done $0x0  }
0x11: {  	[sflag:s11] =	ssyncadd.s32 $0xFFFFD880  }
0x12: {  	[tilespmem:s4], [sflag:$0x1] =	stream.linear.gather [hbm4b:s7+s4], $0x1400, $0x38;
	[tilespmem:$0x19000] =	vst v63  }
0x13: {  	_ =	swait.ge [sflag:s11], $0x1400  }
0x14: {  	[sflag:s11] =	ssyncset.done $0x0  }
0x15: {  	[sflag:s11] =	ssyncadd.s32 $0xFFFFEC00  }
0x16: {  	[tilespmem:s12], [sflag:$0x1] =	stream.linear.gather [hbm4b:s2+s4], $0x4000, $0x38;
	[tilespmem:$0x19000] =	vst v63  }
0x17: {  	_ =	swait.ge [sflag:s11], $0x4000  }
0x18: {  	[sflag:s11] =	ssyncset.done $0x0  }
0x19: {  	[sflag:s11] =	ssyncadd.s32 $0xFFFFC000  }
0x1a: {  	s15 =	simm.s32 $0x0;
	[bflag:$0x0] =	sbarrier.arrive $0xFFFF  }
0x1b: {  	[spmem:s3] =	stream.indirect.scatter.add.f32 [tilespmem:s12], [sflag:$0x1], $0x80, s15, s13, $0xb8;
	[tilespmem:$0x19000] =	vst v63  }
0x1c: {  	_ =	swait.ge [sflag:s11], $0x4000  }
0x1d: {  	s15 =	simm.s32 $0x200;
	[sflag:s11] =	ssyncset.done $0x0  }
.LBB2_2:
0x1e: {  	s16 =	sshra.s32 s15, $0x2;
	[sflag:s11] =	ssyncadd.s32 $0xFFFFC000;
	p0 =	sne.s32 s15, $0x4E00  }
0x1f: {  	[spmem:s3] =	stream.indirect.scatter.add.f32 [tilespmem:s12], [sflag:$0x1], $0x80, s16, s13, $0xb8;
	[tilespmem:$0x19000] =	vst v63  }
.Ltmp0:
0x20: {  	_ = 	snop;
	(pc) =	sbr.rel @p0 .LBB2_2-.Ltmp0, $4  }
0x21: {  	_ = 	snop  }
0x22: {  	s15 =	sadd.s32 $0x200, s15  }
0x23: {  	_ =	swait.ge [sflag:s11], $0x4000  }
0x24: {  	[sflag:s11] =	ssyncset.done $0x0  }
0x25: {  	s14 =	sadd.s32 $0x1, s14  }
0x26: {  	[sflag:s11] =	ssyncadd.s32 $0xFFFFC000;
	p0 =	sne.s32 s14, s9  }
.Ltmp1:
0x27: {  	[bflag:$0x0] =	sbarrier.arrive $0xFFFF;
	(pc) =	sbr.rel @p0 .LBB2_1-.Ltmp1, $4  }
0x28: {  	[hbm:s8], [sflag:s6] =	dma.local [spmem:s10], $0x2780  }
0x29: {  	_ =	swait.ge [sflag:s11], $0x2780  }
0x2a: {  	[sflag:s11] =	ssyncset.done $0x0  }
0x2b: {  	[sflag:s11] =	ssyncadd.s32 $0xFFFFD880  }
0x2c: {  	_ =	sfence.sel $0x180000  }
0x2d: {  	[bflag:$0x0] =	sbarrier.arrive $0xFFFF  }
0x2e: {  	p0 =	sne.s32 s0, $0x0;
	_ =	strace $0x90000047  }
0x2f: {  	s0 =	sadd.s32 @!p0 $0x100000, s1;
	[bflag:$0x2] =	sbarrier.arrive $0xFFFF  }
0x30: {  	[sflag:s0] =	ssyncadd.tile.s32 @!p0 $0x1;
	_ =	shalt  }
.Lfunc_end2:
_tile_overlayer_lowered:
.L_overlay_start_2:
0x31: {  	(tag) =	ssettag $0x2  }
0x32: {  	s0 =	rddreg [dreg:$0x0];
	s2 =	stileid.u32  }
0x33: {  	s1 =	rddreg [dreg:$0x1];
	p0 =	sne.s32 s2, $0x0  }
0x34: {  	s3 =	rddreg [dreg:$0x2];
	[bflag:$0x3] =	sbarrier.arrive $0xFFFF;
	s2 =	simm.s32 @!p0 $0x1C01  }
0x35: {  	[timem:s3], [sflag:s2] =	dma.local @!p0 [hbm:s0], s1  }
0x36: {  	s0 =	simm.s32 @!p0 $0x1  }
0x37: {  	_ =	swait.ge @!p0 [sflag:s0], s1  }
0x38: {  	s1 =	ssub.s32 @!p0 $0x0, s1;
	[sflag:s0] =	ssyncset.done @!p0 $0x0  }
0x39: {  	[sflag:s0] =	ssyncadd.s32 @!p0 s1  }
0x3a: {  	[bflag:$0x3] =	sbarrier.arrive $0xFFFF  }
0x3b: {  	_ =	shalt  }

// kernel: kernel.13.cloned.1.call-start
scs
__scs_entry_jumppad:
0x0: {  	(pc) =	sbr.rel $0x88, $3  }
0x1: {  	(tag) =	ssettag $0x0;
	lr =	simm.s32 $0x1  }
0x2: {  	[smem:$0x3F97] =	sst lr;
	_ =	strace $0xD0000000  }
0x3: {  	_ = 	snop  }
0x4: {  	_ = 	snop  }
0x5: {  	_ = 	snop  }
0x6: {  	_ = 	snop  }
0x7: {  	_ = 	snop  }
__scs_overlays_trampoline_lowered:
0x8: {  	[smem:$0x3FA6] =	sst s0  }
0x9: {  	[smem:$0x3FA7] =	sst s1  }
0xa: {  	[smem:$0x3FA8] =	sst s2  }
0xb: {  	[smem:$0x3FA9] =	sst s3  }
0xc: {  	[smem:$0x3FAA] =	sst s4  }
0xd: {  	[smem:$0x3FAB] =	sst s5  }
0xe: {  	[smem:$0x3FAC] =	sst s6  }
0xf: {  	[smem:$0x3FAD] =	sst s7  }
0x10: {  	[smem:$0x3FAE] =	sst s8  }
0x11: {  	[smem:$0x3FAF] =	sst s9;
	s0 =	simm.s32 @!p0 $0x0  }
0x12: {  	s1 =	sld [smem:$0x3F95];
	s0 =	simm.s32 @p0 $0x1  }
0x13: {  	[smem:$0x3FB0] =	sst s0;
	s0 =	simm.s32 @!p1 $0x0  }
0x14: {  	s2 =	sld [smem:$0x3F94];
	s0 =	simm.s32 @p1 $0x1  }
0x15: {  	[smem:$0x3FB1] =	sst s0;
	s0 =	simm.s32 @!p2 $0x0  }
0x16: {  	s3 =	sld [smem:$0x3FDB];
	s0 =	simm.s32 @p2 $0x1  }
0x17: {  	s4 =	simm.s32 $0x1BF5;
	[smem:$0x3FB3] =	sst s0  }
0x18: {  	s0 =	sld [smem:$0x3F96];
	_ =	swait.ge [sflag:s4], $0x0  }
0x19: {  	s7 =	sld [smem:$0x3F97]  }
0x1a: {  	s8 =	sadd.s32 $0xFFFFE003, lr  }
0x1b: {  	s9 =	sadd.s32 $0xFFFFFEF7, lr;
	s5 =	simm.s32 $0xFFFFFFFF;
	p2 =	slt.u32 s8, $0xFFFFF086  }
0x1c: {  	p1 =	slt.u32 s9, $0xF7A;
	s5 =	simm.s32 @!p2 $0x0  }
0x1d: {  	s5 =	simm.s32 @p1 $0x1;
	p0 =	seq.s32 s7, s2  }
0x1e: {  	s7 =	smul.u32 @!p0 $0xF7A, s2;
	p2 =	seq.s32 @!p0 s5, $0x0  }
0x1f: {  	s9 =	smul.u32 $0xF7A, s1;
	s8 =	simm.s32 @!p0 $0x1BF5;
	p2 =	por !p2, p0  }
0x20: {  	[sflag:s8] =	ssyncset.s32 @!p0 $0xFFFFF086;
	s6 =	sadd.s32 @!p0 s3, s7;
	s7 =	simm.s32 @!p0 $0x108  }
0x21: {  	s3 =	sadd.s32 s3, s9;
	s6 =	sadd.s32 @!p0 $0x88, s6;
	s7 =	simm.s32 @p2 $0x1082  }
0x22: {  	[simem:s7], [sflag:s8] =	dma.local @!p0 [hbm:s6], $0xF7A  }
0x23: {  	s9 =	sor.u32 $0xD0000000, s2;
	s6 =	simm.s32 $0x108;
	_ =	swait.ge @!p0 [sflag:s8], $0x0  }
0x24: {  	s3 =	sadd.s32 $0x88, s3;
	s6 =	simm.s32 @!p1 $0x1082;
	[sflag:s4] =	ssyncset.s32 $0xFFFFF086  }
0x25: {  	[simem:s6], [sflag:s4] =	dma.local [hbm:s3], $0xF7A  }
0x26: {  	[smem:$0x3F97] =	sst s1;
	(tag) =	ssettag s2;
	_ =	strace s9  }
0x27: {  	s1 =	sld [smem:$0x3FA7]  }
0x28: {  	s2 =	sld [smem:$0x3FA8]  }
0x29: {  	s4 =	sld [smem:$0x3FAA]  }
0x2a: {  	p0 =	seq.s32 s5, $0x0;
	s5 =	sld [smem:$0x3FAB]  }
0x2b: {  	s6 =	sld [smem:$0x3FAC]  }
0x2c: {  	s7 =	sld [smem:$0x3FAD]  }
0x2d: {  	s3 =	simm.s32 $0x108;
	s8 =	sld [smem:$0x3FAE]  }
0x2e: {  	s3 =	simm.s32 @!p0 $0x1082;
	s9 =	sld [smem:$0x3FAF]  }
0x2f: {  	lr =	sadd.s32 s0, s3;
	s0 =	sld [smem:$0x3FA6]  }
0x30: {  	s3 =	sld [smem:$0x3FA9]  }
0x31: {  	[smem:$0x3FB2] =	sst s10  }
0x32: {  	s10 =	sld [smem:$0x3FB0];
	_ =	sdelay $0x3  }
0x33: {  	p0 =	seq.s32 s10, $0x1;
	s10 =	sld [smem:$0x3FB2];
	_ =	sdelay $0x3  }
0x34: {  	[smem:$0x3FB2] =	sst s10  }
0x35: {  	s10 =	sld [smem:$0x3FB1];
	_ =	sdelay $0x3  }
0x36: {  	p1 =	seq.s32 s10, $0x1;
	s10 =	sld [smem:$0x3FB2];
	_ =	sdelay $0x3  }
0x37: {  	[smem:$0x3FB2] =	sst s10  }
0x38: {  	s10 =	sld [smem:$0x3FB3]  }
0x39: {  	_ = 	snop;
	(pc) =	sbr.ind lr, $3  }
0x3a: {  	_ = 	snop  }
0x3b: {  	_ = 	snop  }
0x3c: {  	p2 =	seq.s32 s10, $0x1;
	s10 =	sld [smem:$0x3FB2]  }
0x3d: {  	_ =	shalt  }
0x3e: {  	_ =	shalt  }
0x3f: {  	_ =	shalt  }
0x40: {  	_ =	shalt  }
0x41: {  	_ =	shalt  }
0x42: {  	_ =	shalt  }
0x43: {  	_ =	shalt  }
0x44: {  	_ =	shalt  }
0x45: {  	_ =	shalt  }
0x46: {  	_ =	shalt  }
0x47: {  	_ =	shalt  }
0x48: {  	_ =	shalt  }
0x49: {  	_ =	shalt  }
0x4a: {  	_ =	shalt  }
0x4b: {  	_ =	shalt  }
0x4c: {  	_ =	shalt  }
0x4d: {  	_ =	shalt  }
0x4e: {  	_ =	shalt  }
0x4f: {  	_ =	shalt  }
0x50: {  	_ =	shalt  }
0x51: {  	_ =	shalt  }
0x52: {  	_ =	shalt  }
0x53: {  	_ =	shalt  }
0x54: {  	_ =	shalt  }
0x55: {  	_ =	shalt  }
0x56: {  	_ =	shalt  }
0x57: {  	_ =	shalt  }
0x58: {  	_ =	shalt  }
0x59: {  	_ =	shalt  }
0x5a: {  	_ =	shalt  }
0x5b: {  	_ =	shalt  }
0x5c: {  	_ =	shalt  }
0x5d: {  	_ =	shalt  }
0x5e: {  	_ =	shalt  }
0x5f: {  	_ =	shalt  }
0x60: {  	_ =	shalt  }
0x61: {  	_ =	shalt  }
0x62: {  	_ =	shalt  }
0x63: {  	_ =	shalt  }
0x64: {  	_ =	shalt  }
0x65: {  	_ =	shalt  }
0x66: {  	_ =	shalt  }
0x67: {  	_ =	shalt  }
0x68: {  	_ =	shalt  }
0x69: {  	_ =	shalt  }
0x6a: {  	_ =	shalt  }
0x6b: {  	_ =	shalt  }
0x6c: {  	_ =	shalt  }
0x6d: {  	_ =	shalt  }
0x6e: {  	_ =	shalt  }
0x6f: {  	_ =	shalt  }
0x70: {  	_ =	shalt  }
0x71: {  	_ =	shalt  }
0x72: {  	_ =	shalt  }
0x73: {  	_ =	shalt  }
0x74: {  	_ =	shalt  }
0x75: {  	_ =	shalt  }
0x76: {  	_ =	shalt  }
0x77: {  	_ =	shalt  }
0x78: {  	_ =	shalt  }
0x79: {  	_ =	shalt  }
0x7a: {  	_ =	shalt  }
0x7b: {  	_ =	shalt  }
0x7c: {  	_ =	shalt  }
0x7d: {  	_ =	shalt  }
0x7e: {  	_ =	shalt  }
0x7f: {  	_ =	shalt  }
0x80: {  	_ =	shalt  }
0x81: {  	_ =	shalt  }
0x82: {  	_ =	shalt  }
0x83: {  	_ =	shalt  }
0x84: {  	_ =	shalt  }
0x85: {  	_ =	shalt  }
0x86: {  	_ =	shalt  }
0x87: {  	_ =	shalt  }
.Lfunc_end0:
.L_simem_size_0:
called_computation.1_lowered:
.L_overlay_start_0:
0x88: {  	s2 =	sld [smem:$0x3FD9]  }
0x89: {  	s3 =	sld [smem:$0x3FFE];
	_ =	sdelay $0x1  }
0x8a: {  	s1 =	srdreg.scid  }
0x8b: {  	s0 =	sand.u32 $0x1, s1  }
0x8c: {  	s14 =	sshll.u32 s0, $0xA;
	s2 =	sadd.s32 s3, s2  }
0x8d: {  	s2 =	sadd.s32 s2, s14  }
0x8e: {  	[smem:$0x3FBE] =	sst s2  }
0x8f: {  	_ = 	snop  }
0x90: {  	s2 =	sld [smem:$0x3FD0];
	_ =	sdelay $0x2  }
0x91: {  	s15 =	simm.s32 $0xA;
	s4 =	simm.s32 $0x10  }
0x92: {  	[smem:s4], [sflag:s15] =	dma.local [hbm:s2], $0x1  }
0x93: {  	_ =	swait.eq [sflag:s15], $0x1  }
0x94: {  	[sflag:s15] =	ssyncset.done $0x0  }
0x95: {  	[sflag:s15] =	ssyncadd.s32 $0xFFFFFFFF  }
0x96: {  	s16 =	sld [smem:$0x11];
	(tm) =	ssettm $0x1  }
0x97: {  	s17 =	sld [smem:$0x3FFB];
	_ =	sdelay $0x3  }
0x98: {  	_ =	strace s17  }
0x99: {  	s3 =	sld [smem:$0x3FFC];
	_ =	sdelay $0x3  }
0x9a: {  	_ =	strace s3  }
0x9b: {  	s3 =	sld [smem:$0x3FFD];
	_ =	sdelay $0x3  }
0x9c: {  	_ =	strace s3  }
0x9d: {  	_ =	strace $0x8FFFFFFF  }
0x9e: {  	s18 =	sld [smem:$0x3FDB];
	_ =	sdelay $0x1  }
0x9f: {  	s19 =	simm.s32 $_scs_section_size  }
0xa0: {  	s5 =	simm.s32 $_size__tile_overlayer_lowered;
	s6 =	simm.s32 $_tile_overlayer_lowered  }
0xa1: {  	s22 =	simm.s32 $0x1BFF;
	s21 =	sshll.u32 s6, $0x1;
	s3 =	sadd.s32 s19, s18  }
0xa2: {  	s7 =	simm.s32 $0x0;
	s20 =	sshll.u32 s5, $0x1;
	s5 =	sadd.s32 s21, s3  }
0xa3: {  	[timem:s7], [sflag:s22] =	dma.local [hbm:s5], s20  }
0xa4: {  	_ =	swait.ge [sflag:s22], s20  }
0xa5: {  	s4 =	ssub.s32 $0x0, s20;
	[sflag:s22] =	ssyncset.done $0x0  }
0xa6: {  	[sflag:s22] =	ssyncadd.s32 s4;
	_ =	sdelay $0x1  }
0xa7: {  	s23 =	simm.s32 $0x1B8B  }
0xa8: {  	_ =	swait.ge [sflag:s23], $0x1  }
0xa9: {  	[sflag:s23] =	ssyncset.done $0x0  }
0xaa: {  	s25 =	simm.s32 $0x1B8E;
	s24 =	sld [smem:$0x3FFE];
	[sflag:s23] =	ssyncadd.s32 $0xFFFFFFFF  }
0xab: {  	s26 =	simm.s32 $execute0_lowered;
	[smem:$0x3FD2] =	sst s25  }
0xac: {  	s5 =	sshll.u32 s26, $0x1;
	_ =	strace $0x80000049;
	[dreg:$0x1] =	wrdreg $0xFFFFFFFF  }
0xad: {  	s28 =	simm.s32 $_size_execute0_lowered;
	s3 =	sadd.s32 s3, s5;
	[dreg:$0x0] =	wrdreg $0x0  }
0xae: {  	s5 =	sshll.u32 s28, $0x1;
	[dreg:$0x2] =	wrdreg s3  }
0xaf: {  	[dreg:$0x3] =	wrdreg s5  }
0xb0: {  	[dreg:$0x4] =	wrdreg $0xC0  }
0xb1: {  	_ =	task [dreg:s7], $0x5FFFF  }
0xb2: {  	[dreg:$0x1] =	wrdreg $0xFFFFFFFF  }
0xb3: {  	[dreg:$0x0] =	wrdreg $0x60  }
0xb4: {  	[dreg:$0x2] =	wrdreg s16  }
0xb5: {  	[dreg:$0x3] =	wrdreg s24  }
0xb6: {  	[dreg:$0x4] =	wrdreg $0xA8000  }
0xb7: {  	[dreg:$0x5] =	wrdreg $0x9  }
0xb8: {  	_ =	task.clear_ibuf [dreg:s7], $0x6FFFF;
	_ =	strace $0x90000049  }
0xb9: {  	s29 =	simm.s32 $0x9;
	_ =	strace $0x8000004B  }
0xba: {  	_ =	swait.ge [sflag:s29], $0x1  }
0xbb: {  	[sflag:s29] =	ssyncadd.s32 $0xFFFFFFFF  }
0xbc: {  	_ =	strace $0x9000004B  }
0xbd: {  	_ =	sfence  }
0xbe: {  	s30 =	sld [smem:$0x0];
	_ =	sdelay $0x2  }
0xbf: {  	s31 =	sshll.u32 s1, $0xD;
	s1 =	sshrl.u32 s1, $0x2  }
0xc0: {  	s3 =	sand.u32 $0x4000, s31;
	s1 =	sadd.s32 s1, s30  }
0xc1: {  	s0 =	sor.u32 s3, s0;
	s1 =	sshll.u32 s1, $0x11  }
0xc2: {  	s0 =	sor.u32 s1, s0  }
0xc3: {  	s0 =	sadd.s32 $0x8F2B, s0  }
0xc4: {  	[sflag:s0] =	ssyncadd.remote.s32 $0x1  }
0xc5: {  	_ =	sfence.sel $0xFFFF  }
0xc6: {  	[dreg:$0x0] =	wrdreg $0xFFFFFFFF;
	(pc) =	sbr.abs _section_cstart, $3  }
0xc7: {  	[dreg:$0x1] =	wrdreg $0xFFFFFFFF  }
0xc8: {  	_ =	task.clear_ibuf [dreg:s7], $0x2FFFF;
	_ =	strace $0x9FFFFFFF  }
0xc9: {  	(tm) =	ssettm $0x7FFFFFFF  }
tec
execute0_lowered:
.L_overlay_start_1:
0x0: {  	(tag) =	ssettag $0x1  }
0x1: {  	s1 =	rddreg [dreg:$0x0]  }
0x2: {  	s6 =	rddreg [dreg:$0x1]  }
0x3: {  	s3 =	rddreg [dreg:$0x2]  }
0x4: {  	s0 =	srdreg.scid;
	s2 =	rddreg [dreg:$0x3];
	s4 =	simm.s32 $0x0  }
0x5: {  	s16 =	simm.s32 $0x80;
	s17 =	simm.s32 $0x2800;
	s18 =	simm.s32 $0x6800  }
0x6: {  	s19 =	simm.s32 $0x1;
	s20 =	simm.s32 $0x2;
	s7 =	sand.u32 $0x1, s0  }
0x7: {  	s21 =	simm.s32 $0x1380;
	s0 =	stileid.u32;
	s5 =	smul.u32 $0x28000, s7  }
0x8: {  	s22 =	simm.s32 $0x2700;
	s23 =	simm.s32 $0x2780;
	s8 =	smul.u32 $0x2800, s0  }
0x9: {  	s24 =	simm.s32 $0x0;
	[smem:$0x7FF] =	sst s4;
	s9 =	smul.u32 $0x2780, s0  }
0xa: {  	s10 =	smul.u32 $0x27800, s7;
	_ =	strace $0x8000004A;
	s29 =	ssub.s32 $0x2, s7  }
0xb: {  	s28 =	smul.u32 $0x4F000, s0;
	s31 =	sshll.u32 s0, $0x6;
	s7 =	sshrl.u32 s29, $0x1  }
0xc: {  	s5 =	sadd.s32 s8, s5;
	s25 =	sshrl.u32 s8, $0x3;
	s26 =	sadd.s32 s9, s10  }
0xd: {  	s30 =	sshrl.u32 s28, $0x2;
	s14 =	ssub.s32 s29, s7;
	s5 =	sshrl.u32 s5, $0x3  }
0xe: {  	s12 =	sadd.s32 s25, s6;
	s13 =	sadd.s32 s26, s6;
	s15 =	sadd.s32 s30, s3  }
0xf: {  	s11 =	sadd.s32 s5, s6;
	s5 =	sadd.s32 $0x7400, s6;
	s6 =	sor.u32 $0x1C03, s31  }
0x10: {  	s8 =	sadd.s32 $0x2400, s12;
	s10 =	sadd.s32 $0x2680, s12;
	s12 =	smax.u32 s14, $0x1  }
0x11: {  	s14 =	simm.s32 $0x3;
	s7 =	sadd.s32 $0x58C00, s11;
	s9 =	sadd.s32 $0x58E80, s11  }
0x12: {  	s11 =	sadd.s32 $0x9C00, s13;
	s13 =	sshrl.u32 s15, $0x3;
	s15 =	simm.s32 $0x1400  }
.LBB2_1:
0x13: {  	[spmem:s13], [sflag:s6] =	dma.local [hbm:s5], $0x2780  }
0x14: {  	_ =	swait.ge [sflag:s14], $0x2780  }
0x15: {  	[sflag:s14] =	ssyncset.done $0x0  }
0x16: {  	[sflag:s14] =	ssyncadd.s32 $0xFFFFD880  }
0x17: {  	[bflag:$0x0] =	sbarrier.arrive $0xFFFF  }
0x18: {  	[tilespmem:s4], [sflag:$0x3] =	stream.linear.gather [hbm4b:s7+s4], $0x1400, $0x38;
	[tilespmem:$0x1E400] =	vst v63  }
0x19: {  	_ =	swait.ge [sflag:s14], $0x1400  }
0x1a: {  	[sflag:s14] =	ssyncset.done $0x0  }
0x1b: {  	[sflag:s14] =	ssyncadd.s32 $0xFFFFEC00  }
0x1c: {  	[tilespmem:s15], [sflag:$0x3] =	stream.linear.gather [hbm4b:s8+s4], $0x1400, $0x38;
	[tilespmem:$0x1E400] =	vst v63  }
0x1d: {  	_ =	swait.ge [sflag:s14], $0x1400  }
0x1e: {  	[sflag:s14] =	ssyncset.done $0x0  }
0x1f: {  	[sflag:s14] =	ssyncadd.s32 $0xFFFFEC00  }
0x20: {  	[tilespmem:s17], [sflag:$0x1] =	stream.indirect.gather [hbm4b:s1+s16], $0x80, s4, s16, $0xb8;
	[tilespmem:$0x1E400] =	vst v63  }
0x21: {  	s25 =	simm.s32 $0x80  }
0x22: {  	[tilespmem:s18], [sflag:$0x2] =	stream.indirect.gather [hbm4b:s1+s16], $0x80, s25, s16, $0xb8;
	[tilespmem:$0x1E400] =	vst v63  }
0x23: {  	_ =	swait.ge [sflag:s19], $0x4000  }
0x24: {  	[sflag:s19] =	ssyncset.done $0x0  }
0x25: {  	s29 =	simm.s32 $0x1400;
	[sflag:s19] =	ssyncadd.s32 $0xFFFFC000  }
0x26: {  	[spmem:s3] =	stream.indirect.scatter.add.f32 [tilespmem:s17], [sflag:$0x3], $0x80, s29, s16, $0xb8;
	[tilespmem:$0x1E400] =	vst v63  }
0x27: {  	_ =	swait.ge [sflag:s14], $0x4000  }
0x28: {  	[sflag:s14] =	ssyncset.done $0x0  }
0x29: {  	s30 =	simm.s32 $0x100;
	[sflag:s14] =	ssyncadd.s32 $0xFFFFC000  }
0x2a: {  	[tilespmem:s17], [sflag:$0x1] =	stream.indirect.gather [hbm4b:s1+s16], $0x80, s30, s16, $0xb8;
	[tilespmem:$0x1E400] =	vst v63  }
0x2b: {  	_ =	swait.ge [sflag:s20], $0x4000  }
0x2c: {  	[sflag:s20] =	ssyncset.done $0x0  }
0x2d: {  	s31 =	simm.s32 $0x1480;
	[sflag:s20] =	ssyncadd.s32 $0xFFFFC000  }
0x2e: {  	[spmem:s3] =	stream.indirect.scatter.add.f32 [tilespmem:s18], [sflag:$0x3], $0x80, s31, s16, $0xb8;
	[tilespmem:$0x1E400] =	vst v63  }
0x2f: {  	_ =	swait.ge [sflag:s14], $0x4000  }
0x30: {  	s26 =	simm.s32 $0x800;
	s25 =	simm.s32 $0x100;
	[sflag:s14] =	ssyncset.done $0x0  }
.LBB2_2:
0x31: {  	s28 =	sadd.s32 $0x80, s25  }
0x32: {  	[sflag:s14] =	ssyncadd.s32 $0xFFFFC000;
	s29 =	smov.u32 s26;
	s30 =	sadd.s32 $0x400, s26  }
0x33: {  	[tilespmem:s18], [sflag:$0x2] =	stream.indirect.gather [hbm4b:s1+s16], $0x80, s28, s16, $0xb8;
	[tilespmem:$0x1E400] =	vst v63  }
0x34: {  	p0 =	sne.s32 s26, $0x4800;
	_ =	swait.ge [sflag:s19], $0x4000  }
0x35: {  	[sflag:s19] =	ssyncset.done $0x0  }
0x36: {  	s26 =	sadd.s32 $0x1400, s25;
	[sflag:s19] =	ssyncadd.s32 $0xFFFFC000  }
0x37: {  	[spmem:s3] =	stream.indirect.scatter.add.f32 [tilespmem:s17], [sflag:$0x3], $0x80, s26, s16, $0xb8;
	[tilespmem:$0x1E400] =	vst v63  }
0x38: {  	_ =	swait.ge [sflag:s14], $0x4000  }
0x39: {  	[sflag:s14] =	ssyncset.done $0x0  }
0x3a: {  	s26 =	sadd.s32 $0x100, s25;
	[sflag:s14] =	ssyncadd.s32 $0xFFFFC000  }
0x3b: {  	[tilespmem:s17], [sflag:$0x1] =	stream.indirect.gather [hbm4b:s1+s16], $0x80, s26, s16, $0xb8;
	[tilespmem:$0x1E400] =	vst v63  }
0x3c: {  	_ =	swait.ge [sflag:s20], $0x4000  }
.Ltmp0:
0x3d: {  	[sflag:s20] =	ssyncset.done $0x0;
	(pc) =	sbr.rel @p0 .LBB2_2-.Ltmp0, $4  }
0x3e: {  	s25 =	sadd.s32 $0x1480, s25;
	[sflag:s20] =	ssyncadd.s32 $0xFFFFC000  }
0x3f: {  	[spmem:s3] =	stream.indirect.scatter.add.f32 [tilespmem:s18], [sflag:$0x3], $0x80, s25, s16, $0xb8;
	[tilespmem:$0x1E400] =	vst v63  }
0x40: {  	_ =	swait.ge [sflag:s14], $0x4000  }
0x41: {  	s26 =	smov.u32 s30;
	s25 =	sshra.s32 s29, $0x2;
	[sflag:s14] =	ssyncset.done $0x0  }
0x42: {  	s26 =	sadd.s32 $0x80, s25;
	[sflag:s14] =	ssyncadd.s32 $0xFFFFC000  }
0x43: {  	[tilespmem:s18], [sflag:$0x2] =	stream.indirect.gather [hbm4b:s1+s16], $0x80, s26, s16, $0xb8;
	[tilespmem:$0x1E400] =	vst v63  }
0x44: {  	_ =	swait.ge [sflag:s19], $0x4000  }
0x45: {  	[sflag:s19] =	ssyncset.done $0x0  }
0x46: {  	s29 =	sadd.s32 $0x1400, s25;
	[sflag:s19] =	ssyncadd.s32 $0xFFFFC000  }
0x47: {  	[spmem:s3] =	stream.indirect.scatter.add.f32 [tilespmem:s17], [sflag:$0x3], $0x80, s29, s16, $0xb8;
	[tilespmem:$0x1E400] =	vst v63  }
0x48: {  	_ =	swait.ge [sflag:s14], $0x4000  }
0x49: {  	[sflag:s14] =	ssyncset.done $0x0  }
0x4a: {  	s30 =	sadd.s32 $0x100, s25;
	[sflag:s14] =	ssyncadd.s32 $0xFFFFC000  }
0x4b: {  	[tilespmem:s17], [sflag:$0x1] =	stream.indirect.gather [hbm4b:s1+s16], $0x80, s30, s16, $0xb8;
	[tilespmem:$0x1E400] =	vst v63  }
0x4c: {  	_ =	swait.ge [sflag:s20], $0x4000  }
0x4d: {  	[sflag:s20] =	ssyncset.done $0x0  }
0x4e: {  	s31 =	sadd.s32 $0x1480, s25;
	[sflag:s20] =	ssyncadd.s32 $0xFFFFC000  }
0x4f: {  	[spmem:s3] =	stream.indirect.scatter.add.f32 [tilespmem:s18], [sflag:$0x3], $0x80, s31, s16, $0xb8;
	[tilespmem:$0x1E400] =	vst v63  }
0x50: {  	_ =	swait.ge [sflag:s14], $0x4000  }
0x51: {  	[sflag:s14] =	ssyncset.done $0x0  }
0x52: {  	[sflag:s14] =	ssyncadd.s32 $0xFFFFC000  }
0x53: {  	[tilespmem:s18], [sflag:$0x2] =	stream.indirect.gather [hbm4b:s1+s16], $0x80, s21, s16, $0xb8;
	[tilespmem:$0x1E400] =	vst v63  }
0x54: {  	_ =	swait.ge [sflag:s19], $0x4000  }
0x55: {  	[sflag:s19] =	ssyncset.done $0x0  }
0x56: {  	[sflag:s19] =	ssyncadd.s32 $0xFFFFC000  }
0x57: {  	[spmem:s3] =	stream.indirect.scatter.add.f32 [tilespmem:s17], [sflag:$0x3], $0x80, s22, s16, $0xb8;
	[tilespmem:$0x1E400] =	vst v63  }
0x58: {  	_ =	swait.ge [sflag:s14], $0x4000  }
0x59: {  	[sflag:s14] =	ssyncset.done $0x0  }
0x5a: {  	[sflag:s14] =	ssyncadd.s32 $0xFFFFC000  }
0x5b: {  	[tilespmem:s17], [sflag:$0x1] =	stream.indirect.gather [hbm4b:s1+s16], $0x80, s21, s16, $0xb8;
	[tilespmem:$0x1E400] =	vst v63  }
0x5c: {  	_ =	swait.ge [sflag:s20], $0x4000  }
0x5d: {  	[sflag:s20] =	ssyncset.done $0x0  }
0x5e: {  	[sflag:s20] =	ssyncadd.s32 $0xFFFFC000  }
0x5f: {  	[spmem:s3] =	stream.indirect.scatter.add.f32 [tilespmem:s18], [sflag:$0x3], $0x80, s23, s16, $0xb8;
	[tilespmem:$0x1E400] =	vst v63  }
0x60: {  	_ =	swait.ge [sflag:s14], $0x4000  }
0x61: {  	[sflag:s14] =	ssyncset.done $0x0  }
0x62: {  	[sflag:s14] =	ssyncadd.s32 $0xFFFFC000  }
0x63: {  	_ =	swait.ge [sflag:s19], $0x4000  }
0x64: {  	[sflag:s19] =	ssyncset.done $0x0  }
0x65: {  	s26 =	simm.s32 $0x0;
	[sflag:s19] =	ssyncadd.s32 $0xFFFFC000  }
0x66: {  	[tilespmem:s26], [sflag:$0x3] =	stream.linear.gather [hbm4b:s9+s26], $0x1400, $0x38;
	[tilespmem:$0x1E400] =	vst v63  }
0x67: {  	_ =	swait.ge [sflag:s14], $0x1400  }
0x68: {  	[sflag:s14] =	ssyncset.done $0x0  }
0x69: {  	[sflag:s14] =	ssyncadd.s32 $0xFFFFEC00  }
0x6a: {  	[tilespmem:s15], [sflag:$0x3] =	stream.linear.gather [hbm4b:s10+s26], $0x1400, $0x38;
	[tilespmem:$0x1E400] =	vst v63  }
0x6b: {  	_ =	swait.ge [sflag:s14], $0x1400  }
0x6c: {  	[sflag:s14] =	ssyncset.done $0x0  }
0x6d: {  	[sflag:s14] =	ssyncadd.s32 $0xFFFFEC00  }
0x6e: {  	[tilespmem:s17], [sflag:$0x1] =	stream.indirect.gather [hbm4b:s1+s16], $0x80, s26, s16, $0xb8;
	[tilespmem:$0x1E400] =	vst v63  }
0x6f: {  	s28 =	simm.s32 $0x80  }
0x70: {  	[tilespmem:s18], [sflag:$0x2] =	stream.indirect.gather [hbm4b:s1+s16], $0x80, s28, s16, $0xb8;
	[tilespmem:$0x1E400] =	vst v63  }
0x71: {  	_ =	swait.ge [sflag:s19], $0x4000  }
0x72: {  	[sflag:s19] =	ssyncset.done $0x0  }
0x73: {  	s29 =	simm.s32 $0x1400;
	[sflag:s19] =	ssyncadd.s32 $0xFFFFC000  }
0x74: {  	[spmem:s3] =	stream.indirect.scatter.add.f32 [tilespmem:s17], [sflag:$0x3], $0x80, s29, s16, $0xb8;
	[tilespmem:$0x1E400] =	vst v63  }
0x75: {  	_ =	swait.ge [sflag:s14], $0x4000  }
0x76: {  	[sflag:s14] =	ssyncset.done $0x0  }
0x77: {  	s30 =	simm.s32 $0x100;
	[sflag:s14] =	ssyncadd.s32 $0xFFFFC000  }
0x78: {  	[tilespmem:s17], [sflag:$0x1] =	stream.indirect.gather [hbm4b:s1+s16], $0x80, s30, s16, $0xb8;
	[tilespmem:$0x1E400] =	vst v63  }
0x79: {  	_ =	swait.ge [sflag:s20], $0x4000  }
0x7a: {  	[sflag:s20] =	ssyncset.done $0x0  }
0x7b: {  	s31 =	simm.s32 $0x1480;
	[sflag:s20] =	ssyncadd.s32 $0xFFFFC000  }
0x7c: {  	[spmem:s3] =	stream.indirect.scatter.add.f32 [tilespmem:s18], [sflag:$0x3], $0x80, s31, s16, $0xb8;
	[tilespmem:$0x1E400] =	vst v63  }
0x7d: {  	_ =	swait.ge [sflag:s14], $0x4000  }
0x7e: {  	s25 =	simm.s32 $0x100;
	s26 =	simm.s32 $0x800;
	[sflag:s14] =	ssyncset.done $0x0  }
.LBB2_4:
0x7f: {  	s28 =	sadd.s32 $0x80, s25  }
0x80: {  	[sflag:s14] =	ssyncadd.s32 $0xFFFFC000;
	s29 =	smov.u32 s26;
	s30 =	sadd.s32 $0x400, s26  }
0x81: {  	[tilespmem:s18], [sflag:$0x2] =	stream.indirect.gather [hbm4b:s1+s16], $0x80, s28, s16, $0xb8;
	[tilespmem:$0x1E400] =	vst v63  }
0x82: {  	p0 =	sne.s32 s26, $0x4800;
	_ =	swait.ge [sflag:s19], $0x4000  }
0x83: {  	[sflag:s19] =	ssyncset.done $0x0  }
0x84: {  	s26 =	sadd.s32 $0x1400, s25;
	[sflag:s19] =	ssyncadd.s32 $0xFFFFC000  }
0x85: {  	[spmem:s3] =	stream.indirect.scatter.add.f32 [tilespmem:s17], [sflag:$0x3], $0x80, s26, s16, $0xb8;
	[tilespmem:$0x1E400] =	vst v63  }
0x86: {  	_ =	swait.ge [sflag:s14], $0x4000  }
0x87: {  	[sflag:s14] =	ssyncset.done $0x0  }
0x88: {  	s26 =	sadd.s32 $0x100, s25;
	[sflag:s14] =	ssyncadd.s32 $0xFFFFC000  }
0x89: {  	[tilespmem:s17], [sflag:$0x1] =	stream.indirect.gather [hbm4b:s1+s16], $0x80, s26, s16, $0xb8;
	[tilespmem:$0x1E400] =	vst v63  }
0x8a: {  	_ =	swait.ge [sflag:s20], $0x4000  }
.Ltmp1:
0x8b: {  	[sflag:s20] =	ssyncset.done $0x0;
	(pc) =	sbr.rel @p0 .LBB2_4-.Ltmp1, $4  }
0x8c: {  	s25 =	sadd.s32 $0x1480, s25;
	[sflag:s20] =	ssyncadd.s32 $0xFFFFC000  }
0x8d: {  	[spmem:s3] =	stream.indirect.scatter.add.f32 [tilespmem:s18], [sflag:$0x3], $0x80, s25, s16, $0xb8;
	[tilespmem:$0x1E400] =	vst v63  }
0x8e: {  	_ =	swait.ge [sflag:s14], $0x4000  }
0x8f: {  	s26 =	smov.u32 s30;
	s25 =	sshra.s32 s29, $0x2;
	[sflag:s14] =	ssyncset.done $0x0  }
0x90: {  	s26 =	sadd.s32 $0x80, s25;
	[sflag:s14] =	ssyncadd.s32 $0xFFFFC000  }
0x91: {  	[tilespmem:s18], [sflag:$0x2] =	stream.indirect.gather [hbm4b:s1+s16], $0x80, s26, s16, $0xb8;
	[tilespmem:$0x1E400] =	vst v63  }
0x92: {  	_ =	swait.ge [sflag:s19], $0x4000  }
0x93: {  	[sflag:s19] =	ssyncset.done $0x0  }
0x94: {  	s29 =	sadd.s32 $0x1400, s25;
	[sflag:s19] =	ssyncadd.s32 $0xFFFFC000  }
0x95: {  	[spmem:s3] =	stream.indirect.scatter.add.f32 [tilespmem:s17], [sflag:$0x3], $0x80, s29, s16, $0xb8;
	[tilespmem:$0x1E400] =	vst v63  }
0x96: {  	_ =	swait.ge [sflag:s14], $0x4000  }
0x97: {  	[sflag:s14] =	ssyncset.done $0x0  }
0x98: {  	s30 =	sadd.s32 $0x100, s25;
	[sflag:s14] =	ssyncadd.s32 $0xFFFFC000  }
0x99: {  	[tilespmem:s17], [sflag:$0x1] =	stream.indirect.gather [hbm4b:s1+s16], $0x80, s30, s16, $0xb8;
	[tilespmem:$0x1E400] =	vst v63  }
0x9a: {  	_ =	swait.ge [sflag:s20], $0x4000  }
0x9b: {  	[sflag:s20] =	ssyncset.done $0x0  }
0x9c: {  	s31 =	sadd.s32 $0x1480, s25;
	[sflag:s20] =	ssyncadd.s32 $0xFFFFC000  }
0x9d: {  	[spmem:s3] =	stream.indirect.scatter.add.f32 [tilespmem:s18], [sflag:$0x3], $0x80, s31, s16, $0xb8;
	[tilespmem:$0x1E400] =	vst v63  }
0x9e: {  	_ =	swait.ge [sflag:s14], $0x4000  }
0x9f: {  	[sflag:s14] =	ssyncset.done $0x0  }
0xa0: {  	[sflag:s14] =	ssyncadd.s32 $0xFFFFC000  }
0xa1: {  	[tilespmem:s18], [sflag:$0x2] =	stream.indirect.gather [hbm4b:s1+s16], $0x80, s21, s16, $0xb8;
	[tilespmem:$0x1E400] =	vst v63  }
0xa2: {  	_ =	swait.ge [sflag:s19], $0x4000  }
0xa3: {  	[sflag:s19] =	ssyncset.done $0x0  }
0xa4: {  	[sflag:s19] =	ssyncadd.s32 $0xFFFFC000  }
0xa5: {  	[spmem:s3] =	stream.indirect.scatter.add.f32 [tilespmem:s17], [sflag:$0x3], $0x80, s22, s16, $0xb8;
	[tilespmem:$0x1E400] =	vst v63  }
0xa6: {  	_ =	swait.ge [sflag:s14], $0x4000  }
0xa7: {  	[sflag:s14] =	ssyncset.done $0x0  }
0xa8: {  	[sflag:s14] =	ssyncadd.s32 $0xFFFFC000  }
0xa9: {  	[tilespmem:s17], [sflag:$0x1] =	stream.indirect.gather [hbm4b:s1+s16], $0x80, s21, s16, $0xb8;
	[tilespmem:$0x1E400] =	vst v63  }
0xaa: {  	_ =	swait.ge [sflag:s20], $0x4000  }
0xab: {  	[sflag:s20] =	ssyncset.done $0x0  }
0xac: {  	[sflag:s20] =	ssyncadd.s32 $0xFFFFC000  }
0xad: {  	[spmem:s3] =	stream.indirect.scatter.add.f32 [tilespmem:s18], [sflag:$0x3], $0x80, s23, s16, $0xb8;
	[tilespmem:$0x1E400] =	vst v63  }
0xae: {  	_ =	swait.ge [sflag:s14], $0x4000  }
0xaf: {  	[sflag:s14] =	ssyncset.done $0x0  }
0xb0: {  	[sflag:s14] =	ssyncadd.s32 $0xFFFFC000  }
0xb1: {  	_ =	swait.ge [sflag:s19], $0x4000  }
0xb2: {  	s24 =	sadd.s32 $0x1, s24;
	[sflag:s19] =	ssyncset.done $0x0  }
0xb3: {  	p0 =	sne.s32 s24, s12;
	[sflag:s19] =	ssyncadd.s32 $0xFFFFC000  }
.Ltmp2:
0xb4: {  	[bflag:$0x0] =	sbarrier.arrive $0xFFFF;
	(pc) =	sbr.rel @p0 .LBB2_1-.Ltmp2, $4  }
0xb5: {  	[hbm:s11], [sflag:s6] =	dma.local [spmem:s13], $0x2780  }
0xb6: {  	_ =	swait.ge [sflag:s14], $0x2780  }
0xb7: {  	[sflag:s14] =	ssyncset.done $0x0  }
0xb8: {  	[sflag:s14] =	ssyncadd.s32 $0xFFFFD880  }
0xb9: {  	_ =	sfence.sel $0x180000  }
0xba: {  	[bflag:$0x0] =	sbarrier.arrive $0xFFFF  }
0xbb: {  	p0 =	sne.s32 s0, $0x0;
	_ =	strace $0x9000004A  }
0xbc: {  	s0 =	sadd.s32 @!p0 $0x100000, s2;
	[bflag:$0x2] =	sbarrier.arrive $0xFFFF  }
0xbd: {  	[sflag:s0] =	ssyncadd.tile.s32 @!p0 $0x1;
	_ =	shalt  }
.Lfunc_end2:
_tile_overlayer_lowered:
.L_overlay_start_2:
0xbe: {  	(tag) =	ssettag $0x2  }
0xbf: {  	s0 =	rddreg [dreg:$0x0];
	s2 =	stileid.u32  }
0xc0: {  	s1 =	rddreg [dreg:$0x1];
	p0 =	sne.s32 s2, $0x0  }
0xc1: {  	s3 =	rddreg [dreg:$0x2];
	[bflag:$0x3] =	sbarrier.arrive $0xFFFF;
	s2 =	simm.s32 @!p0 $0x1C03  }
0xc2: {  	[timem:s3], [sflag:s2] =	dma.local @!p0 [hbm:s0], s1  }
0xc3: {  	s0 =	simm.s32 @!p0 $0x3  }
0xc4: {  	_ =	swait.ge @!p0 [sflag:s0], s1  }
0xc5: {  	s1 =	ssub.s32 @!p0 $0x0, s1;
	[sflag:s0] =	ssyncset.done @!p0 $0x0  }
0xc6: {  	[sflag:s0] =	ssyncadd.s32 @!p0 s1  }
0xc7: {  	[bflag:$0x3] =	sbarrier.arrive $0xFFFF  }
0xc8: {  	_ =	shalt  }

// kernel: kernel.16.cloned.1.call-start
scs
__scs_entry_jumppad:
0x0: {  	(pc) =	sbr.rel $0x88, $3  }
0x1: {  	(tag) =	ssettag $0x0;
	lr =	simm.s32 $0x1  }
0x2: {  	[smem:$0x3F97] =	sst lr;
	_ =	strace $0xD0000000  }
0x3: {  	_ = 	snop  }
0x4: {  	_ = 	snop  }
0x5: {  	_ = 	snop  }
0x6: {  	_ = 	snop  }
0x7: {  	_ = 	snop  }
__scs_overlays_trampoline_lowered:
0x8: {  	[smem:$0x3FA6] =	sst s0  }
0x9: {  	[smem:$0x3FA7] =	sst s1  }
0xa: {  	[smem:$0x3FA8] =	sst s2  }
0xb: {  	[smem:$0x3FA9] =	sst s3  }
0xc: {  	[smem:$0x3FAA] =	sst s4  }
0xd: {  	[smem:$0x3FAB] =	sst s5  }
0xe: {  	[smem:$0x3FAC] =	sst s6  }
0xf: {  	[smem:$0x3FAD] =	sst s7  }
0x10: {  	[smem:$0x3FAE] =	sst s8  }
0x11: {  	[smem:$0x3FAF] =	sst s9;
	s0 =	simm.s32 @!p0 $0x0  }
0x12: {  	s1 =	sld [smem:$0x3F95];
	s0 =	simm.s32 @p0 $0x1  }
0x13: {  	[smem:$0x3FB0] =	sst s0;
	s0 =	simm.s32 @!p1 $0x0  }
0x14: {  	s2 =	sld [smem:$0x3F94];
	s0 =	simm.s32 @p1 $0x1  }
0x15: {  	[smem:$0x3FB1] =	sst s0;
	s0 =	simm.s32 @!p2 $0x0  }
0x16: {  	s3 =	sld [smem:$0x3FDB];
	s0 =	simm.s32 @p2 $0x1  }
0x17: {  	s4 =	simm.s32 $0x1BF5;
	[smem:$0x3FB3] =	sst s0  }
0x18: {  	s0 =	sld [smem:$0x3F96];
	_ =	swait.ge [sflag:s4], $0x0  }
0x19: {  	s7 =	sld [smem:$0x3F97]  }
0x1a: {  	s8 =	sadd.s32 $0xFFFFE003, lr  }
0x1b: {  	s9 =	sadd.s32 $0xFFFFFEF7, lr;
	s5 =	simm.s32 $0xFFFFFFFF;
	p2 =	slt.u32 s8, $0xFFFFF086  }
0x1c: {  	p1 =	slt.u32 s9, $0xF7A;
	s5 =	simm.s32 @!p2 $0x0  }
0x1d: {  	s5 =	simm.s32 @p1 $0x1;
	p0 =	seq.s32 s7, s2  }
0x1e: {  	s7 =	smul.u32 @!p0 $0xF7A, s2;
	p2 =	seq.s32 @!p0 s5, $0x0  }
0x1f: {  	s9 =	smul.u32 $0xF7A, s1;
	s8 =	simm.s32 @!p0 $0x1BF5;
	p2 =	por !p2, p0  }
0x20: {  	[sflag:s8] =	ssyncset.s32 @!p0 $0xFFFFF086;
	s6 =	sadd.s32 @!p0 s3, s7;
	s7 =	simm.s32 @!p0 $0x108  }
0x21: {  	s3 =	sadd.s32 s3, s9;
	s6 =	sadd.s32 @!p0 $0x88, s6;
	s7 =	simm.s32 @p2 $0x1082  }
0x22: {  	[simem:s7], [sflag:s8] =	dma.local @!p0 [hbm:s6], $0xF7A  }
0x23: {  	s9 =	sor.u32 $0xD0000000, s2;
	s6 =	simm.s32 $0x108;
	_ =	swait.ge @!p0 [sflag:s8], $0x0  }
0x24: {  	s3 =	sadd.s32 $0x88, s3;
	s6 =	simm.s32 @!p1 $0x1082;
	[sflag:s4] =	ssyncset.s32 $0xFFFFF086  }
0x25: {  	[simem:s6], [sflag:s4] =	dma.local [hbm:s3], $0xF7A  }
0x26: {  	[smem:$0x3F97] =	sst s1;
	(tag) =	ssettag s2;
	_ =	strace s9  }
0x27: {  	s1 =	sld [smem:$0x3FA7]  }
0x28: {  	s2 =	sld [smem:$0x3FA8]  }
0x29: {  	s4 =	sld [smem:$0x3FAA]  }
0x2a: {  	p0 =	seq.s32 s5, $0x0;
	s5 =	sld [smem:$0x3FAB]  }
0x2b: {  	s6 =	sld [smem:$0x3FAC]  }
0x2c: {  	s7 =	sld [smem:$0x3FAD]  }
0x2d: {  	s3 =	simm.s32 $0x108;
	s8 =	sld [smem:$0x3FAE]  }
0x2e: {  	s3 =	simm.s32 @!p0 $0x1082;
	s9 =	sld [smem:$0x3FAF]  }
0x2f: {  	lr =	sadd.s32 s0, s3;
	s0 =	sld [smem:$0x3FA6]  }
0x30: {  	s3 =	sld [smem:$0x3FA9]  }
0x31: {  	[smem:$0x3FB2] =	sst s10  }
0x32: {  	s10 =	sld [smem:$0x3FB0];
	_ =	sdelay $0x3  }
0x33: {  	p0 =	seq.s32 s10, $0x1;
	s10 =	sld [smem:$0x3FB2];
	_ =	sdelay $0x3  }
0x34: {  	[smem:$0x3FB2] =	sst s10  }
0x35: {  	s10 =	sld [smem:$0x3FB1];
	_ =	sdelay $0x3  }
0x36: {  	p1 =	seq.s32 s10, $0x1;
	s10 =	sld [smem:$0x3FB2];
	_ =	sdelay $0x3  }
0x37: {  	[smem:$0x3FB2] =	sst s10  }
0x38: {  	s10 =	sld [smem:$0x3FB3]  }
0x39: {  	_ = 	snop;
	(pc) =	sbr.ind lr, $3  }
0x3a: {  	_ = 	snop  }
0x3b: {  	_ = 	snop  }
0x3c: {  	p2 =	seq.s32 s10, $0x1;
	s10 =	sld [smem:$0x3FB2]  }
0x3d: {  	_ =	shalt  }
0x3e: {  	_ =	shalt  }
0x3f: {  	_ =	shalt  }
0x40: {  	_ =	shalt  }
0x41: {  	_ =	shalt  }
0x42: {  	_ =	shalt  }
0x43: {  	_ =	shalt  }
0x44: {  	_ =	shalt  }
0x45: {  	_ =	shalt  }
0x46: {  	_ =	shalt  }
0x47: {  	_ =	shalt  }
0x48: {  	_ =	shalt  }
0x49: {  	_ =	shalt  }
0x4a: {  	_ =	shalt  }
0x4b: {  	_ =	shalt  }
0x4c: {  	_ =	shalt  }
0x4d: {  	_ =	shalt  }
0x4e: {  	_ =	shalt  }
0x4f: {  	_ =	shalt  }
0x50: {  	_ =	shalt  }
0x51: {  	_ =	shalt  }
0x52: {  	_ =	shalt  }
0x53: {  	_ =	shalt  }
0x54: {  	_ =	shalt  }
0x55: {  	_ =	shalt  }
0x56: {  	_ =	shalt  }
0x57: {  	_ =	shalt  }
0x58: {  	_ =	shalt  }
0x59: {  	_ =	shalt  }
0x5a: {  	_ =	shalt  }
0x5b: {  	_ =	shalt  }
0x5c: {  	_ =	shalt  }
0x5d: {  	_ =	shalt  }
0x5e: {  	_ =	shalt  }
0x5f: {  	_ =	shalt  }
0x60: {  	_ =	shalt  }
0x61: {  	_ =	shalt  }
0x62: {  	_ =	shalt  }
0x63: {  	_ =	shalt  }
0x64: {  	_ =	shalt  }
0x65: {  	_ =	shalt  }
0x66: {  	_ =	shalt  }
0x67: {  	_ =	shalt  }
0x68: {  	_ =	shalt  }
0x69: {  	_ =	shalt  }
0x6a: {  	_ =	shalt  }
0x6b: {  	_ =	shalt  }
0x6c: {  	_ =	shalt  }
0x6d: {  	_ =	shalt  }
0x6e: {  	_ =	shalt  }
0x6f: {  	_ =	shalt  }
0x70: {  	_ =	shalt  }
0x71: {  	_ =	shalt  }
0x72: {  	_ =	shalt  }
0x73: {  	_ =	shalt  }
0x74: {  	_ =	shalt  }
0x75: {  	_ =	shalt  }
0x76: {  	_ =	shalt  }
0x77: {  	_ =	shalt  }
0x78: {  	_ =	shalt  }
0x79: {  	_ =	shalt  }
0x7a: {  	_ =	shalt  }
0x7b: {  	_ =	shalt  }
0x7c: {  	_ =	shalt  }
0x7d: {  	_ =	shalt  }
0x7e: {  	_ =	shalt  }
0x7f: {  	_ =	shalt  }
0x80: {  	_ =	shalt  }
0x81: {  	_ =	shalt  }
0x82: {  	_ =	shalt  }
0x83: {  	_ =	shalt  }
0x84: {  	_ =	shalt  }
0x85: {  	_ =	shalt  }
0x86: {  	_ =	shalt  }
0x87: {  	_ =	shalt  }
.Lfunc_end0:
.L_simem_size_0:
called_computation.2_lowered:
.L_overlay_start_0:
0x88: {  	s2 =	sld [smem:$0x3FD9]  }
0x89: {  	s3 =	sld [smem:$0x3FFE];
	_ =	sdelay $0x1  }
0x8a: {  	s1 =	srdreg.scid  }
0x8b: {  	s0 =	sand.u32 $0x1, s1  }
0x8c: {  	s14 =	sshll.u32 s0, $0xA;
	s2 =	sadd.s32 s3, s2  }
0x8d: {  	s2 =	sadd.s32 s2, s14  }
0x8e: {  	[smem:$0x3FBE] =	sst s2  }
0x8f: {  	_ = 	snop  }
0x90: {  	s2 =	sld [smem:$0x3FD0];
	_ =	sdelay $0x2  }
0x91: {  	s15 =	simm.s32 $0xA;
	s4 =	simm.s32 $0x10  }
0x92: {  	[smem:s4], [sflag:s15] =	dma.local [hbm:s2], $0x1  }
0x93: {  	_ =	swait.eq [sflag:s15], $0x1  }
0x94: {  	[sflag:s15] =	ssyncset.done $0x0  }
0x95: {  	[sflag:s15] =	ssyncadd.s32 $0xFFFFFFFF  }
0x96: {  	s16 =	sld [smem:$0x11];
	(tm) =	ssettm $0x1  }
0x97: {  	s17 =	sld [smem:$0x3FFB];
	_ =	sdelay $0x3  }
0x98: {  	_ =	strace s17  }
0x99: {  	s3 =	sld [smem:$0x3FFC];
	_ =	sdelay $0x3  }
0x9a: {  	_ =	strace s3  }
0x9b: {  	s3 =	sld [smem:$0x3FFD];
	_ =	sdelay $0x3  }
0x9c: {  	_ =	strace s3  }
0x9d: {  	_ =	strace $0x8FFFFFFF  }
0x9e: {  	s18 =	sld [smem:$0x3FDB];
	_ =	sdelay $0x1  }
0x9f: {  	s19 =	simm.s32 $_scs_section_size  }
0xa0: {  	s5 =	simm.s32 $_size__tile_overlayer_lowered;
	s6 =	simm.s32 $_tile_overlayer_lowered  }
0xa1: {  	s22 =	simm.s32 $0x1BFF;
	s21 =	sshll.u32 s6, $0x1;
	s3 =	sadd.s32 s19, s18  }
0xa2: {  	s7 =	simm.s32 $0x0;
	s20 =	sshll.u32 s5, $0x1;
	s5 =	sadd.s32 s21, s3  }
0xa3: {  	[timem:s7], [sflag:s22] =	dma.local [hbm:s5], s20  }
0xa4: {  	_ =	swait.ge [sflag:s22], s20  }
0xa5: {  	s4 =	ssub.s32 $0x0, s20;
	[sflag:s22] =	ssyncset.done $0x0  }
0xa6: {  	[sflag:s22] =	ssyncadd.s32 s4;
	_ =	sdelay $0x1  }
0xa7: {  	s23 =	simm.s32 $0x1B8B  }
0xa8: {  	_ =	swait.ge [sflag:s23], $0x1  }
0xa9: {  	[sflag:s23] =	ssyncset.done $0x0  }
0xaa: {  	s25 =	simm.s32 $0x1B8E;
	s24 =	sld [smem:$0x3FFE];
	[sflag:s23] =	ssyncadd.s32 $0xFFFFFFFF  }
0xab: {  	s26 =	simm.s32 $execute0_lowered;
	[smem:$0x3FD2] =	sst s25  }
0xac: {  	s5 =	sshll.u32 s26, $0x1;
	_ =	strace $0x8000004C;
	[dreg:$0x1] =	wrdreg $0xFFFFFFFF  }
0xad: {  	s28 =	simm.s32 $_size_execute0_lowered;
	s3 =	sadd.s32 s3, s5;
	[dreg:$0x0] =	wrdreg $0x0  }
0xae: {  	s5 =	sshll.u32 s28, $0x1;
	[dreg:$0x2] =	wrdreg s3  }
0xaf: {  	[dreg:$0x3] =	wrdreg s5  }
0xb0: {  	[dreg:$0x4] =	wrdreg $0xC0  }
0xb1: {  	_ =	task [dreg:s7], $0x5FFFF  }
0xb2: {  	[dreg:$0x1] =	wrdreg $0xFFFFFFFF  }
0xb3: {  	[dreg:$0x0] =	wrdreg $0x60  }
0xb4: {  	[dreg:$0x2] =	wrdreg s16  }
0xb5: {  	[dreg:$0x3] =	wrdreg s24  }
0xb6: {  	[dreg:$0x4] =	wrdreg $0xA8000  }
0xb7: {  	[dreg:$0x5] =	wrdreg $0x9  }
0xb8: {  	_ =	task.clear_ibuf [dreg:s7], $0x6FFFF;
	_ =	strace $0x9000004C  }
0xb9: {  	s29 =	simm.s32 $0x9;
	_ =	strace $0x8000004E  }
0xba: {  	_ =	swait.ge [sflag:s29], $0x1  }
0xbb: {  	[sflag:s29] =	ssyncadd.s32 $0xFFFFFFFF  }
0xbc: {  	_ =	strace $0x9000004E  }
0xbd: {  	_ =	sfence  }
0xbe: {  	s30 =	sld [smem:$0x0];
	_ =	sdelay $0x2  }
0xbf: {  	s31 =	sshll.u32 s1, $0xD;
	s1 =	sshrl.u32 s1, $0x2  }
0xc0: {  	s3 =	sand.u32 $0x4000, s31;
	s1 =	sadd.s32 s1, s30  }
0xc1: {  	s0 =	sor.u32 s3, s0;
	s1 =	sshll.u32 s1, $0x11  }
0xc2: {  	s0 =	sor.u32 s1, s0  }
0xc3: {  	s0 =	sadd.s32 $0x8F2B, s0  }
0xc4: {  	[sflag:s0] =	ssyncadd.remote.s32 $0x1  }
0xc5: {  	_ =	sfence.sel $0xFFFF  }
0xc6: {  	[dreg:$0x0] =	wrdreg $0xFFFFFFFF;
	(pc) =	sbr.abs _section_cstart, $3  }
0xc7: {  	[dreg:$0x1] =	wrdreg $0xFFFFFFFF  }
0xc8: {  	_ =	task.clear_ibuf [dreg:s7], $0x2FFFF;
	_ =	strace $0x9FFFFFFF  }
0xc9: {  	(tm) =	ssettm $0x7FFFFFFF  }
tec
execute0_lowered:
.L_overlay_start_1:
0x0: {  	(tag) =	ssettag $0x1  }
0x1: {  	s1 =	rddreg [dreg:$0x0]  }
0x2: {  	s6 =	rddreg [dreg:$0x1]  }
0x3: {  	s3 =	rddreg [dreg:$0x2]  }
0x4: {  	s0 =	srdreg.scid;
	s2 =	rddreg [dreg:$0x3];
	s4 =	simm.s32 $0x0  }
0x5: {  	s16 =	simm.s32 $0x80;
	s17 =	simm.s32 $0x2800;
	s18 =	simm.s32 $0x6800  }
0x6: {  	s19 =	simm.s32 $0x1;
	s20 =	simm.s32 $0x2;
	s7 =	sand.u32 $0x1, s0  }
0x7: {  	s21 =	simm.s32 $0x1380;
	s0 =	stileid.u32;
	s5 =	smul.u32 $0x28000, s7  }
0x8: {  	s22 =	simm.s32 $0x2700;
	s23 =	simm.s32 $0x2780;
	s8 =	smul.u32 $0x2800, s0  }
0x9: {  	s24 =	simm.s32 $0x0;
	[smem:$0x7FF] =	sst s4;
	s9 =	smul.u32 $0x2780, s0  }
0xa: {  	s10 =	smul.u32 $0x27800, s7;
	_ =	strace $0x8000004D;
	s29 =	ssub.s32 $0x2, s7  }
0xb: {  	s28 =	smul.u32 $0x4F000, s0;
	s31 =	sshll.u32 s0, $0x6;
	s7 =	sshrl.u32 s29, $0x1  }
0xc: {  	s5 =	sadd.s32 s8, s5;
	s25 =	sshrl.u32 s8, $0x3;
	s26 =	sadd.s32 s9, s10  }
0xd: {  	s30 =	sshrl.u32 s28, $0x2;
	s14 =	ssub.s32 s29, s7;
	s5 =	sshrl.u32 s5, $0x3  }
0xe: {  	s12 =	sadd.s32 s25, s6;
	s13 =	sadd.s32 s26, s6;
	s15 =	sadd.s32 s30, s3  }
0xf: {  	s11 =	sadd.s32 s5, s6;
	s5 =	sadd.s32 $0x7400, s6;
	s6 =	sor.u32 $0x1C03, s31  }
0x10: {  	s8 =	sadd.s32 $0x2400, s12;
	s10 =	sadd.s32 $0x2680, s12;
	s12 =	smax.u32 s14, $0x1  }
0x11: {  	s14 =	simm.s32 $0x3;
	s7 =	sadd.s32 $0x58C00, s11;
	s9 =	sadd.s32 $0x58E80, s11  }
0x12: {  	s11 =	sadd.s32 $0x9C00, s13;
	s13 =	sshrl.u32 s15, $0x3;
	s15 =	simm.s32 $0x1400  }
.LBB2_1:
0x13: {  	[spmem:s13], [sflag:s6] =	dma.local [hbm:s5], $0x2780  }
0x14: {  	_ =	swait.ge [sflag:s14], $0x2780  }
0x15: {  	[sflag:s14] =	ssyncset.done $0x0  }
0x16: {  	[sflag:s14] =	ssyncadd.s32 $0xFFFFD880  }
0x17: {  	[bflag:$0x0] =	sbarrier.arrive $0xFFFF  }
0x18: {  	[tilespmem:s4], [sflag:$0x3] =	stream.linear.gather [hbm4b:s7+s4], $0x1400, $0x38;
	[tilespmem:$0x1E400] =	vst v63  }
0x19: {  	_ =	swait.ge [sflag:s14], $0x1400  }
0x1a: {  	[sflag:s14] =	ssyncset.done $0x0  }
0x1b: {  	[sflag:s14] =	ssyncadd.s32 $0xFFFFEC00  }
0x1c: {  	[tilespmem:s15], [sflag:$0x3] =	stream.linear.gather [hbm4b:s8+s4], $0x1400, $0x38;
	[tilespmem:$0x1E400] =	vst v63  }
0x1d: {  	_ =	swait.ge [sflag:s14], $0x1400  }
0x1e: {  	[sflag:s14] =	ssyncset.done $0x0  }
0x1f: {  	[sflag:s14] =	ssyncadd.s32 $0xFFFFEC00  }
0x20: {  	[tilespmem:s17], [sflag:$0x1] =	stream.indirect.gather [hbm4b:s1+s16], $0x80, s4, s16, $0xb8;
	[tilespmem:$0x1E400] =	vst v63  }
0x21: {  	s25 =	simm.s32 $0x80  }
0x22: {  	[tilespmem:s18], [sflag:$0x2] =	stream.indirect.gather [hbm4b:s1+s16], $0x80, s25, s16, $0xb8;
	[tilespmem:$0x1E400] =	vst v63  }
0x23: {  	_ =	swait.ge [sflag:s19], $0x4000  }
0x24: {  	[sflag:s19] =	ssyncset.done $0x0  }
0x25: {  	s29 =	simm.s32 $0x1400;
	[sflag:s19] =	ssyncadd.s32 $0xFFFFC000  }
0x26: {  	[spmem:s3] =	stream.indirect.scatter.add.f32 [tilespmem:s17], [sflag:$0x3], $0x80, s29, s16, $0xb8;
	[tilespmem:$0x1E400] =	vst v63  }
0x27: {  	_ =	swait.ge [sflag:s14], $0x4000  }
0x28: {  	[sflag:s14] =	ssyncset.done $0x0  }
0x29: {  	s30 =	simm.s32 $0x100;
	[sflag:s14] =	ssyncadd.s32 $0xFFFFC000  }
0x2a: {  	[tilespmem:s17], [sflag:$0x1] =	stream.indirect.gather [hbm4b:s1+s16], $0x80, s30, s16, $0xb8;
	[tilespmem:$0x1E400] =	vst v63  }
0x2b: {  	_ =	swait.ge [sflag:s20], $0x4000  }
0x2c: {  	[sflag:s20] =	ssyncset.done $0x0  }
0x2d: {  	s31 =	simm.s32 $0x1480;
	[sflag:s20] =	ssyncadd.s32 $0xFFFFC000  }
0x2e: {  	[spmem:s3] =	stream.indirect.scatter.add.f32 [tilespmem:s18], [sflag:$0x3], $0x80, s31, s16, $0xb8;
	[tilespmem:$0x1E400] =	vst v63  }
0x2f: {  	_ =	swait.ge [sflag:s14], $0x4000  }
0x30: {  	s26 =	simm.s32 $0x800;
	s25 =	simm.s32 $0x100;
	[sflag:s14] =	ssyncset.done $0x0  }
.LBB2_2:
0x31: {  	s28 =	sadd.s32 $0x80, s25  }
0x32: {  	[sflag:s14] =	ssyncadd.s32 $0xFFFFC000;
	s29 =	smov.u32 s26;
	s30 =	sadd.s32 $0x400, s26  }
0x33: {  	[tilespmem:s18], [sflag:$0x2] =	stream.indirect.gather [hbm4b:s1+s16], $0x80, s28, s16, $0xb8;
	[tilespmem:$0x1E400] =	vst v63  }
0x34: {  	p0 =	sne.s32 s26, $0x4800;
	_ =	swait.ge [sflag:s19], $0x4000  }
0x35: {  	[sflag:s19] =	ssyncset.done $0x0  }
0x36: {  	s26 =	sadd.s32 $0x1400, s25;
	[sflag:s19] =	ssyncadd.s32 $0xFFFFC000  }
0x37: {  	[spmem:s3] =	stream.indirect.scatter.add.f32 [tilespmem:s17], [sflag:$0x3], $0x80, s26, s16, $0xb8;
	[tilespmem:$0x1E400] =	vst v63  }
0x38: {  	_ =	swait.ge [sflag:s14], $0x4000  }
0x39: {  	[sflag:s14] =	ssyncset.done $0x0  }
0x3a: {  	s26 =	sadd.s32 $0x100, s25;
	[sflag:s14] =	ssyncadd.s32 $0xFFFFC000  }
0x3b: {  	[tilespmem:s17], [sflag:$0x1] =	stream.indirect.gather [hbm4b:s1+s16], $0x80, s26, s16, $0xb8;
	[tilespmem:$0x1E400] =	vst v63  }
0x3c: {  	_ =	swait.ge [sflag:s20], $0x4000  }
.Ltmp0:
0x3d: {  	[sflag:s20] =	ssyncset.done $0x0;
	(pc) =	sbr.rel @p0 .LBB2_2-.Ltmp0, $4  }
0x3e: {  	s25 =	sadd.s32 $0x1480, s25;
	[sflag:s20] =	ssyncadd.s32 $0xFFFFC000  }
0x3f: {  	[spmem:s3] =	stream.indirect.scatter.add.f32 [tilespmem:s18], [sflag:$0x3], $0x80, s25, s16, $0xb8;
	[tilespmem:$0x1E400] =	vst v63  }
0x40: {  	_ =	swait.ge [sflag:s14], $0x4000  }
0x41: {  	s26 =	smov.u32 s30;
	s25 =	sshra.s32 s29, $0x2;
	[sflag:s14] =	ssyncset.done $0x0  }
0x42: {  	s26 =	sadd.s32 $0x80, s25;
	[sflag:s14] =	ssyncadd.s32 $0xFFFFC000  }
0x43: {  	[tilespmem:s18], [sflag:$0x2] =	stream.indirect.gather [hbm4b:s1+s16], $0x80, s26, s16, $0xb8;
	[tilespmem:$0x1E400] =	vst v63  }
0x44: {  	_ =	swait.ge [sflag:s19], $0x4000  }
0x45: {  	[sflag:s19] =	ssyncset.done $0x0  }
0x46: {  	s29 =	sadd.s32 $0x1400, s25;
	[sflag:s19] =	ssyncadd.s32 $0xFFFFC000  }
0x47: {  	[spmem:s3] =	stream.indirect.scatter.add.f32 [tilespmem:s17], [sflag:$0x3], $0x80, s29, s16, $0xb8;
	[tilespmem:$0x1E400] =	vst v63  }
0x48: {  	_ =	swait.ge [sflag:s14], $0x4000  }
0x49: {  	[sflag:s14] =	ssyncset.done $0x0  }
0x4a: {  	s30 =	sadd.s32 $0x100, s25;
	[sflag:s14] =	ssyncadd.s32 $0xFFFFC000  }
0x4b: {  	[tilespmem:s17], [sflag:$0x1] =	stream.indirect.gather [hbm4b:s1+s16], $0x80, s30, s16, $0xb8;
	[tilespmem:$0x1E400] =	vst v63  }
0x4c: {  	_ =	swait.ge [sflag:s20], $0x4000  }
0x4d: {  	[sflag:s20] =	ssyncset.done $0x0  }
0x4e: {  	s31 =	sadd.s32 $0x1480, s25;
	[sflag:s20] =	ssyncadd.s32 $0xFFFFC000  }
0x4f: {  	[spmem:s3] =	stream.indirect.scatter.add.f32 [tilespmem:s18], [sflag:$0x3], $0x80, s31, s16, $0xb8;
	[tilespmem:$0x1E400] =	vst v63  }
0x50: {  	_ =	swait.ge [sflag:s14], $0x4000  }
0x51: {  	[sflag:s14] =	ssyncset.done $0x0  }
0x52: {  	[sflag:s14] =	ssyncadd.s32 $0xFFFFC000  }
0x53: {  	[tilespmem:s18], [sflag:$0x2] =	stream.indirect.gather [hbm4b:s1+s16], $0x80, s21, s16, $0xb8;
	[tilespmem:$0x1E400] =	vst v63  }
0x54: {  	_ =	swait.ge [sflag:s19], $0x4000  }
0x55: {  	[sflag:s19] =	ssyncset.done $0x0  }
0x56: {  	[sflag:s19] =	ssyncadd.s32 $0xFFFFC000  }
0x57: {  	[spmem:s3] =	stream.indirect.scatter.add.f32 [tilespmem:s17], [sflag:$0x3], $0x80, s22, s16, $0xb8;
	[tilespmem:$0x1E400] =	vst v63  }
0x58: {  	_ =	swait.ge [sflag:s14], $0x4000  }
0x59: {  	[sflag:s14] =	ssyncset.done $0x0  }
0x5a: {  	[sflag:s14] =	ssyncadd.s32 $0xFFFFC000  }
0x5b: {  	[tilespmem:s17], [sflag:$0x1] =	stream.indirect.gather [hbm4b:s1+s16], $0x80, s21, s16, $0xb8;
	[tilespmem:$0x1E400] =	vst v63  }
0x5c: {  	_ =	swait.ge [sflag:s20], $0x4000  }
0x5d: {  	[sflag:s20] =	ssyncset.done $0x0  }
0x5e: {  	[sflag:s20] =	ssyncadd.s32 $0xFFFFC000  }
0x5f: {  	[spmem:s3] =	stream.indirect.scatter.add.f32 [tilespmem:s18], [sflag:$0x3], $0x80, s23, s16, $0xb8;
	[tilespmem:$0x1E400] =	vst v63  }
0x60: {  	_ =	swait.ge [sflag:s14], $0x4000  }
0x61: {  	[sflag:s14] =	ssyncset.done $0x0  }
0x62: {  	[sflag:s14] =	ssyncadd.s32 $0xFFFFC000  }
0x63: {  	_ =	swait.ge [sflag:s19], $0x4000  }
0x64: {  	[sflag:s19] =	ssyncset.done $0x0  }
0x65: {  	s26 =	simm.s32 $0x0;
	[sflag:s19] =	ssyncadd.s32 $0xFFFFC000  }
0x66: {  	[tilespmem:s26], [sflag:$0x3] =	stream.linear.gather [hbm4b:s9+s26], $0x1400, $0x38;
	[tilespmem:$0x1E400] =	vst v63  }
0x67: {  	_ =	swait.ge [sflag:s14], $0x1400  }
0x68: {  	[sflag:s14] =	ssyncset.done $0x0  }
0x69: {  	[sflag:s14] =	ssyncadd.s32 $0xFFFFEC00  }
0x6a: {  	[tilespmem:s15], [sflag:$0x3] =	stream.linear.gather [hbm4b:s10+s26], $0x1400, $0x38;
	[tilespmem:$0x1E400] =	vst v63  }
0x6b: {  	_ =	swait.ge [sflag:s14], $0x1400  }
0x6c: {  	[sflag:s14] =	ssyncset.done $0x0  }
0x6d: {  	[sflag:s14] =	ssyncadd.s32 $0xFFFFEC00  }
0x6e: {  	[tilespmem:s17], [sflag:$0x1] =	stream.indirect.gather [hbm4b:s1+s16], $0x80, s26, s16, $0xb8;
	[tilespmem:$0x1E400] =	vst v63  }
0x6f: {  	s28 =	simm.s32 $0x80  }
0x70: {  	[tilespmem:s18], [sflag:$0x2] =	stream.indirect.gather [hbm4b:s1+s16], $0x80, s28, s16, $0xb8;
	[tilespmem:$0x1E400] =	vst v63  }
0x71: {  	_ =	swait.ge [sflag:s19], $0x4000  }
0x72: {  	[sflag:s19] =	ssyncset.done $0x0  }
0x73: {  	s29 =	simm.s32 $0x1400;
	[sflag:s19] =	ssyncadd.s32 $0xFFFFC000  }
0x74: {  	[spmem:s3] =	stream.indirect.scatter.add.f32 [tilespmem:s17], [sflag:$0x3], $0x80, s29, s16, $0xb8;
	[tilespmem:$0x1E400] =	vst v63  }
0x75: {  	_ =	swait.ge [sflag:s14], $0x4000  }
0x76: {  	[sflag:s14] =	ssyncset.done $0x0  }
0x77: {  	s30 =	simm.s32 $0x100;
	[sflag:s14] =	ssyncadd.s32 $0xFFFFC000  }
0x78: {  	[tilespmem:s17], [sflag:$0x1] =	stream.indirect.gather [hbm4b:s1+s16], $0x80, s30, s16, $0xb8;
	[tilespmem:$0x1E400] =	vst v63  }
0x79: {  	_ =	swait.ge [sflag:s20], $0x4000  }
0x7a: {  	[sflag:s20] =	ssyncset.done $0x0  }
0x7b: {  	s31 =	simm.s32 $0x1480;
	[sflag:s20] =	ssyncadd.s32 $0xFFFFC000  }
0x7c: {  	[spmem:s3] =	stream.indirect.scatter.add.f32 [tilespmem:s18], [sflag:$0x3], $0x80, s31, s16, $0xb8;
	[tilespmem:$0x1E400] =	vst v63  }
0x7d: {  	_ =	swait.ge [sflag:s14], $0x4000  }
0x7e: {  	s25 =	simm.s32 $0x100;
	s26 =	simm.s32 $0x800;
	[sflag:s14] =	ssyncset.done $0x0  }
.LBB2_4:
0x7f: {  	s28 =	sadd.s32 $0x80, s25  }
0x80: {  	[sflag:s14] =	ssyncadd.s32 $0xFFFFC000;
	s29 =	smov.u32 s26;
	s30 =	sadd.s32 $0x400, s26  }
0x81: {  	[tilespmem:s18], [sflag:$0x2] =	stream.indirect.gather [hbm4b:s1+s16], $0x80, s28, s16, $0xb8;
	[tilespmem:$0x1E400] =	vst v63  }
0x82: {  	p0 =	sne.s32 s26, $0x4800;
	_ =	swait.ge [sflag:s19], $0x4000  }
0x83: {  	[sflag:s19] =	ssyncset.done $0x0  }
0x84: {  	s26 =	sadd.s32 $0x1400, s25;
	[sflag:s19] =	ssyncadd.s32 $0xFFFFC000  }
0x85: {  	[spmem:s3] =	stream.indirect.scatter.add.f32 [tilespmem:s17], [sflag:$0x3], $0x80, s26, s16, $0xb8;
	[tilespmem:$0x1E400] =	vst v63  }
0x86: {  	_ =	swait.ge [sflag:s14], $0x4000  }
0x87: {  	[sflag:s14] =	ssyncset.done $0x0  }
0x88: {  	s26 =	sadd.s32 $0x100, s25;
	[sflag:s14] =	ssyncadd.s32 $0xFFFFC000  }
0x89: {  	[tilespmem:s17], [sflag:$0x1] =	stream.indirect.gather [hbm4b:s1+s16], $0x80, s26, s16, $0xb8;
	[tilespmem:$0x1E400] =	vst v63  }
0x8a: {  	_ =	swait.ge [sflag:s20], $0x4000  }
.Ltmp1:
0x8b: {  	[sflag:s20] =	ssyncset.done $0x0;
	(pc) =	sbr.rel @p0 .LBB2_4-.Ltmp1, $4  }
0x8c: {  	s25 =	sadd.s32 $0x1480, s25;
	[sflag:s20] =	ssyncadd.s32 $0xFFFFC000  }
0x8d: {  	[spmem:s3] =	stream.indirect.scatter.add.f32 [tilespmem:s18], [sflag:$0x3], $0x80, s25, s16, $0xb8;
	[tilespmem:$0x1E400] =	vst v63  }
0x8e: {  	_ =	swait.ge [sflag:s14], $0x4000  }
0x8f: {  	s26 =	smov.u32 s30;
	s25 =	sshra.s32 s29, $0x2;
	[sflag:s14] =	ssyncset.done $0x0  }
0x90: {  	s26 =	sadd.s32 $0x80, s25;
	[sflag:s14] =	ssyncadd.s32 $0xFFFFC000  }
0x91: {  	[tilespmem:s18], [sflag:$0x2] =	stream.indirect.gather [hbm4b:s1+s16], $0x80, s26, s16, $0xb8;
	[tilespmem:$0x1E400] =	vst v63  }
0x92: {  	_ =	swait.ge [sflag:s19], $0x4000  }
0x93: {  	[sflag:s19] =	ssyncset.done $0x0  }
0x94: {  	s29 =	sadd.s32 $0x1400, s25;
	[sflag:s19] =	ssyncadd.s32 $0xFFFFC000  }
0x95: {  	[spmem:s3] =	stream.indirect.scatter.add.f32 [tilespmem:s17], [sflag:$0x3], $0x80, s29, s16, $0xb8;
	[tilespmem:$0x1E400] =	vst v63  }
0x96: {  	_ =	swait.ge [sflag:s14], $0x4000  }
0x97: {  	[sflag:s14] =	ssyncset.done $0x0  }
0x98: {  	s30 =	sadd.s32 $0x100, s25;
	[sflag:s14] =	ssyncadd.s32 $0xFFFFC000  }
0x99: {  	[tilespmem:s17], [sflag:$0x1] =	stream.indirect.gather [hbm4b:s1+s16], $0x80, s30, s16, $0xb8;
	[tilespmem:$0x1E400] =	vst v63  }
0x9a: {  	_ =	swait.ge [sflag:s20], $0x4000  }
0x9b: {  	[sflag:s20] =	ssyncset.done $0x0  }
0x9c: {  	s31 =	sadd.s32 $0x1480, s25;
	[sflag:s20] =	ssyncadd.s32 $0xFFFFC000  }
0x9d: {  	[spmem:s3] =	stream.indirect.scatter.add.f32 [tilespmem:s18], [sflag:$0x3], $0x80, s31, s16, $0xb8;
	[tilespmem:$0x1E400] =	vst v63  }
0x9e: {  	_ =	swait.ge [sflag:s14], $0x4000  }
0x9f: {  	[sflag:s14] =	ssyncset.done $0x0  }
0xa0: {  	[sflag:s14] =	ssyncadd.s32 $0xFFFFC000  }
0xa1: {  	[tilespmem:s18], [sflag:$0x2] =	stream.indirect.gather [hbm4b:s1+s16], $0x80, s21, s16, $0xb8;
	[tilespmem:$0x1E400] =	vst v63  }
0xa2: {  	_ =	swait.ge [sflag:s19], $0x4000  }
0xa3: {  	[sflag:s19] =	ssyncset.done $0x0  }
0xa4: {  	[sflag:s19] =	ssyncadd.s32 $0xFFFFC000  }
0xa5: {  	[spmem:s3] =	stream.indirect.scatter.add.f32 [tilespmem:s17], [sflag:$0x3], $0x80, s22, s16, $0xb8;
	[tilespmem:$0x1E400] =	vst v63  }
0xa6: {  	_ =	swait.ge [sflag:s14], $0x4000  }
0xa7: {  	[sflag:s14] =	ssyncset.done $0x0  }
0xa8: {  	[sflag:s14] =	ssyncadd.s32 $0xFFFFC000  }
0xa9: {  	[tilespmem:s17], [sflag:$0x1] =	stream.indirect.gather [hbm4b:s1+s16], $0x80, s21, s16, $0xb8;
	[tilespmem:$0x1E400] =	vst v63  }
0xaa: {  	_ =	swait.ge [sflag:s20], $0x4000  }
0xab: {  	[sflag:s20] =	ssyncset.done $0x0  }
0xac: {  	[sflag:s20] =	ssyncadd.s32 $0xFFFFC000  }
0xad: {  	[spmem:s3] =	stream.indirect.scatter.add.f32 [tilespmem:s18], [sflag:$0x3], $0x80, s23, s16, $0xb8;
	[tilespmem:$0x1E400] =	vst v63  }
0xae: {  	_ =	swait.ge [sflag:s14], $0x4000  }
0xaf: {  	[sflag:s14] =	ssyncset.done $0x0  }
0xb0: {  	[sflag:s14] =	ssyncadd.s32 $0xFFFFC000  }
0xb1: {  	_ =	swait.ge [sflag:s19], $0x4000  }
0xb2: {  	s24 =	sadd.s32 $0x1, s24;
	[sflag:s19] =	ssyncset.done $0x0  }
0xb3: {  	p0 =	sne.s32 s24, s12;
	[sflag:s19] =	ssyncadd.s32 $0xFFFFC000  }
.Ltmp2:
0xb4: {  	[bflag:$0x0] =	sbarrier.arrive $0xFFFF;
	(pc) =	sbr.rel @p0 .LBB2_1-.Ltmp2, $4  }
0xb5: {  	[hbm:s11], [sflag:s6] =	dma.local [spmem:s13], $0x2780  }
0xb6: {  	_ =	swait.ge [sflag:s14], $0x2780  }
0xb7: {  	[sflag:s14] =	ssyncset.done $0x0  }
0xb8: {  	[sflag:s14] =	ssyncadd.s32 $0xFFFFD880  }
0xb9: {  	_ =	sfence.sel $0x180000  }
0xba: {  	[bflag:$0x0] =	sbarrier.arrive $0xFFFF  }
0xbb: {  	p0 =	sne.s32 s0, $0x0;
	_ =	strace $0x9000004D  }
0xbc: {  	s0 =	sadd.s32 @!p0 $0x100000, s2;
	[bflag:$0x2] =	sbarrier.arrive $0xFFFF  }
0xbd: {  	[sflag:s0] =	ssyncadd.tile.s32 @!p0 $0x1;
	_ =	shalt  }
.Lfunc_end2:
_tile_overlayer_lowered:
.L_overlay_start_2:
0xbe: {  	(tag) =	ssettag $0x2  }
0xbf: {  	s0 =	rddreg [dreg:$0x0];
	s2 =	stileid.u32  }
0xc0: {  	s1 =	rddreg [dreg:$0x1];
	p0 =	sne.s32 s2, $0x0  }
0xc1: {  	s3 =	rddreg [dreg:$0x2];
	[bflag:$0x3] =	sbarrier.arrive $0xFFFF;
	s2 =	simm.s32 @!p0 $0x1C03  }
0xc2: {  	[timem:s3], [sflag:s2] =	dma.local @!p0 [hbm:s0], s1  }
0xc3: {  	s0 =	simm.s32 @!p0 $0x3  }
0xc4: {  	_ =	swait.ge @!p0 [sflag:s0], s1  }
0xc5: {  	s1 =	ssub.s32 @!p0 $0x0, s1;
	[sflag:s0] =	ssyncset.done @!p0 $0x0  }
0xc6: {  	[sflag:s0] =	ssyncadd.s32 @!p0 s1  }
0xc7: {  	[bflag:$0x3] =	sbarrier.arrive $0xFFFF  }
0xc8: {  	_ =	shalt  }

// kernel: kernel.19.cloned.1.call-start
scs
__scs_entry_jumppad:
0x0: {  	(pc) =	sbr.rel $0x88, $3  }
0x1: {  	(tag) =	ssettag $0x0;
	lr =	simm.s32 $0x1  }
0x2: {  	[smem:$0x3F97] =	sst lr;
	_ =	strace $0xD0000000  }
0x3: {  	_ = 	snop  }
0x4: {  	_ = 	snop  }
0x5: {  	_ = 	snop  }
0x6: {  	_ = 	snop  }
0x7: {  	_ = 	snop  }
__scs_overlays_trampoline_lowered:
0x8: {  	[smem:$0x3FA6] =	sst s0  }
0x9: {  	[smem:$0x3FA7] =	sst s1  }
0xa: {  	[smem:$0x3FA8] =	sst s2  }
0xb: {  	[smem:$0x3FA9] =	sst s3  }
0xc: {  	[smem:$0x3FAA] =	sst s4  }
0xd: {  	[smem:$0x3FAB] =	sst s5  }
0xe: {  	[smem:$0x3FAC] =	sst s6  }
0xf: {  	[smem:$0x3FAD] =	sst s7  }
0x10: {  	[smem:$0x3FAE] =	sst s8  }
0x11: {  	[smem:$0x3FAF] =	sst s9;
	s0 =	simm.s32 @!p0 $0x0  }
0x12: {  	s1 =	sld [smem:$0x3F95];
	s0 =	simm.s32 @p0 $0x1  }
0x13: {  	[smem:$0x3FB0] =	sst s0;
	s0 =	simm.s32 @!p1 $0x0  }
0x14: {  	s2 =	sld [smem:$0x3F94];
	s0 =	simm.s32 @p1 $0x1  }
0x15: {  	[smem:$0x3FB1] =	sst s0;
	s0 =	simm.s32 @!p2 $0x0  }
0x16: {  	s3 =	sld [smem:$0x3FDB];
	s0 =	simm.s32 @p2 $0x1  }
0x17: {  	s4 =	simm.s32 $0x1BF5;
	[smem:$0x3FB3] =	sst s0  }
0x18: {  	s0 =	sld [smem:$0x3F96];
	_ =	swait.ge [sflag:s4], $0x0  }
0x19: {  	s7 =	sld [smem:$0x3F97]  }
0x1a: {  	s8 =	sadd.s32 $0xFFFFE003, lr  }
0x1b: {  	s9 =	sadd.s32 $0xFFFFFEF7, lr;
	s5 =	simm.s32 $0xFFFFFFFF;
	p2 =	slt.u32 s8, $0xFFFFF086  }
0x1c: {  	p1 =	slt.u32 s9, $0xF7A;
	s5 =	simm.s32 @!p2 $0x0  }
0x1d: {  	s5 =	simm.s32 @p1 $0x1;
	p0 =	seq.s32 s7, s2  }
0x1e: {  	s7 =	smul.u32 @!p0 $0xF7A, s2;
	p2 =	seq.s32 @!p0 s5, $0x0  }
0x1f: {  	s9 =	smul.u32 $0xF7A, s1;
	s8 =	simm.s32 @!p0 $0x1BF5;
	p2 =	por !p2, p0  }
0x20: {  	[sflag:s8] =	ssyncset.s32 @!p0 $0xFFFFF086;
	s6 =	sadd.s32 @!p0 s3, s7;
	s7 =	simm.s32 @!p0 $0x108  }
0x21: {  	s3 =	sadd.s32 s3, s9;
	s6 =	sadd.s32 @!p0 $0x88, s6;
	s7 =	simm.s32 @p2 $0x1082  }
0x22: {  	[simem:s7], [sflag:s8] =	dma.local @!p0 [hbm:s6], $0xF7A  }
0x23: {  	s9 =	sor.u32 $0xD0000000, s2;
	s6 =	simm.s32 $0x108;
	_ =	swait.ge @!p0 [sflag:s8], $0x0  }
0x24: {  	s3 =	sadd.s32 $0x88, s3;
	s6 =	simm.s32 @!p1 $0x1082;
	[sflag:s4] =	ssyncset.s32 $0xFFFFF086  }
0x25: {  	[simem:s6], [sflag:s4] =	dma.local [hbm:s3], $0xF7A  }
0x26: {  	[smem:$0x3F97] =	sst s1;
	(tag) =	ssettag s2;
	_ =	strace s9  }
0x27: {  	s1 =	sld [smem:$0x3FA7]  }
0x28: {  	s2 =	sld [smem:$0x3FA8]  }
0x29: {  	s4 =	sld [smem:$0x3FAA]  }
0x2a: {  	p0 =	seq.s32 s5, $0x0;
	s5 =	sld [smem:$0x3FAB]  }
0x2b: {  	s6 =	sld [smem:$0x3FAC]  }
0x2c: {  	s7 =	sld [smem:$0x3FAD]  }
0x2d: {  	s3 =	simm.s32 $0x108;
	s8 =	sld [smem:$0x3FAE]  }
0x2e: {  	s3 =	simm.s32 @!p0 $0x1082;
	s9 =	sld [smem:$0x3FAF]  }
0x2f: {  	lr =	sadd.s32 s0, s3;
	s0 =	sld [smem:$0x3FA6]  }
0x30: {  	s3 =	sld [smem:$0x3FA9]  }
0x31: {  	[smem:$0x3FB2] =	sst s10  }
0x32: {  	s10 =	sld [smem:$0x3FB0];
	_ =	sdelay $0x3  }
0x33: {  	p0 =	seq.s32 s10, $0x1;
	s10 =	sld [smem:$0x3FB2];
	_ =	sdelay $0x3  }
0x34: {  	[smem:$0x3FB2] =	sst s10  }
0x35: {  	s10 =	sld [smem:$0x3FB1];
	_ =	sdelay $0x3  }
0x36: {  	p1 =	seq.s32 s10, $0x1;
	s10 =	sld [smem:$0x3FB2];
	_ =	sdelay $0x3  }
0x37: {  	[smem:$0x3FB2] =	sst s10  }
0x38: {  	s10 =	sld [smem:$0x3FB3]  }
0x39: {  	_ = 	snop;
	(pc) =	sbr.ind lr, $3  }
0x3a: {  	_ = 	snop  }
0x3b: {  	_ = 	snop  }
0x3c: {  	p2 =	seq.s32 s10, $0x1;
	s10 =	sld [smem:$0x3FB2]  }
0x3d: {  	_ =	shalt  }
0x3e: {  	_ =	shalt  }
0x3f: {  	_ =	shalt  }
0x40: {  	_ =	shalt  }
0x41: {  	_ =	shalt  }
0x42: {  	_ =	shalt  }
0x43: {  	_ =	shalt  }
0x44: {  	_ =	shalt  }
0x45: {  	_ =	shalt  }
0x46: {  	_ =	shalt  }
0x47: {  	_ =	shalt  }
0x48: {  	_ =	shalt  }
0x49: {  	_ =	shalt  }
0x4a: {  	_ =	shalt  }
0x4b: {  	_ =	shalt  }
0x4c: {  	_ =	shalt  }
0x4d: {  	_ =	shalt  }
0x4e: {  	_ =	shalt  }
0x4f: {  	_ =	shalt  }
0x50: {  	_ =	shalt  }
0x51: {  	_ =	shalt  }
0x52: {  	_ =	shalt  }
0x53: {  	_ =	shalt  }
0x54: {  	_ =	shalt  }
0x55: {  	_ =	shalt  }
0x56: {  	_ =	shalt  }
0x57: {  	_ =	shalt  }
0x58: {  	_ =	shalt  }
0x59: {  	_ =	shalt  }
0x5a: {  	_ =	shalt  }
0x5b: {  	_ =	shalt  }
0x5c: {  	_ =	shalt  }
0x5d: {  	_ =	shalt  }
0x5e: {  	_ =	shalt  }
0x5f: {  	_ =	shalt  }
0x60: {  	_ =	shalt  }
0x61: {  	_ =	shalt  }
0x62: {  	_ =	shalt  }
0x63: {  	_ =	shalt  }
0x64: {  	_ =	shalt  }
0x65: {  	_ =	shalt  }
0x66: {  	_ =	shalt  }
0x67: {  	_ =	shalt  }
0x68: {  	_ =	shalt  }
0x69: {  	_ =	shalt  }
0x6a: {  	_ =	shalt  }
0x6b: {  	_ =	shalt  }
0x6c: {  	_ =	shalt  }
0x6d: {  	_ =	shalt  }
0x6e: {  	_ =	shalt  }
0x6f: {  	_ =	shalt  }
0x70: {  	_ =	shalt  }
0x71: {  	_ =	shalt  }
0x72: {  	_ =	shalt  }
0x73: {  	_ =	shalt  }
0x74: {  	_ =	shalt  }
0x75: {  	_ =	shalt  }
0x76: {  	_ =	shalt  }
0x77: {  	_ =	shalt  }
0x78: {  	_ =	shalt  }
0x79: {  	_ =	shalt  }
0x7a: {  	_ =	shalt  }
0x7b: {  	_ =	shalt  }
0x7c: {  	_ =	shalt  }
0x7d: {  	_ =	shalt  }
0x7e: {  	_ =	shalt  }
0x7f: {  	_ =	shalt  }
0x80: {  	_ =	shalt  }
0x81: {  	_ =	shalt  }
0x82: {  	_ =	shalt  }
0x83: {  	_ =	shalt  }
0x84: {  	_ =	shalt  }
0x85: {  	_ =	shalt  }
0x86: {  	_ =	shalt  }
0x87: {  	_ =	shalt  }
.Lfunc_end0:
.L_simem_size_0:
called_computation.3_lowered:
.L_overlay_start_0:
0x88: {  	s2 =	sld [smem:$0x3FD9]  }
0x89: {  	s3 =	sld [smem:$0x3FFE];
	_ =	sdelay $0x1  }
0x8a: {  	s1 =	srdreg.scid  }
0x8b: {  	s0 =	sand.u32 $0x1, s1  }
0x8c: {  	s16 =	sshll.u32 s0, $0xA;
	s2 =	sadd.s32 s3, s2  }
0x8d: {  	s2 =	sadd.s32 s2, s16  }
0x8e: {  	[smem:$0x3FBE] =	sst s2  }
0x8f: {  	_ = 	snop  }
0x90: {  	(tm) =	ssettm $0x1  }
0x91: {  	s17 =	sld [smem:$0x3FFB];
	_ =	sdelay $0x3  }
0x92: {  	_ =	strace s17  }
0x93: {  	s2 =	sld [smem:$0x3FFC];
	_ =	sdelay $0x3  }
0x94: {  	_ =	strace s2  }
0x95: {  	s2 =	sld [smem:$0x3FFD];
	_ =	sdelay $0x3  }
0x96: {  	_ =	strace s2  }
0x97: {  	_ =	strace $0x8FFFFFFF  }
0x98: {  	s18 =	sld [smem:$0x3FDB];
	_ =	sdelay $0x1  }
0x99: {  	s19 =	simm.s32 $_scs_section_size  }
0x9a: {  	s4 =	simm.s32 $_size__tile_overlayer_lowered;
	s5 =	simm.s32 $_tile_overlayer_lowered  }
0x9b: {  	s22 =	simm.s32 $0x1BFF;
	s21 =	sshll.u32 s5, $0x1;
	s2 =	sadd.s32 s19, s18  }
0x9c: {  	s6 =	simm.s32 $0x0;
	s20 =	sshll.u32 s4, $0x1;
	s4 =	sadd.s32 s21, s2  }
0x9d: {  	[timem:s6], [sflag:s22] =	dma.local [hbm:s4], s20  }
0x9e: {  	_ =	swait.ge [sflag:s22], s20  }
0x9f: {  	s3 =	ssub.s32 $0x0, s20;
	[sflag:s22] =	ssyncset.done $0x0  }
0xa0: {  	[sflag:s22] =	ssyncadd.s32 s3;
	_ =	sdelay $0x1  }
0xa1: {  	s23 =	simm.s32 $0x1B8B  }
0xa2: {  	_ =	swait.ge [sflag:s23], $0x1  }
0xa3: {  	[sflag:s23] =	ssyncset.done $0x0  }
0xa4: {  	s25 =	simm.s32 $0x1B8E;
	s24 =	sld [smem:$0x3FFE];
	[sflag:s23] =	ssyncadd.s32 $0xFFFFFFFF  }
0xa5: {  	s26 =	simm.s32 $execute0_lowered;
	[smem:$0x3FD2] =	sst s25  }
0xa6: {  	s4 =	sshll.u32 s26, $0x1;
	_ =	strace $0x8000004F;
	[dreg:$0x1] =	wrdreg $0xFFFFFFFF  }
0xa7: {  	s28 =	simm.s32 $_size_execute0_lowered;
	s2 =	sadd.s32 s2, s4;
	[dreg:$0x0] =	wrdreg $0x0  }
0xa8: {  	s4 =	sshll.u32 s28, $0x1;
	[dreg:$0x2] =	wrdreg s2  }
0xa9: {  	[dreg:$0x3] =	wrdreg s4  }
0xaa: {  	[dreg:$0x4] =	wrdreg $0xC0  }
0xab: {  	_ =	task [dreg:s6], $0x5FFFF  }
0xac: {  	[dreg:$0x1] =	wrdreg $0xFFFFFFFF  }
0xad: {  	[dreg:$0x0] =	wrdreg $0x60  }
0xae: {  	[dreg:$0x2] =	wrdreg s24  }
0xaf: {  	[dreg:$0x3] =	wrdreg $0xA8000  }
0xb0: {  	[dreg:$0x4] =	wrdreg $0x9  }
0xb1: {  	_ =	task.clear_ibuf [dreg:s6], $0x5FFFF;
	_ =	strace $0x9000004F  }
0xb2: {  	s29 =	simm.s32 $0x9;
	_ =	strace $0x80000051  }
0xb3: {  	_ =	swait.ge [sflag:s29], $0x1  }
0xb4: {  	[sflag:s29] =	ssyncadd.s32 $0xFFFFFFFF  }
0xb5: {  	_ =	strace $0x90000051  }
0xb6: {  	_ =	sfence  }
0xb7: {  	s30 =	sld [smem:$0x0];
	_ =	sdelay $0x2  }
0xb8: {  	s31 =	sshll.u32 s1, $0xD;
	s1 =	sshrl.u32 s1, $0x2  }
0xb9: {  	s3 =	sand.u32 $0x4000, s31;
	s1 =	sadd.s32 s1, s30  }
0xba: {  	s0 =	sor.u32 s3, s0;
	s1 =	sshll.u32 s1, $0x11  }
0xbb: {  	s0 =	sor.u32 s1, s0  }
0xbc: {  	s0 =	sadd.s32 $0x8F2B, s0  }
0xbd: {  	[sflag:s0] =	ssyncadd.remote.s32 $0x1  }
0xbe: {  	_ =	sfence.sel $0xFFFF  }
0xbf: {  	[dreg:$0x0] =	wrdreg $0xFFFFFFFF;
	(pc) =	sbr.abs _section_cstart, $3  }
0xc0: {  	[dreg:$0x1] =	wrdreg $0xFFFFFFFF  }
0xc1: {  	_ =	task.clear_ibuf [dreg:s6], $0x2FFFF;
	_ =	strace $0x9FFFFFFF  }
0xc2: {  	(tm) =	ssettm $0x7FFFFFFF  }
0xc3: {  	_ =	shalt  }
tec
execute0_lowered:
.L_overlay_start_1:
0x0: {  	(tag) =	ssettag $0x1  }
0x1: {  	s6 =	rddreg [dreg:$0x0]  }
0x2: {  	s0 =	srdreg.scid;
	s2 =	rddreg [dreg:$0x1]  }
0x3: {  	s1 =	rddreg [dreg:$0x2];
	s3 =	simm.s32 $0x0;
	s15 =	simm.s32 $0x1400  }
0x4: {  	s16 =	simm.s32 $0x80;
	s17 =	simm.s32 $0x2800;
	s18 =	simm.s32 $0x6800  }
0x5: {  	s19 =	simm.s32 $0x1;
	s20 =	simm.s32 $0x2;
	s7 =	sand.u32 $0x1, s0  }
0x6: {  	s21 =	simm.s32 $0x1380;
	s0 =	stileid.u32;
	s4 =	smul.u32 $0x28000, s7  }
0x7: {  	s22 =	simm.s32 $0x2700;
	s23 =	simm.s32 $0x2780;
	s5 =	smul.u32 $0x2800, s0  }
0x8: {  	s24 =	simm.s32 $0x0;
	[smem:$0x7FF] =	sst s3;
	s8 =	smul.u32 $0x2780, s0  }
0x9: {  	_ =	strace $0x80000050;
	s10 =	smul.u32 $0x27800, s7;
	s29 =	ssub.s32 $0x2, s7  }
0xa: {  	s28 =	smul.u32 $0x4F000, s0;
	s31 =	sshll.u32 s0, $0x6;
	s7 =	sshrl.u32 s29, $0x1  }
0xb: {  	s4 =	sadd.s32 s5, s4;
	s5 =	sshrl.u32 s5, $0x3;
	s8 =	sadd.s32 s8, s10  }
0xc: {  	s30 =	sshrl.u32 s28, $0x2;
	s13 =	ssub.s32 s29, s7;
	s9 =	sshrl.u32 s4, $0x3  }
0xd: {  	s4 =	sadd.s32 $0x9C00, s6;
	s11 =	sadd.s32 s5, s6;
	s5 =	sadd.s32 $0x7400, s6  }
0xe: {  	s12 =	sadd.s32 s8, s6;
	s14 =	sadd.s32 s30, s2;
	s9 =	sadd.s32 s9, s6  }
0xf: {  	s6 =	sor.u32 $0x1C03, s31;
	s8 =	sadd.s32 $0x2400, s11;
	s10 =	sadd.s32 $0x2680, s11  }
0x10: {  	s11 =	sadd.s32 $0x62C00, s12;
	s12 =	smax.u32 s13, $0x1;
	s13 =	sshrl.u32 s14, $0x3  }
0x11: {  	s14 =	simm.s32 $0x3;
	s7 =	sadd.s32 $0x58C00, s9;
	s9 =	sadd.s32 $0x58E80, s9  }
.LBB2_1:
0x12: {  	[spmem:s13], [sflag:s6] =	dma.local [hbm:s5], $0x2780  }
0x13: {  	_ =	swait.ge [sflag:s14], $0x2780  }
0x14: {  	[sflag:s14] =	ssyncset.done $0x0  }
0x15: {  	[sflag:s14] =	ssyncadd.s32 $0xFFFFD880  }
0x16: {  	[bflag:$0x0] =	sbarrier.arrive $0xFFFF  }
0x17: {  	[tilespmem:s3], [sflag:$0x3] =	stream.linear.gather [hbm4b:s7+s3], $0x1400, $0x38;
	[tilespmem:$0x1E400] =	vst v63  }
0x18: {  	_ =	swait.ge [sflag:s14], $0x1400  }
0x19: {  	[sflag:s14] =	ssyncset.done $0x0  }
0x1a: {  	[sflag:s14] =	ssyncadd.s32 $0xFFFFEC00  }
0x1b: {  	[tilespmem:s15], [sflag:$0x3] =	stream.linear.gather [hbm4b:s8+s3], $0x1400, $0x38;
	[tilespmem:$0x1E400] =	vst v63  }
0x1c: {  	_ =	swait.ge [sflag:s14], $0x1400  }
0x1d: {  	[sflag:s14] =	ssyncset.done $0x0  }
0x1e: {  	[sflag:s14] =	ssyncadd.s32 $0xFFFFEC00  }
0x1f: {  	[tilespmem:s17], [sflag:$0x1] =	stream.indirect.gather [hbm4b:s4+s16], $0x80, s3, s16, $0xb8;
	[tilespmem:$0x1E400] =	vst v63  }
0x20: {  	s25 =	simm.s32 $0x80  }
0x21: {  	[tilespmem:s18], [sflag:$0x2] =	stream.indirect.gather [hbm4b:s4+s16], $0x80, s25, s16, $0xb8;
	[tilespmem:$0x1E400] =	vst v63  }
0x22: {  	_ =	swait.ge [sflag:s19], $0x4000  }
0x23: {  	[sflag:s19] =	ssyncset.done $0x0  }
0x24: {  	s29 =	simm.s32 $0x1400;
	[sflag:s19] =	ssyncadd.s32 $0xFFFFC000  }
0x25: {  	[spmem:s2] =	stream.indirect.scatter.add.f32 [tilespmem:s17], [sflag:$0x3], $0x80, s29, s16, $0xb8;
	[tilespmem:$0x1E400] =	vst v63  }
0x26: {  	_ =	swait.ge [sflag:s14], $0x4000  }
0x27: {  	[sflag:s14] =	ssyncset.done $0x0  }
0x28: {  	s30 =	simm.s32 $0x100;
	[sflag:s14] =	ssyncadd.s32 $0xFFFFC000  }
0x29: {  	[tilespmem:s17], [sflag:$0x1] =	stream.indirect.gather [hbm4b:s4+s16], $0x80, s30, s16, $0xb8;
	[tilespmem:$0x1E400] =	vst v63  }
0x2a: {  	_ =	swait.ge [sflag:s20], $0x4000  }
0x2b: {  	[sflag:s20] =	ssyncset.done $0x0  }
0x2c: {  	s31 =	simm.s32 $0x1480;
	[sflag:s20] =	ssyncadd.s32 $0xFFFFC000  }
0x2d: {  	[spmem:s2] =	stream.indirect.scatter.add.f32 [tilespmem:s18], [sflag:$0x3], $0x80, s31, s16, $0xb8;
	[tilespmem:$0x1E400] =	vst v63  }
0x2e: {  	_ =	swait.ge [sflag:s14], $0x4000  }
0x2f: {  	s26 =	simm.s32 $0x800;
	s25 =	simm.s32 $0x100;
	[sflag:s14] =	ssyncset.done $0x0  }
.LBB2_2:
0x30: {  	s28 =	sadd.s32 $0x80, s25  }
0x31: {  	[sflag:s14] =	ssyncadd.s32 $0xFFFFC000;
	s29 =	smov.u32 s26;
	s30 =	sadd.s32 $0x400, s26  }
0x32: {  	[tilespmem:s18], [sflag:$0x2] =	stream.indirect.gather [hbm4b:s4+s16], $0x80, s28, s16, $0xb8;
	[tilespmem:$0x1E400] =	vst v63  }
0x33: {  	p0 =	sne.s32 s26, $0x4800;
	_ =	swait.ge [sflag:s19], $0x4000  }
0x34: {  	[sflag:s19] =	ssyncset.done $0x0  }
0x35: {  	s26 =	sadd.s32 $0x1400, s25;
	[sflag:s19] =	ssyncadd.s32 $0xFFFFC000  }
0x36: {  	[spmem:s2] =	stream.indirect.scatter.add.f32 [tilespmem:s17], [sflag:$0x3], $0x80, s26, s16, $0xb8;
	[tilespmem:$0x1E400] =	vst v63  }
0x37: {  	_ =	swait.ge [sflag:s14], $0x4000  }
0x38: {  	[sflag:s14] =	ssyncset.done $0x0  }
0x39: {  	s26 =	sadd.s32 $0x100, s25;
	[sflag:s14] =	ssyncadd.s32 $0xFFFFC000  }
0x3a: {  	[tilespmem:s17], [sflag:$0x1] =	stream.indirect.gather [hbm4b:s4+s16], $0x80, s26, s16, $0xb8;
	[tilespmem:$0x1E400] =	vst v63  }
0x3b: {  	_ =	swait.ge [sflag:s20], $0x4000  }
.Ltmp0:
0x3c: {  	[sflag:s20] =	ssyncset.done $0x0;
	(pc) =	sbr.rel @p0 .LBB2_2-.Ltmp0, $4  }
0x3d: {  	s25 =	sadd.s32 $0x1480, s25;
	[sflag:s20] =	ssyncadd.s32 $0xFFFFC000  }
0x3e: {  	[spmem:s2] =	stream.indirect.scatter.add.f32 [tilespmem:s18], [sflag:$0x3], $0x80, s25, s16, $0xb8;
	[tilespmem:$0x1E400] =	vst v63  }
0x3f: {  	_ =	swait.ge [sflag:s14], $0x4000  }
0x40: {  	s26 =	smov.u32 s30;
	s25 =	sshra.s32 s29, $0x2;
	[sflag:s14] =	ssyncset.done $0x0  }
0x41: {  	s26 =	sadd.s32 $0x80, s25;
	[sflag:s14] =	ssyncadd.s32 $0xFFFFC000  }
0x42: {  	[tilespmem:s18], [sflag:$0x2] =	stream.indirect.gather [hbm4b:s4+s16], $0x80, s26, s16, $0xb8;
	[tilespmem:$0x1E400] =	vst v63  }
0x43: {  	_ =	swait.ge [sflag:s19], $0x4000  }
0x44: {  	[sflag:s19] =	ssyncset.done $0x0  }
0x45: {  	s29 =	sadd.s32 $0x1400, s25;
	[sflag:s19] =	ssyncadd.s32 $0xFFFFC000  }
0x46: {  	[spmem:s2] =	stream.indirect.scatter.add.f32 [tilespmem:s17], [sflag:$0x3], $0x80, s29, s16, $0xb8;
	[tilespmem:$0x1E400] =	vst v63  }
0x47: {  	_ =	swait.ge [sflag:s14], $0x4000  }
0x48: {  	[sflag:s14] =	ssyncset.done $0x0  }
0x49: {  	s30 =	sadd.s32 $0x100, s25;
	[sflag:s14] =	ssyncadd.s32 $0xFFFFC000  }
0x4a: {  	[tilespmem:s17], [sflag:$0x1] =	stream.indirect.gather [hbm4b:s4+s16], $0x80, s30, s16, $0xb8;
	[tilespmem:$0x1E400] =	vst v63  }
0x4b: {  	_ =	swait.ge [sflag:s20], $0x4000  }
0x4c: {  	[sflag:s20] =	ssyncset.done $0x0  }
0x4d: {  	s31 =	sadd.s32 $0x1480, s25;
	[sflag:s20] =	ssyncadd.s32 $0xFFFFC000  }
0x4e: {  	[spmem:s2] =	stream.indirect.scatter.add.f32 [tilespmem:s18], [sflag:$0x3], $0x80, s31, s16, $0xb8;
	[tilespmem:$0x1E400] =	vst v63  }
0x4f: {  	_ =	swait.ge [sflag:s14], $0x4000  }
0x50: {  	[sflag:s14] =	ssyncset.done $0x0  }
0x51: {  	[sflag:s14] =	ssyncadd.s32 $0xFFFFC000  }
0x52: {  	[tilespmem:s18], [sflag:$0x2] =	stream.indirect.gather [hbm4b:s4+s16], $0x80, s21, s16, $0xb8;
	[tilespmem:$0x1E400] =	vst v63  }
0x53: {  	_ =	swait.ge [sflag:s19], $0x4000  }
0x54: {  	[sflag:s19] =	ssyncset.done $0x0  }
0x55: {  	[sflag:s19] =	ssyncadd.s32 $0xFFFFC000  }
0x56: {  	[spmem:s2] =	stream.indirect.scatter.add.f32 [tilespmem:s17], [sflag:$0x3], $0x80, s22, s16, $0xb8;
	[tilespmem:$0x1E400] =	vst v63  }
0x57: {  	_ =	swait.ge [sflag:s14], $0x4000  }
0x58: {  	[sflag:s14] =	ssyncset.done $0x0  }
0x59: {  	[sflag:s14] =	ssyncadd.s32 $0xFFFFC000  }
0x5a: {  	[tilespmem:s17], [sflag:$0x1] =	stream.indirect.gather [hbm4b:s4+s16], $0x80, s21, s16, $0xb8;
	[tilespmem:$0x1E400] =	vst v63  }
0x5b: {  	_ =	swait.ge [sflag:s20], $0x4000  }
0x5c: {  	[sflag:s20] =	ssyncset.done $0x0  }
0x5d: {  	[sflag:s20] =	ssyncadd.s32 $0xFFFFC000  }
0x5e: {  	[spmem:s2] =	stream.indirect.scatter.add.f32 [tilespmem:s18], [sflag:$0x3], $0x80, s23, s16, $0xb8;
	[tilespmem:$0x1E400] =	vst v63  }
0x5f: {  	_ =	swait.ge [sflag:s14], $0x4000  }
0x60: {  	[sflag:s14] =	ssyncset.done $0x0  }
0x61: {  	[sflag:s14] =	ssyncadd.s32 $0xFFFFC000  }
0x62: {  	_ =	swait.ge [sflag:s19], $0x4000  }
0x63: {  	[sflag:s19] =	ssyncset.done $0x0  }
0x64: {  	s26 =	simm.s32 $0x0;
	[sflag:s19] =	ssyncadd.s32 $0xFFFFC000  }
0x65: {  	[tilespmem:s26], [sflag:$0x3] =	stream.linear.gather [hbm4b:s9+s26], $0x1400, $0x38;
	[tilespmem:$0x1E400] =	vst v63  }
0x66: {  	_ =	swait.ge [sflag:s14], $0x1400  }
0x67: {  	[sflag:s14] =	ssyncset.done $0x0  }
0x68: {  	[sflag:s14] =	ssyncadd.s32 $0xFFFFEC00  }
0x69: {  	[tilespmem:s15], [sflag:$0x3] =	stream.linear.gather [hbm4b:s10+s26], $0x1400, $0x38;
	[tilespmem:$0x1E400] =	vst v63  }
0x6a: {  	_ =	swait.ge [sflag:s14], $0x1400  }
0x6b: {  	[sflag:s14] =	ssyncset.done $0x0  }
0x6c: {  	[sflag:s14] =	ssyncadd.s32 $0xFFFFEC00  }
0x6d: {  	[tilespmem:s17], [sflag:$0x1] =	stream.indirect.gather [hbm4b:s4+s16], $0x80, s26, s16, $0xb8;
	[tilespmem:$0x1E400] =	vst v63  }
0x6e: {  	s28 =	simm.s32 $0x80  }
0x6f: {  	[tilespmem:s18], [sflag:$0x2] =	stream.indirect.gather [hbm4b:s4+s16], $0x80, s28, s16, $0xb8;
	[tilespmem:$0x1E400] =	vst v63  }
0x70: {  	_ =	swait.ge [sflag:s19], $0x4000  }
0x71: {  	[sflag:s19] =	ssyncset.done $0x0  }
0x72: {  	s29 =	simm.s32 $0x1400;
	[sflag:s19] =	ssyncadd.s32 $0xFFFFC000  }
0x73: {  	[spmem:s2] =	stream.indirect.scatter.add.f32 [tilespmem:s17], [sflag:$0x3], $0x80, s29, s16, $0xb8;
	[tilespmem:$0x1E400] =	vst v63  }
0x74: {  	_ =	swait.ge [sflag:s14], $0x4000  }
0x75: {  	[sflag:s14] =	ssyncset.done $0x0  }
0x76: {  	s30 =	simm.s32 $0x100;
	[sflag:s14] =	ssyncadd.s32 $0xFFFFC000  }
0x77: {  	[tilespmem:s17], [sflag:$0x1] =	stream.indirect.gather [hbm4b:s4+s16], $0x80, s30, s16, $0xb8;
	[tilespmem:$0x1E400] =	vst v63  }
0x78: {  	_ =	swait.ge [sflag:s20], $0x4000  }
0x79: {  	[sflag:s20] =	ssyncset.done $0x0  }
0x7a: {  	s31 =	simm.s32 $0x1480;
	[sflag:s20] =	ssyncadd.s32 $0xFFFFC000  }
0x7b: {  	[spmem:s2] =	stream.indirect.scatter.add.f32 [tilespmem:s18], [sflag:$0x3], $0x80, s31, s16, $0xb8;
	[tilespmem:$0x1E400] =	vst v63  }
0x7c: {  	_ =	swait.ge [sflag:s14], $0x4000  }
0x7d: {  	s25 =	simm.s32 $0x100;
	s26 =	simm.s32 $0x800;
	[sflag:s14] =	ssyncset.done $0x0  }
.LBB2_4:
0x7e: {  	s28 =	sadd.s32 $0x80, s25  }
0x7f: {  	[sflag:s14] =	ssyncadd.s32 $0xFFFFC000;
	s29 =	smov.u32 s26;
	s30 =	sadd.s32 $0x400, s26  }
0x80: {  	[tilespmem:s18], [sflag:$0x2] =	stream.indirect.gather [hbm4b:s4+s16], $0x80, s28, s16, $0xb8;
	[tilespmem:$0x1E400] =	vst v63  }
0x81: {  	p0 =	sne.s32 s26, $0x4800;
	_ =	swait.ge [sflag:s19], $0x4000  }
0x82: {  	[sflag:s19] =	ssyncset.done $0x0  }
0x83: {  	s26 =	sadd.s32 $0x1400, s25;
	[sflag:s19] =	ssyncadd.s32 $0xFFFFC000  }
0x84: {  	[spmem:s2] =	stream.indirect.scatter.add.f32 [tilespmem:s17], [sflag:$0x3], $0x80, s26, s16, $0xb8;
	[tilespmem:$0x1E400] =	vst v63  }
0x85: {  	_ =	swait.ge [sflag:s14], $0x4000  }
0x86: {  	[sflag:s14] =	ssyncset.done $0x0  }
0x87: {  	s26 =	sadd.s32 $0x100, s25;
	[sflag:s14] =	ssyncadd.s32 $0xFFFFC000  }
0x88: {  	[tilespmem:s17], [sflag:$0x1] =	stream.indirect.gather [hbm4b:s4+s16], $0x80, s26, s16, $0xb8;
	[tilespmem:$0x1E400] =	vst v63  }
0x89: {  	_ =	swait.ge [sflag:s20], $0x4000  }
.Ltmp1:
0x8a: {  	[sflag:s20] =	ssyncset.done $0x0;
	(pc) =	sbr.rel @p0 .LBB2_4-.Ltmp1, $4  }
0x8b: {  	s25 =	sadd.s32 $0x1480, s25;
	[sflag:s20] =	ssyncadd.s32 $0xFFFFC000  }
0x8c: {  	[spmem:s2] =	stream.indirect.scatter.add.f32 [tilespmem:s18], [sflag:$0x3], $0x80, s25, s16, $0xb8;
	[tilespmem:$0x1E400] =	vst v63  }
0x8d: {  	_ =	swait.ge [sflag:s14], $0x4000  }
0x8e: {  	s26 =	smov.u32 s30;
	s25 =	sshra.s32 s29, $0x2;
	[sflag:s14] =	ssyncset.done $0x0  }
0x8f: {  	s26 =	sadd.s32 $0x80, s25;
	[sflag:s14] =	ssyncadd.s32 $0xFFFFC000  }
0x90: {  	[tilespmem:s18], [sflag:$0x2] =	stream.indirect.gather [hbm4b:s4+s16], $0x80, s26, s16, $0xb8;
	[tilespmem:$0x1E400] =	vst v63  }
0x91: {  	_ =	swait.ge [sflag:s19], $0x4000  }
0x92: {  	[sflag:s19] =	ssyncset.done $0x0  }
0x93: {  	s29 =	sadd.s32 $0x1400, s25;
	[sflag:s19] =	ssyncadd.s32 $0xFFFFC000  }
0x94: {  	[spmem:s2] =	stream.indirect.scatter.add.f32 [tilespmem:s17], [sflag:$0x3], $0x80, s29, s16, $0xb8;
	[tilespmem:$0x1E400] =	vst v63  }
0x95: {  	_ =	swait.ge [sflag:s14], $0x4000  }
0x96: {  	[sflag:s14] =	ssyncset.done $0x0  }
0x97: {  	s30 =	sadd.s32 $0x100, s25;
	[sflag:s14] =	ssyncadd.s32 $0xFFFFC000  }
0x98: {  	[tilespmem:s17], [sflag:$0x1] =	stream.indirect.gather [hbm4b:s4+s16], $0x80, s30, s16, $0xb8;
	[tilespmem:$0x1E400] =	vst v63  }
0x99: {  	_ =	swait.ge [sflag:s20], $0x4000  }
0x9a: {  	[sflag:s20] =	ssyncset.done $0x0  }
0x9b: {  	s31 =	sadd.s32 $0x1480, s25;
	[sflag:s20] =	ssyncadd.s32 $0xFFFFC000  }
0x9c: {  	[spmem:s2] =	stream.indirect.scatter.add.f32 [tilespmem:s18], [sflag:$0x3], $0x80, s31, s16, $0xb8;
	[tilespmem:$0x1E400] =	vst v63  }
0x9d: {  	_ =	swait.ge [sflag:s14], $0x4000  }
0x9e: {  	[sflag:s14] =	ssyncset.done $0x0  }
0x9f: {  	[sflag:s14] =	ssyncadd.s32 $0xFFFFC000  }
0xa0: {  	[tilespmem:s18], [sflag:$0x2] =	stream.indirect.gather [hbm4b:s4+s16], $0x80, s21, s16, $0xb8;
	[tilespmem:$0x1E400] =	vst v63  }
0xa1: {  	_ =	swait.ge [sflag:s19], $0x4000  }
0xa2: {  	[sflag:s19] =	ssyncset.done $0x0  }
0xa3: {  	[sflag:s19] =	ssyncadd.s32 $0xFFFFC000  }
0xa4: {  	[spmem:s2] =	stream.indirect.scatter.add.f32 [tilespmem:s17], [sflag:$0x3], $0x80, s22, s16, $0xb8;
	[tilespmem:$0x1E400] =	vst v63  }
0xa5: {  	_ =	swait.ge [sflag:s14], $0x4000  }
0xa6: {  	[sflag:s14] =	ssyncset.done $0x0  }
0xa7: {  	[sflag:s14] =	ssyncadd.s32 $0xFFFFC000  }
0xa8: {  	[tilespmem:s17], [sflag:$0x1] =	stream.indirect.gather [hbm4b:s4+s16], $0x80, s21, s16, $0xb8;
	[tilespmem:$0x1E400] =	vst v63  }
0xa9: {  	_ =	swait.ge [sflag:s20], $0x4000  }
0xaa: {  	[sflag:s20] =	ssyncset.done $0x0  }
0xab: {  	[sflag:s20] =	ssyncadd.s32 $0xFFFFC000  }
0xac: {  	[spmem:s2] =	stream.indirect.scatter.add.f32 [tilespmem:s18], [sflag:$0x3], $0x80, s23, s16, $0xb8;
	[tilespmem:$0x1E400] =	vst v63  }
0xad: {  	_ =	swait.ge [sflag:s14], $0x4000  }
0xae: {  	[sflag:s14] =	ssyncset.done $0x0  }
0xaf: {  	[sflag:s14] =	ssyncadd.s32 $0xFFFFC000  }
0xb0: {  	_ =	swait.ge [sflag:s19], $0x4000  }
0xb1: {  	s24 =	sadd.s32 $0x1, s24;
	[sflag:s19] =	ssyncset.done $0x0  }
0xb2: {  	p0 =	sne.s32 s24, s12;
	[sflag:s19] =	ssyncadd.s32 $0xFFFFC000  }
.Ltmp2:
0xb3: {  	[bflag:$0x0] =	sbarrier.arrive $0xFFFF;
	(pc) =	sbr.rel @p0 .LBB2_1-.Ltmp2, $4  }
0xb4: {  	[hbm:s11], [sflag:s6] =	dma.local [spmem:s13], $0x2780  }
0xb5: {  	_ =	swait.ge [sflag:s14], $0x2780  }
0xb6: {  	[sflag:s14] =	ssyncset.done $0x0  }
0xb7: {  	[sflag:s14] =	ssyncadd.s32 $0xFFFFD880  }
0xb8: {  	_ =	sfence.sel $0x180000  }
0xb9: {  	[bflag:$0x0] =	sbarrier.arrive $0xFFFF  }
0xba: {  	p0 =	sne.s32 s0, $0x0;
	_ =	strace $0x90000050  }
0xbb: {  	s0 =	sadd.s32 @!p0 $0x100000, s1;
	[bflag:$0x2] =	sbarrier.arrive $0xFFFF  }
0xbc: {  	[sflag:s0] =	ssyncadd.tile.s32 @!p0 $0x1;
	_ =	shalt  }
.Lfunc_end2:
_tile_overlayer_lowered:
.L_overlay_start_2:
0xbd: {  	(tag) =	ssettag $0x2  }
0xbe: {  	s0 =	rddreg [dreg:$0x0];
	s2 =	stileid.u32  }
0xbf: {  	s1 =	rddreg [dreg:$0x1];
	p0 =	sne.s32 s2, $0x0  }
0xc0: {  	s3 =	rddreg [dreg:$0x2];
	[bflag:$0x3] =	sbarrier.arrive $0xFFFF;
	s2 =	simm.s32 @!p0 $0x1C03  }
0xc1: {  	[timem:s3], [sflag:s2] =	dma.local @!p0 [hbm:s0], s1  }
0xc2: {  	s0 =	simm.s32 @!p0 $0x3  }
0xc3: {  	_ =	swait.ge @!p0 [sflag:s0], s1  }
0xc4: {  	s1 =	ssub.s32 @!p0 $0x0, s1;
	[sflag:s0] =	ssyncset.done @!p0 $0x0  }
0xc5: {  	[sflag:s0] =	ssyncadd.s32 @!p0 s1  }
0xc6: {  	[bflag:$0x3] =	sbarrier.arrive $0xFFFF  }
0xc7: {  	_ =	shalt  }

</sc_bundles>
